<compile_context>
chip_gen: v7x
topology: tpu7x:2x2x1
jax: 0.10.2.dev20260603
libtpu: 0.0.44.dev20260713+nightly
codegen_flags: <defaults>
</compile_context>

<pallas_src>
import functools

import jax
import jax.numpy as jnp
from jax import lax
from jax.experimental import pallas as pl
from jax.experimental.pallas import tpu as pltpu
from jax.experimental.pallas import tpu_sc as plsc

N = 10000
E = 320000
D = 128
NC = 2
NS = 16
NW = NC * NS
CK = 128
EP = 327680
PAD = EP - E
EPW = EP // NW
NCHUNK = EPW // CK
HCHUNK = NCHUNK // 2
NP = 10240
SLICE1 = NP // NS
ROWS_PT = NP // NS
ZROWS = 128
BR = 5000

_MESH = plsc.VectorSubcoreMesh(core_axis_name="c", subcore_axis_name="s")


@functools.partial(
    pl.kernel,
    out_type=jax.ShapeDtypeStruct((NC, NP), jnp.float32),
    mesh=_MESH,
    compiler_params=pltpu.CompilerParams(needs_layout_passes=False),
    scratch_types=[
        pltpu.VMEM((NCHUNK, CK), jnp.int32),
        pltpu.VMEM((CK,), jnp.float32),
        pltpu.VMEM((SLICE1,), jnp.float32),
        pltpu.VMEM_SHARED((NP,), jnp.float32),
        pltpu.SemaphoreType.DMA,
    ],
)
def _sc_deg(col3_hbm, deg_hbm, col_v, ones_v, zb_v, acc_sh, dsem):
    cid = lax.axis_index("c")
    sid = lax.axis_index("s")
    wid = cid * NS + sid
    for j in range(SLICE1 // 16):
        zb_v[pl.ds(j * 16, 16)] = jnp.zeros((16,), jnp.float32)
    for j in range(CK // 16):
        ones_v[pl.ds(j * 16, 16)] = jnp.ones((16,), jnp.float32)
    off = pl.multiple_of(sid * SLICE1, 8)
    pltpu.sync_copy(zb_v, acc_sh.at[pl.ds(off, SLICE1)])
    plsc.subcore_barrier()
    pltpu.sync_copy(col3_hbm.at[wid], col_v)

    def adesc(i):
        return pltpu.make_async_copy(ones_v, acc_sh.at[col_v.at[i]], dsem)

    def body(i, carry):
        a = i * 4
        for k in range(4):
            adesc(a + k).start(add=True)
        for k in range(4):
            adesc(a + k).wait()
        return carry

    lax.fori_loop(0, NCHUNK // 4, body, 0)
    plsc.subcore_barrier()
    pltpu.sync_copy(acc_sh.at[pl.ds(off, SLICE1)],
                    deg_hbm.at[cid, pl.ds(off, SLICE1)])


@functools.partial(
    pl.kernel,
    out_type=jax.ShapeDtypeStruct((NC, NP, D), jnp.float32),
    mesh=_MESH,
    compiler_params=pltpu.CompilerParams(needs_layout_passes=False),
    scratch_types=[
        pltpu.VMEM((HCHUNK, CK), jnp.int32),
        pltpu.VMEM((HCHUNK, CK), jnp.int32),
        pltpu.VMEM((CK, D), jnp.float32),
        pltpu.VMEM((CK, D), jnp.float32),
        pltpu.VMEM_SHARED((NP, D), jnp.float32),
        pltpu.SemaphoreType.DMA,
        pltpu.SemaphoreType.DMA,
    ],
)
def _sc_agg1(g_hbm, row3_hbm, col3_hbm, agg_hbm,
             row_v, col_v, rbuf0, rbuf1, acc_sh, gsem, ssem):
    cid = lax.axis_index("c")
    sid = lax.axis_index("s")
    wid = cid * NS + sid

    def zbody(r, carry):
        for c in range(D // 16):
            rbuf0[r, pl.ds(c * 16, 16)] = jnp.zeros((16,), jnp.float32)
        return carry

    lax.fori_loop(0, CK, zbody, 0)
    base = pl.multiple_of(sid * ROWS_PT, 8)
    for j in range(ROWS_PT // CK):
        pltpu.sync_copy(rbuf0, acc_sh.at[pl.ds(base + j * CK, CK)])
    plsc.subcore_barrier()

    def gdesc(i, buf):
        return pltpu.make_async_copy(g_hbm.at[row_v.at[i]], buf, gsem)

    def sdesc(i, buf):
        return pltpu.make_async_copy(buf, acc_sh.at[col_v.at[i]], ssem)

    for half in range(2):
        pltpu.sync_copy(row3_hbm.at[wid, pl.ds(half * HCHUNK, HCHUNK)], row_v)
        pltpu.sync_copy(col3_hbm.at[wid, pl.ds(half * HCHUNK, HCHUNK)], col_v)
        gdesc(0, rbuf0).start()
        gdesc(1, rbuf1).start()

        def body(i, carry):
            a = i * 2
            gdesc(a, rbuf0).wait()
            sdesc(a, rbuf0).start(add=True)
            gdesc(a + 1, rbuf1).wait()
            sdesc(a, rbuf0).wait()

            @pl.when(a + 2 < HCHUNK)
            def _():
                gdesc(a + 2, rbuf0).start()

            sdesc(a + 1, rbuf1).start(add=True)
            sdesc(a + 1, rbuf1).wait()

            @pl.when(a + 3 < HCHUNK)
            def _():
                gdesc(a + 3, rbuf1).start()

            return carry

        lax.fori_loop(0, HCHUNK // 2, body, 0)
    plsc.subcore_barrier()
    pltpu.sync_copy(acc_sh.at[pl.ds(base, ROWS_PT)],
                    agg_hbm.at[cid, pl.ds(base, ROWS_PT)])


@functools.partial(
    pl.kernel,
    out_type=jax.ShapeDtypeStruct((NC, NP), jnp.float32),
    mesh=_MESH,
    compiler_params=pltpu.CompilerParams(needs_layout_passes=False),
    scratch_types=[
        pltpu.VMEM((NCHUNK, CK), jnp.int32),
        pltpu.VMEM((NCHUNK, CK), jnp.int32),
        pltpu.VMEM((N,), jnp.float32),
        pltpu.VMEM((16,), jnp.float32),
        pltpu.VMEM((CK,), jnp.float32),
        pltpu.VMEM((CK,), jnp.float32),
        pltpu.VMEM((SLICE1,), jnp.float32),
        pltpu.VMEM((2 * SLICE1,), jnp.float32),
        pltpu.VMEM_SHARED((NP,), jnp.float32),
        pltpu.SemaphoreType.DMA,
    ],
)
def _sc_agg2(q_hbm, row3_hbm, col3_hbm, dis_hbm, b2_hbm, out_hbm,
             row_v, col_v, q_v, b2_v, vals0, vals1, zb_v, dq_v, acc_sh, asem):
    cid = lax.axis_index("c")
    sid = lax.axis_index("s")
    wid = cid * NS + sid
    for j in range(SLICE1 // 16):
        zb_v[pl.ds(j * 16, 16)] = jnp.zeros((16,), jnp.float32)
    off = pl.multiple_of(sid * SLICE1, 8)
    pltpu.sync_copy(zb_v, acc_sh.at[pl.ds(off, SLICE1)])
    plsc.subcore_barrier()
    pltpu.sync_copy(q_hbm.at[pl.ds(0, N)], q_v)
    pltpu.sync_copy(row3_hbm.at[wid], row_v)
    pltpu.sync_copy(col3_hbm.at[wid], col_v)
    pltpu.sync_copy(b2_hbm, b2_v)

    def fill(i, buf):
        for j in range(CK // 16):
            idx16 = row_v[i, pl.ds(j * 16, 16)]
            buf[pl.ds(j * 16, 16)] = plsc.load_gather(q_v, [idx16])

    def adesc(i, buf):
        return pltpu.make_async_copy(buf, acc_sh.at[col_v.at[i]], asem)

    def body(i, carry):
        a = i * 2
        fill(a, vals0)
        adesc(a, vals0).start(add=True)
        fill(a + 1, vals1)
        adesc(a + 1, vals1).start(add=True)
        adesc(a, vals0).wait()
        adesc(a + 1, vals1).wait()
        return carry

    lax.fori_loop(0, NCHUNK // 2, body, 0)
    plsc.subcore_barrier()
    pltpu.sync_copy(dis_hbm.at[pl.ds(off, SLICE1)], dq_v.at[pl.ds(0, SLICE1)])
    pltpu.sync_copy(q_hbm.at[pl.ds(off, SLICE1)], dq_v.at[pl.ds(SLICE1, SLICE1)])
    pltpu.sync_copy(acc_sh.at[pl.ds(off, SLICE1)], zb_v)
    for j in range(SLICE1 // 16):
        d16 = dq_v[pl.ds(j * 16, 16)]
        q16 = dq_v[pl.ds(SLICE1 + j * 16, 16)]
        a16 = zb_v[pl.ds(j * 16, 16)]
        zb_v[pl.ds(j * 16, 16)] = d16 * (a16 + 0.5 * q16) + 0.5 * b2_v[...]
    pltpu.sync_copy(zb_v, out_hbm.at[cid, pl.ds(off, SLICE1)])


def _tc_a_body(x_ref, w1_ref, d0_ref, d1_ref, g_ref, dis_ref):
    deg = d0_ref[...] + d1_ref[...] + 1.0
    dis = lax.rsqrt(deg)
    h = jnp.dot(x_ref[...], w1_ref[...], preferred_element_type=jnp.float32)
    g_ref[...] = h * dis
    dis_ref[...] = dis


_tc_a = pl.pallas_call(
    _tc_a_body,
    grid=(N // BR,),
    in_specs=[
        pl.BlockSpec((BR, D), lambda i: (i, 0)),
        pl.BlockSpec((D, D), lambda i: (0, 0)),
        pl.BlockSpec((BR, 1), lambda i: (i, 0)),
        pl.BlockSpec((BR, 1), lambda i: (i, 0)),
    ],
    out_specs=[
        pl.BlockSpec((BR, D), lambda i: (i, 0)),
        pl.BlockSpec((BR, 1), lambda i: (i, 0)),
    ],
    out_shape=[
        jax.ShapeDtypeStruct((N, D), jnp.float32),
        jax.ShapeDtypeStruct((N, 1), jnp.float32),
    ],
)


def _tc_b_body(ap_ref, g_ref, dis_ref, b1_ref, w2_ref, q_ref):
    s = ap_ref[0] + ap_ref[1] + g_ref[...]
    out1 = dis_ref[...] * s + b1_ref[...]
    h1 = jnp.maximum(out1, 0.0)
    p = jnp.dot(h1, w2_ref[...], preferred_element_type=jnp.float32)
    q_ref[...] = dis_ref[...] * p


_tc_b = pl.pallas_call(
    _tc_b_body,
    grid=(N // BR,),
    in_specs=[
        pl.BlockSpec((NC, BR, D), lambda i: (0, i, 0)),
        pl.BlockSpec((BR, D), lambda i: (i, 0)),
        pl.BlockSpec((BR, 1), lambda i: (i, 0)),
        pl.BlockSpec((1, D), lambda i: (0, 0)),
        pl.BlockSpec((D, 1), lambda i: (0, 0)),
    ],
    out_specs=pl.BlockSpec((BR, 1), lambda i: (i, 0)),
    out_shape=jax.ShapeDtypeStruct((N, 1), jnp.float32),
)


def kernel(x, edge_index, W1, b1, W2, b2):
    pad_row = jnp.arange(PAD, dtype=jnp.int32) % N
    pad_col = N + jnp.arange(PAD, dtype=jnp.int32) % (NP - N)
    row3 = jnp.concatenate([edge_index[0], pad_row]).reshape(NW, NCHUNK, CK)
    col3 = jnp.concatenate([edge_index[1], pad_col]).reshape(NW, NCHUNK, CK)
    degp = _sc_deg(col3)
    d0 = degp[0, :N, None]
    d1 = degp[1, :N, None]
    g, dis = _tc_a(x, W1, d0, d1)
    aggp = _sc_agg1(g, row3, col3)
    q = _tc_b(aggp, g, dis, b1.reshape(1, D), W2)
    qp = jnp.pad(q.reshape(N), (0, NP - N))
    disp = jnp.pad(dis.reshape(N), (0, NP - N))
    b2v = jnp.broadcast_to(b2, (16,))
    outp = _sc_agg2(qp, row3, col3, disp, b2v)
    return (outp[0, :N] + outp[1, :N])[:, None]

# --- scband reference (transcript-rebuilt; emitter-appended) ---
"""Pipeline reference for scband-discriminator-18056042512603 (READ-ONLY COPY).

The authoritative reference and input builder live on the scoring server;
editing this copy changes nothing except your own understanding.
"""

import jax, jax.numpy as jnp
import numpy as np

N_NODES = 10000
N_EDGES = 320000
D_IN = 128
D_HID = 128


def gcn_conv(x, edge_index, W, b):
    # Faithful PyG GCNConv: add self-loops, symmetric normalization, linear, scatter-add, bias
    n = x.shape[0]
    loop = jnp.arange(n, dtype=edge_index.dtype)
    ei = jnp.concatenate([edge_index, jnp.stack([loop, loop], axis=0)], axis=1)
    row, col = ei[0], ei[1]
    ones = jnp.ones(ei.shape[1], dtype=x.dtype)
    deg = jax.ops.segment_sum(ones, col, num_segments=n)
    deg_inv_sqrt = jnp.where(deg > 0, 1.0 / jnp.sqrt(deg), 0.0)
    norm = deg_inv_sqrt[row] * deg_inv_sqrt[col]
    h = x @ W
    msg = h[row] * norm[:, None]
    out = jax.ops.segment_sum(msg, col, num_segments=n)
    return out + b


def setup_inputs(seed: int = 0) -> dict:
    key = jax.random.key(seed)
    k1, k2, k3, k4, k5, k6 = jax.random.split(key, 6)
    x = jax.random.normal(k1, (N_NODES, D_IN), dtype=jnp.float32)
    edge_index = jax.random.randint(k2, (2, N_EDGES), 0, N_NODES, dtype=jnp.int32)
    # Glorot-style init for GCN weights
    W1 = jax.random.normal(k3, (D_IN, D_HID), dtype=jnp.float32) * (1.0 / np.sqrt(D_IN))
    b1 = jnp.zeros((D_HID,), dtype=jnp.float32)
    W2 = jax.random.normal(k4, (D_HID, 1), dtype=jnp.float32) * (1.0 / np.sqrt(D_HID))
    b2 = jnp.zeros((1,), dtype=jnp.float32)
    return {"x": x, "edge_index": edge_index, "W1": W1, "b1": b1, "W2": W2, "b2": b2}


def reference(x, edge_index, W1, b1, W2, b2):
    h = gcn_conv(x, edge_index, W1, b1)
    h = jax.nn.relu(h)
    out = gcn_conv(h, edge_index, W2, b2)
    return out

if __name__ == "__main__":
    import jax
    _d = setup_inputs()
    print(jax.jit(kernel)(*tuple(_d.values())))

</pallas_src>

<mosaic_0001>
#map = affine_map<(d0, d1) -> (0, 0, 0)>
#map1 = affine_map<(d0, d1) -> (0, 0)>
module attributes {stable_mosaic.version = 14 : i64} {
  func.func @_sc_deg(%arg0: i32, %arg1: i32, %arg2: memref<32x80x128xi32, #tpu.memory_space<hbm>>, %arg3: memref<2x10240xf32, #tpu.memory_space<hbm>>, %arg4: memref<80x128xi32, #tpu.memory_space<vmem>>, %arg5: memref<128xf32, #tpu.memory_space<vmem>>, %arg6: memref<640xf32, #tpu.memory_space<vmem>>, %arg7: memref<10240xf32, #tpu.memory_space<vmem_shared>>, %arg8: memref<!tpu.dma_semaphore, #tpu.memory_space<semaphore_mem>>) attributes {dimension_semantics = [#tpu.dimension_semantics<core_parallel>, #tpu.dimension_semantics<subcore_parallel>], iteration_bounds = array<i64: 2, 16>, scalar_prefetch = 0 : i64, scratch_operands = 5 : i64, tpu.core_type = #tpu.core_type<sc_vector_subcore>, window_params = [{transform_indices = #map}, {transform_indices = #map1}]} {
    %mul3A = arith.constant 16 : i32
    %mul3A_0 = arith.muli %arg0, %mul3A : i32
    %add3A = arith.addi %mul3A_0, %arg1 : i32
    %broadcast_in_dim3A = arith.constant 0.000000e+00 : f32
    %broadcast_in_dim3A_1 = vector.broadcast %broadcast_in_dim3A : f32 to vector<16xf32>
    %swap3A = arith.constant 0 : index
    %swap3A_2 = tpu.vector_load %arg6[%swap3A] {strides = array<i32>} : memref<640xf32, #tpu.memory_space<vmem>>, vector<16xf32>,
    tpu.vector_store %arg6[%swap3A], %broadcast_in_dim3A_1 {strides = array<i32>} : memref<640xf32, #tpu.memory_space<vmem>>, vector<16xf32>,
    %broadcast_in_dim3A_3 = arith.constant 0.000000e+00 : f32
    %broadcast_in_dim3A_4 = vector.broadcast %broadcast_in_dim3A_3 : f32 to vector<16xf32>
    %swap3A_5 = arith.constant 16 : index
    %swap3A_6 = tpu.vector_load %arg6[%swap3A_5] {strides = array<i32>} : memref<640xf32, #tpu.memory_space<vmem>>, vector<16xf32>,
    tpu.vector_store %arg6[%swap3A_5], %broadcast_in_dim3A_4 {strides = array<i32>} : memref<640xf32, #tpu.memory_space<vmem>>, vector<16xf32>,
    %broadcast_in_dim3A_7 = arith.constant 0.000000e+00 : f32
    %broadcast_in_dim3A_8 = vector.broadcast %broadcast_in_dim3A_7 : f32 to vector<16xf32>
    %swap3A_9 = arith.constant 32 : index
    %swap3A_10 = tpu.vector_load %arg6[%swap3A_9] {strides = array<i32>} : memref<640xf32, #tpu.memory_space<vmem>>, vector<16xf32>,
    tpu.vector_store %arg6[%swap3A_9], %broadcast_in_dim3A_8 {strides = array<i32>} : memref<640xf32, #tpu.memory_space<vmem>>, vector<16xf32>,
    %broadcast_in_dim3A_11 = arith.constant 0.000000e+00 : f32
    %broadcast_in_dim3A_12 = vector.broadcast %broadcast_in_dim3A_11 : f32 to vector<16xf32>
    %swap3A_13 = arith.constant 48 : index
    %swap3A_14 = tpu.vector_load %arg6[%swap3A_13] {strides = array<i32>} : memref<640xf32, #tpu.memory_space<vmem>>, vector<16xf32>,
    tpu.vector_store %arg6[%swap3A_13], %broadcast_in_dim3A_12 {strides = array<i32>} : memref<640xf32, #tpu.memory_space<vmem>>, vector<16xf32>,
    %broadcast_in_dim3A_15 = arith.constant 0.000000e+00 : f32
    %broadcast_in_dim3A_16 = vector.broadcast %broadcast_in_dim3A_15 : f32 to vector<16xf32>
    %swap3A_17 = arith.constant 64 : index
    %swap3A_18 = tpu.vector_load %arg6[%swap3A_17] {strides = array<i32>} : memref<640xf32, #tpu.memory_space<vmem>>, vector<16xf32>,
    tpu.vector_store %arg6[%swap3A_17], %broadcast_in_dim3A_16 {strides = array<i32>} : memref<640xf32, #tpu.memory_space<vmem>>, vector<16xf32>,
    %broadcast_in_dim3A_19 = arith.constant 0.000000e+00 : f32
    %broadcast_in_dim3A_20 = vector.broadcast %broadcast_in_dim3A_19 : f32 to vector<16xf32>
    %swap3A_21 = arith.constant 80 : index
    %swap3A_22 = tpu.vector_load %arg6[%swap3A_21] {strides = array<i32>} : memref<640xf32, #tpu.memory_space<vmem>>, vector<16xf32>,
    tpu.vector_store %arg6[%swap3A_21], %broadcast_in_dim3A_20 {strides = array<i32>} : memref<640xf32, #tpu.memory_space<vmem>>, vector<16xf32>,
    %broadcast_in_dim3A_23 = arith.constant 0.000000e+00 : f32
    %broadcast_in_dim3A_24 = vector.broadcast %broadcast_in_dim3A_23 : f32 to vector<16xf32>
    %swap3A_25 = arith.constant 96 : index
    %swap3A_26 = tpu.vector_load %arg6[%swap3A_25] {strides = array<i32>} : memref<640xf32, #tpu.memory_space<vmem>>, vector<16xf32>,
    tpu.vector_store %arg6[%swap3A_25], %broadcast_in_dim3A_24 {strides = array<i32>} : memref<640xf32, #tpu.memory_space<vmem>>, vector<16xf32>,
    %broadcast_in_dim3A_27 = arith.constant 0.000000e+00 : f32
    %broadcast_in_dim3A_28 = vector.broadcast %broadcast_in_dim3A_27 : f32 to vector<16xf32>
    %swap3A_29 = arith.constant 112 : index
    %swap3A_30 = tpu.vector_load %arg6[%swap3A_29] {strides = array<i32>} : memref<640xf32, #tpu.memory_space<vmem>>, vector<16xf32>,
    tpu.vector_store %arg6[%swap3A_29], %broadcast_in_dim3A_28 {strides = array<i32>} : memref<640xf32, #tpu.memory_space<vmem>>, vector<16xf32>,
    %broadcast_in_dim3A_31 = arith.constant 0.000000e+00 : f32
    %broadcast_in_dim3A_32 = vector.broadcast %broadcast_in_dim3A_31 : f32 to vector<16xf32>
    %swap3A_33 = arith.constant 128 : index
    %swap3A_34 = tpu.vector_load %arg6[%swap3A_33] {strides = array<i32>} : memref<640xf32, #tpu.memory_space<vmem>>, vector<16xf32>,
    tpu.vector_store %arg6[%swap3A_33], %broadcast_in_dim3A_32 {strides = array<i32>} : memref<640xf32, #tpu.memory_space<vmem>>, vector<16xf32>,
    %broadcast_in_dim3A_35 = arith.constant 0.000000e+00 : f32
    %broadcast_in_dim3A_36 = vector.broadcast %broadcast_in_dim3A_35 : f32 to vector<16xf32>
    %swap3A_37 = arith.constant 144 : index
    %swap3A_38 = tpu.vector_load %arg6[%swap3A_37] {strides = array<i32>} : memref<640xf32, #tpu.memory_space<vmem>>, vector<16xf32>,
    tpu.vector_store %arg6[%swap3A_37], %broadcast_in_dim3A_36 {strides = array<i32>} : memref<640xf32, #tpu.memory_space<vmem>>, vector<16xf32>,
    %broadcast_in_dim3A_39 = arith.constant 0.000000e+00 : f32
    %broadcast_in_dim3A_40 = vector.broadcast %broadcast_in_dim3A_39 : f32 to vector<16xf32>
    %swap3A_41 = arith.constant 160 : index
    %swap3A_42 = tpu.vector_load %arg6[%swap3A_41] {strides = array<i32>} : memref<640xf32, #tpu.memory_space<vmem>>, vector<16xf32>,
    tpu.vector_store %arg6[%swap3A_41], %broadcast_in_dim3A_40 {strides = array<i32>} : memref<640xf32, #tpu.memory_space<vmem>>, vector<16xf32>,
    %broadcast_in_dim3A_43 = arith.constant 0.000000e+00 : f32
    %broadcast_in_dim3A_44 = vector.broadcast %broadcast_in_dim3A_43 : f32 to vector<16xf32>
    %swap3A_45 = arith.constant 176 : index
    %swap3A_46 = tpu.vector_load %arg6[%swap3A_45] {strides = array<i32>} : memref<640xf32, #tpu.memory_space<vmem>>, vector<16xf32>,
    tpu.vector_store %arg6[%swap3A_45], %broadcast_in_dim3A_44 {strides = array<i32>} : memref<640xf32, #tpu.memory_space<vmem>>, vector<16xf32>,
    %broadcast_in_dim3A_47 = arith.constant 0.000000e+00 : f32
    %broadcast_in_dim3A_48 = vector.broadcast %broadcast_in_dim3A_47 : f32 to vector<16xf32>
    %swap3A_49 = arith.constant 192 : index
    %swap3A_50 = tpu.vector_load %arg6[%swap3A_49] {strides = array<i32>} : memref<640xf32, #tpu.memory_space<vmem>>, vector<16xf32>,
    tpu.vector_store %arg6[%swap3A_49], %broadcast_in_dim3A_48 {strides = array<i32>} : memref<640xf32, #tpu.memory_space<vmem>>, vector<16xf32>,
    %broadcast_in_dim3A_51 = arith.constant 0.000000e+00 : f32
    %broadcast_in_dim3A_52 = vector.broadcast %broadcast_in_dim3A_51 : f32 to vector<16xf32>
    %swap3A_53 = arith.constant 208 : index
    %swap3A_54 = tpu.vector_load %arg6[%swap3A_53] {strides = array<i32>} : memref<640xf32, #tpu.memory_space<vmem>>, vector<16xf32>,
    tpu.vector_store %arg6[%swap3A_53], %broadcast_in_dim3A_52 {strides = array<i32>} : memref<640xf32, #tpu.memory_space<vmem>>, vector<16xf32>,
    %broadcast_in_dim3A_55 = arith.constant 0.000000e+00 : f32
    %broadcast_in_dim3A_56 = vector.broadcast %broadcast_in_dim3A_55 : f32 to vector<16xf32>
    %swap3A_57 = arith.constant 224 : index
    %swap3A_58 = tpu.vector_load %arg6[%swap3A_57] {strides = array<i32>} : memref<640xf32, #tpu.memory_space<vmem>>, vector<16xf32>,
    tpu.vector_store %arg6[%swap3A_57], %broadcast_in_dim3A_56 {strides = array<i32>} : memref<640xf32, #tpu.memory_space<vmem>>, vector<16xf32>,
    %broadcast_in_dim3A_59 = arith.constant 0.000000e+00 : f32
    %broadcast_in_dim3A_60 = vector.broadcast %broadcast_in_dim3A_59 : f32 to vector<16xf32>
    %swap3A_61 = arith.constant 240 : index
    %swap3A_62 = tpu.vector_load %arg6[%swap3A_61] {strides = array<i32>} : memref<640xf32, #tpu.memory_space<vmem>>, vector<16xf32>,
    tpu.vector_store %arg6[%swap3A_61], %broadcast_in_dim3A_60 {strides = array<i32>} : memref<640xf32, #tpu.memory_space<vmem>>, vector<16xf32>,
    %broadcast_in_dim3A_63 = arith.constant 0.000000e+00 : f32
    %broadcast_in_dim3A_64 = vector.broadcast %broadcast_in_dim3A_63 : f32 to vector<16xf32>
    %swap3A_65 = arith.constant 256 : index
    %swap3A_66 = tpu.vector_load %arg6[%swap3A_65] {strides = array<i32>} : memref<640xf32, #tpu.memory_space<vmem>>, vector<16xf32>,
    tpu.vector_store %arg6[%swap3A_65], %broadcast_in_dim3A_64 {strides = array<i32>} : memref<640xf32, #tpu.memory_space<vmem>>, vector<16xf32>,
    %broadcast_in_dim3A_67 = arith.constant 0.000000e+00 : f32
    %broadcast_in_dim3A_68 = vector.broadcast %broadcast_in_dim3A_67 : f32 to vector<16xf32>
    %swap3A_69 = arith.constant 272 : index
    %swap3A_70 = tpu.vector_load %arg6[%swap3A_69] {strides = array<i32>} : memref<640xf32, #tpu.memory_space<vmem>>, vector<16xf32>,
    tpu.vector_store %arg6[%swap3A_69], %broadcast_in_dim3A_68 {strides = array<i32>} : memref<640xf32, #tpu.memory_space<vmem>>, vector<16xf32>,
    %broadcast_in_dim3A_71 = arith.constant 0.000000e+00 : f32
    %broadcast_in_dim3A_72 = vector.broadcast %broadcast_in_dim3A_71 : f32 to vector<16xf32>
    %swap3A_73 = arith.constant 288 : index
    %swap3A_74 = tpu.vector_load %arg6[%swap3A_73] {strides = array<i32>} : memref<640xf32, #tpu.memory_space<vmem>>, vector<16xf32>,
    tpu.vector_store %arg6[%swap3A_73], %broadcast_in_dim3A_72 {strides = array<i32>} : memref<640xf32, #tpu.memory_space<vmem>>, vector<16xf32>,
    %broadcast_in_dim3A_75 = arith.constant 0.000000e+00 : f32
    %broadcast_in_dim3A_76 = vector.broadcast %broadcast_in_dim3A_75 : f32 to vector<16xf32>
    %swap3A_77 = arith.constant 304 : index
    %swap3A_78 = tpu.vector_load %arg6[%swap3A_77] {strides = array<i32>} : memref<640xf32, #tpu.memory_space<vmem>>, vector<16xf32>,
    tpu.vector_store %arg6[%swap3A_77], %broadcast_in_dim3A_76 {strides = array<i32>} : memref<640xf32, #tpu.memory_space<vmem>>, vector<16xf32>,
    %broadcast_in_dim3A_79 = arith.constant 0.000000e+00 : f32
    %broadcast_in_dim3A_80 = vector.broadcast %broadcast_in_dim3A_79 : f32 to vector<16xf32>
    %swap3A_81 = arith.constant 320 : index
    %swap3A_82 = tpu.vector_load %arg6[%swap3A_81] {strides = array<i32>} : memref<640xf32, #tpu.memory_space<vmem>>, vector<16xf32>,
    tpu.vector_store %arg6[%swap3A_81], %broadcast_in_dim3A_80 {strides = array<i32>} : memref<640xf32, #tpu.memory_space<vmem>>, vector<16xf32>,
    %broadcast_in_dim3A_83 = arith.constant 0.000000e+00 : f32
    %broadcast_in_dim3A_84 = vector.broadcast %broadcast_in_dim3A_83 : f32 to vector<16xf32>
    %swap3A_85 = arith.constant 336 : index
    %swap3A_86 = tpu.vector_load %arg6[%swap3A_85] {strides = array<i32>} : memref<640xf32, #tpu.memory_space<vmem>>, vector<16xf32>,
    tpu.vector_store %arg6[%swap3A_85], %broadcast_in_dim3A_84 {strides = array<i32>} : memref<640xf32, #tpu.memory_space<vmem>>, vector<16xf32>,
    %broadcast_in_dim3A_87 = arith.constant 0.000000e+00 : f32
    %broadcast_in_dim3A_88 = vector.broadcast %broadcast_in_dim3A_87 : f32 to vector<16xf32>
    %swap3A_89 = arith.constant 352 : index
    %swap3A_90 = tpu.vector_load %arg6[%swap3A_89] {strides = array<i32>} : memref<640xf32, #tpu.memory_space<vmem>>, vector<16xf32>,
    tpu.vector_store %arg6[%swap3A_89], %broadcast_in_dim3A_88 {strides = array<i32>} : memref<640xf32, #tpu.memory_space<vmem>>, vector<16xf32>,
    %broadcast_in_dim3A_91 = arith.constant 0.000000e+00 : f32
    %broadcast_in_dim3A_92 = vector.broadcast %broadcast_in_dim3A_91 : f32 to vector<16xf32>
    %swap3A_93 = arith.constant 368 : index
    %swap3A_94 = tpu.vector_load %arg6[%swap3A_93] {strides = array<i32>} : memref<640xf32, #tpu.memory_space<vmem>>, vector<16xf32>,
    tpu.vector_store %arg6[%swap3A_93], %broadcast_in_dim3A_92 {strides = array<i32>} : memref<640xf32, #tpu.memory_space<vmem>>, vector<16xf32>,
    %broadcast_in_dim3A_95 = arith.constant 0.000000e+00 : f32
    %broadcast_in_dim3A_96 = vector.broadcast %broadcast_in_dim3A_95 : f32 to vector<16xf32>
    %swap3A_97 = arith.constant 384 : index
    %swap3A_98 = tpu.vector_load %arg6[%swap3A_97] {strides = array<i32>} : memref<640xf32, #tpu.memory_space<vmem>>, vector<16xf32>,
    tpu.vector_store %arg6[%swap3A_97], %broadcast_in_dim3A_96 {strides = array<i32>} : memref<640xf32, #tpu.memory_space<vmem>>, vector<16xf32>,
    %broadcast_in_dim3A_99 = arith.constant 0.000000e+00 : f32
    %broadcast_in_dim3A_100 = vector.broadcast %broadcast_in_dim3A_99 : f32 to vector<16xf32>
    %swap3A_101 = arith.constant 400 : index
    %swap3A_102 = tpu.vector_load %arg6[%swap3A_101] {strides = array<i32>} : memref<640xf32, #tpu.memory_space<vmem>>, vector<16xf32>,
    tpu.vector_store %arg6[%swap3A_101], %broadcast_in_dim3A_100 {strides = array<i32>} : memref<640xf32, #tpu.memory_space<vmem>>, vector<16xf32>,
    %broadcast_in_dim3A_103 = arith.constant 0.000000e+00 : f32
    %broadcast_in_dim3A_104 = vector.broadcast %broadcast_in_dim3A_103 : f32 to vector<16xf32>
    %swap3A_105 = arith.constant 416 : index
    %swap3A_106 = tpu.vector_load %arg6[%swap3A_105] {strides = array<i32>} : memref<640xf32, #tpu.memory_space<vmem>>, vector<16xf32>,
    tpu.vector_store %arg6[%swap3A_105], %broadcast_in_dim3A_104 {strides = array<i32>} : memref<640xf32, #tpu.memory_space<vmem>>, vector<16xf32>,
    %broadcast_in_dim3A_107 = arith.constant 0.000000e+00 : f32
    %broadcast_in_dim3A_108 = vector.broadcast %broadcast_in_dim3A_107 : f32 to vector<16xf32>
    %swap3A_109 = arith.constant 432 : index
    %swap3A_110 = tpu.vector_load %arg6[%swap3A_109] {strides = array<i32>} : memref<640xf32, #tpu.memory_space<vmem>>, vector<16xf32>,
    tpu.vector_store %arg6[%swap3A_109], %broadcast_in_dim3A_108 {strides = array<i32>} : memref<640xf32, #tpu.memory_space<vmem>>, vector<16xf32>,
    %broadcast_in_dim3A_111 = arith.constant 0.000000e+00 : f32
    %broadcast_in_dim3A_112 = vector.broadcast %broadcast_in_dim3A_111 : f32 to vector<16xf32>
    %swap3A_113 = arith.constant 448 : index
    %swap3A_114 = tpu.vector_load %arg6[%swap3A_113] {strides = array<i32>} : memref<640xf32, #tpu.memory_space<vmem>>, vector<16xf32>,
    tpu.vector_store %arg6[%swap3A_113], %broadcast_in_dim3A_112 {strides = array<i32>} : memref<640xf32, #tpu.memory_space<vmem>>, vector<16xf32>,
    %broadcast_in_dim3A_115 = arith.constant 0.000000e+00 : f32
    %broadcast_in_dim3A_116 = vector.broadcast %broadcast_in_dim3A_115 : f32 to vector<16xf32>
    %swap3A_117 = arith.constant 464 : index
    %swap3A_118 = tpu.vector_load %arg6[%swap3A_117] {strides = array<i32>} : memref<640xf32, #tpu.memory_space<vmem>>, vector<16xf32>,
    tpu.vector_store %arg6[%swap3A_117], %broadcast_in_dim3A_116 {strides = array<i32>} : memref<640xf32, #tpu.memory_space<vmem>>, vector<16xf32>,
    %broadcast_in_dim3A_119 = arith.constant 0.000000e+00 : f32
    %broadcast_in_dim3A_120 = vector.broadcast %broadcast_in_dim3A_119 : f32 to vector<16xf32>
    %swap3A_121 = arith.constant 480 : index
    %swap3A_122 = tpu.vector_load %arg6[%swap3A_121] {strides = array<i32>} : memref<640xf32, #tpu.memory_space<vmem>>, vector<16xf32>,
    tpu.vector_store %arg6[%swap3A_121], %broadcast_in_dim3A_120 {strides = array<i32>} : memref<640xf32, #tpu.memory_space<vmem>>, vector<16xf32>,
    %broadcast_in_dim3A_123 = arith.constant 0.000000e+00 : f32
    %broadcast_in_dim3A_124 = vector.broadcast %broadcast_in_dim3A_123 : f32 to vector<16xf32>
    %swap3A_125 = arith.constant 496 : index
    %swap3A_126 = tpu.vector_load %arg6[%swap3A_125] {strides = array<i32>} : memref<640xf32, #tpu.memory_space<vmem>>, vector<16xf32>,
    tpu.vector_store %arg6[%swap3A_125], %broadcast_in_dim3A_124 {strides = array<i32>} : memref<640xf32, #tpu.memory_space<vmem>>, vector<16xf32>,
    %broadcast_in_dim3A_127 = arith.constant 0.000000e+00 : f32
    %broadcast_in_dim3A_128 = vector.broadcast %broadcast_in_dim3A_127 : f32 to vector<16xf32>
    %swap3A_129 = arith.constant 512 : index
    %swap3A_130 = tpu.vector_load %arg6[%swap3A_129] {strides = array<i32>} : memref<640xf32, #tpu.memory_space<vmem>>, vector<16xf32>,
    tpu.vector_store %arg6[%swap3A_129], %broadcast_in_dim3A_128 {strides = array<i32>} : memref<640xf32, #tpu.memory_space<vmem>>, vector<16xf32>,
    %broadcast_in_dim3A_131 = arith.constant 0.000000e+00 : f32
    %broadcast_in_dim3A_132 = vector.broadcast %broadcast_in_dim3A_131 : f32 to vector<16xf32>
    %swap3A_133 = arith.constant 528 : index
    %swap3A_134 = tpu.vector_load %arg6[%swap3A_133] {strides = array<i32>} : memref<640xf32, #tpu.memory_space<vmem>>, vector<16xf32>,
    tpu.vector_store %arg6[%swap3A_133], %broadcast_in_dim3A_132 {strides = array<i32>} : memref<640xf32, #tpu.memory_space<vmem>>, vector<16xf32>,
    %broadcast_in_dim3A_135 = arith.constant 0.000000e+00 : f32
    %broadcast_in_dim3A_136 = vector.broadcast %broadcast_in_dim3A_135 : f32 to vector<16xf32>
    %swap3A_137 = arith.constant 544 : index
    %swap3A_138 = tpu.vector_load %arg6[%swap3A_137] {strides = array<i32>} : memref<640xf32, #tpu.memory_space<vmem>>, vector<16xf32>,
    tpu.vector_store %arg6[%swap3A_137], %broadcast_in_dim3A_136 {strides = array<i32>} : memref<640xf32, #tpu.memory_space<vmem>>, vector<16xf32>,
    %broadcast_in_dim3A_139 = arith.constant 0.000000e+00 : f32
    %broadcast_in_dim3A_140 = vector.broadcast %broadcast_in_dim3A_139 : f32 to vector<16xf32>
    %swap3A_141 = arith.constant 560 : index
    %swap3A_142 = tpu.vector_load %arg6[%swap3A_141] {strides = array<i32>} : memref<640xf32, #tpu.memory_space<vmem>>, vector<16xf32>,
    tpu.vector_store %arg6[%swap3A_141], %broadcast_in_dim3A_140 {strides = array<i32>} : memref<640xf32, #tpu.memory_space<vmem>>, vector<16xf32>,
    %broadcast_in_dim3A_143 = arith.constant 0.000000e+00 : f32
    %broadcast_in_dim3A_144 = vector.broadcast %broadcast_in_dim3A_143 : f32 to vector<16xf32>
    %swap3A_145 = arith.constant 576 : index
    %swap3A_146 = tpu.vector_load %arg6[%swap3A_145] {strides = array<i32>} : memref<640xf32, #tpu.memory_space<vmem>>, vector<16xf32>,
    tpu.vector_store %arg6[%swap3A_145], %broadcast_in_dim3A_144 {strides = array<i32>} : memref<640xf32, #tpu.memory_space<vmem>>, vector<16xf32>,
    %broadcast_in_dim3A_147 = arith.constant 0.000000e+00 : f32
    %broadcast_in_dim3A_148 = vector.broadcast %broadcast_in_dim3A_147 : f32 to vector<16xf32>
    %swap3A_149 = arith.constant 592 : index
    %swap3A_150 = tpu.vector_load %arg6[%swap3A_149] {strides = array<i32>} : memref<640xf32, #tpu.memory_space<vmem>>, vector<16xf32>,
    tpu.vector_store %arg6[%swap3A_149], %broadcast_in_dim3A_148 {strides = array<i32>} : memref<640xf32, #tpu.memory_space<vmem>>, vector<16xf32>,
    %broadcast_in_dim3A_151 = arith.constant 0.000000e+00 : f32
    %broadcast_in_dim3A_152 = vector.broadcast %broadcast_in_dim3A_151 : f32 to vector<16xf32>
    %swap3A_153 = arith.constant 608 : index
    %swap3A_154 = tpu.vector_load %arg6[%swap3A_153] {strides = array<i32>} : memref<640xf32, #tpu.memory_space<vmem>>, vector<16xf32>,
    tpu.vector_store %arg6[%swap3A_153], %broadcast_in_dim3A_152 {strides = array<i32>} : memref<640xf32, #tpu.memory_space<vmem>>, vector<16xf32>,
    %broadcast_in_dim3A_155 = arith.constant 0.000000e+00 : f32
    %broadcast_in_dim3A_156 = vector.broadcast %broadcast_in_dim3A_155 : f32 to vector<16xf32>
    %swap3A_157 = arith.constant 624 : index
    %swap3A_158 = tpu.vector_load %arg6[%swap3A_157] {strides = array<i32>} : memref<640xf32, #tpu.memory_space<vmem>>, vector<16xf32>,
    tpu.vector_store %arg6[%swap3A_157], %broadcast_in_dim3A_156 {strides = array<i32>} : memref<640xf32, #tpu.memory_space<vmem>>, vector<16xf32>,
    %broadcast_in_dim3A_159 = arith.constant 1.000000e+00 : f32
    %broadcast_in_dim3A_160 = vector.broadcast %broadcast_in_dim3A_159 : f32 to vector<16xf32>
    %swap3A_161 = arith.constant 0 : index
    %swap3A_162 = tpu.vector_load %arg5[%swap3A_161] {strides = array<i32>} : memref<128xf32, #tpu.memory_space<vmem>>, vector<16xf32>,
    tpu.vector_store %arg5[%swap3A_161], %broadcast_in_dim3A_160 {strides = array<i32>} : memref<128xf32, #tpu.memory_space<vmem>>, vector<16xf32>,
    %broadcast_in_dim3A_163 = arith.constant 1.000000e+00 : f32
    %broadcast_in_dim3A_164 = vector.broadcast %broadcast_in_dim3A_163 : f32 to vector<16xf32>
    %swap3A_165 = arith.constant 16 : index
    %swap3A_166 = tpu.vector_load %arg5[%swap3A_165] {strides = array<i32>} : memref<128xf32, #tpu.memory_space<vmem>>, vector<16xf32>,
    tpu.vector_store %arg5[%swap3A_165], %broadcast_in_dim3A_164 {strides = array<i32>} : memref<128xf32, #tpu.memory_space<vmem>>, vector<16xf32>,
    %broadcast_in_dim3A_167 = arith.constant 1.000000e+00 : f32
    %broadcast_in_dim3A_168 = vector.broadcast %broadcast_in_dim3A_167 : f32 to vector<16xf32>
    %swap3A_169 = arith.constant 32 : index
    %swap3A_170 = tpu.vector_load %arg5[%swap3A_169] {strides = array<i32>} : memref<128xf32, #tpu.memory_space<vmem>>, vector<16xf32>,
    tpu.vector_store %arg5[%swap3A_169], %broadcast_in_dim3A_168 {strides = array<i32>} : memref<128xf32, #tpu.memory_space<vmem>>, vector<16xf32>,
    %broadcast_in_dim3A_171 = arith.constant 1.000000e+00 : f32
    %broadcast_in_dim3A_172 = vector.broadcast %broadcast_in_dim3A_171 : f32 to vector<16xf32>
    %swap3A_173 = arith.constant 48 : index
    %swap3A_174 = tpu.vector_load %arg5[%swap3A_173] {strides = array<i32>} : memref<128xf32, #tpu.memory_space<vmem>>, vector<16xf32>,
    tpu.vector_store %arg5[%swap3A_173], %broadcast_in_dim3A_172 {strides = array<i32>} : memref<128xf32, #tpu.memory_space<vmem>>, vector<16xf32>,
    %broadcast_in_dim3A_175 = arith.constant 1.000000e+00 : f32
    %broadcast_in_dim3A_176 = vector.broadcast %broadcast_in_dim3A_175 : f32 to vector<16xf32>
    %swap3A_177 = arith.constant 64 : index
    %swap3A_178 = tpu.vector_load %arg5[%swap3A_177] {strides = array<i32>} : memref<128xf32, #tpu.memory_space<vmem>>, vector<16xf32>,
    tpu.vector_store %arg5[%swap3A_177], %broadcast_in_dim3A_176 {strides = array<i32>} : memref<128xf32, #tpu.memory_space<vmem>>, vector<16xf32>,
    %broadcast_in_dim3A_179 = arith.constant 1.000000e+00 : f32
    %broadcast_in_dim3A_180 = vector.broadcast %broadcast_in_dim3A_179 : f32 to vector<16xf32>
    %swap3A_181 = arith.constant 80 : index
    %swap3A_182 = tpu.vector_load %arg5[%swap3A_181] {strides = array<i32>} : memref<128xf32, #tpu.memory_space<vmem>>, vector<16xf32>,
    tpu.vector_store %arg5[%swap3A_181], %broadcast_in_dim3A_180 {strides = array<i32>} : memref<128xf32, #tpu.memory_space<vmem>>, vector<16xf32>,
    %broadcast_in_dim3A_183 = arith.constant 1.000000e+00 : f32
    %broadcast_in_dim3A_184 = vector.broadcast %broadcast_in_dim3A_183 : f32 to vector<16xf32>
    %swap3A_185 = arith.constant 96 : index
    %swap3A_186 = tpu.vector_load %arg5[%swap3A_185] {strides = array<i32>} : memref<128xf32, #tpu.memory_space<vmem>>, vector<16xf32>,
    tpu.vector_store %arg5[%swap3A_185], %broadcast_in_dim3A_184 {strides = array<i32>} : memref<128xf32, #tpu.memory_space<vmem>>, vector<16xf32>,
    %broadcast_in_dim3A_187 = arith.constant 1.000000e+00 : f32
    %broadcast_in_dim3A_188 = vector.broadcast %broadcast_in_dim3A_187 : f32 to vector<16xf32>
    %swap3A_189 = arith.constant 112 : index
    %swap3A_190 = tpu.vector_load %arg5[%swap3A_189] {strides = array<i32>} : memref<128xf32, #tpu.memory_space<vmem>>, vector<16xf32>,
    tpu.vector_store %arg5[%swap3A_189], %broadcast_in_dim3A_188 {strides = array<i32>} : memref<128xf32, #tpu.memory_space<vmem>>, vector<16xf32>,
    %mul3A_191 = arith.constant 640 : i32
    %mul3A_192 = arith.muli %arg1, %mul3A_191 : i32
    %multiple_of3A = tpu.assume_multiple %mul3A_192, 8 : i32
    "tpu.region"() ({
      %run_scoped3A = tpu.sem_alloc : memref<!tpu.dma_semaphore, #tpu.memory_space<semaphore_mem>>
      %dma_start3A = tpu.memref_slice %arg7[%multiple_of3A] : memref<10240xf32, #tpu.memory_space<vmem_shared>> -> memref<640xf32, #tpu.memory_space<vmem_shared>>
      %dma_start3A_199 = tpu.memref_slice %arg7[%multiple_of3A] : memref<10240xf32, #tpu.memory_space<vmem_shared>> -> memref<640xf32, #tpu.memory_space<vmem_shared>>
      tpu.enqueue_dma source(%arg6 : memref<640xf32, #tpu.memory_space<vmem>>) target(%dma_start3A_199 : memref<640xf32, #tpu.memory_space<vmem_shared>>) target_semaphore(%run_scoped3A : memref<!tpu.dma_semaphore, #tpu.memory_space<semaphore_mem>>)
      %dma_wait3A = tpu.memref_slice %arg7[%multiple_of3A] : memref<10240xf32, #tpu.memory_space<vmem_shared>> -> memref<640xf32, #tpu.memory_space<vmem_shared>>
      %dma_wait3A_200 = tpu.memref_slice %arg7[%multiple_of3A] : memref<10240xf32, #tpu.memory_space<vmem_shared>> -> memref<640xf32, #tpu.memory_space<vmem_shared>>
      tpu.wait_dma2 semaphore(%run_scoped3A : memref<!tpu.dma_semaphore, #tpu.memory_space<semaphore_mem>>) src(%arg6 : memref<640xf32, #tpu.memory_space<vmem>>) dst(%dma_wait3A_200 : memref<640xf32, #tpu.memory_space<vmem_shared>>)
      tpu.yield
    }) : () -> ()
    %barrier3A = arith.constant 0 : index
    tpu.barrier barrier_id(%barrier3A)
    "tpu.region"() ({
      %run_scoped3A = tpu.sem_alloc : memref<!tpu.dma_semaphore, #tpu.memory_space<semaphore_mem>>
      %dma_start3A = arith.constant 0 : i32
      %dma_start3A_199 = arith.constant 0 : i32
      %dma_start3A_200 = tpu.memref_slice %arg2[%add3A, %dma_start3A, %dma_start3A_199] : memref<32x80x128xi32, #tpu.memory_space<hbm>> -> memref<1x80x128xi32, #tpu.memory_space<hbm>>
      %dma_start3A_201 = tpu.memref_squeeze %dma_start3A_200 : memref<1x80x128xi32, #tpu.memory_space<hbm>> -> memref<80x128xi32, #tpu.memory_space<hbm>>
      %dma_start3A_202 = arith.constant 0 : i32
      %dma_start3A_203 = arith.constant 0 : i32
      %dma_start3A_204 = tpu.memref_slice %arg2[%add3A, %dma_start3A_202, %dma_start3A_203] : memref<32x80x128xi32, #tpu.memory_space<hbm>> -> memref<1x80x128xi32, #tpu.memory_space<hbm>>
      %dma_start3A_205 = tpu.memref_squeeze %dma_start3A_204 : memref<1x80x128xi32, #tpu.memory_space<hbm>> -> memref<80x128xi32, #tpu.memory_space<hbm>>
      tpu.enqueue_dma source(%dma_start3A_205 : memref<80x128xi32, #tpu.memory_space<hbm>>) target(%arg4 : memref<80x128xi32, #tpu.memory_space<vmem>>) target_semaphore(%run_scoped3A : memref<!tpu.dma_semaphore, #tpu.memory_space<semaphore_mem>>)
      %dma_wait3A = arith.constant 0 : i32
      %dma_wait3A_206 = arith.constant 0 : i32
      %dma_wait3A_207 = tpu.memref_slice %arg2[%add3A, %dma_wait3A, %dma_wait3A_206] : memref<32x80x128xi32, #tpu.memory_space<hbm>> -> memref<1x80x128xi32, #tpu.memory_space<hbm>>
      %dma_wait3A_208 = tpu.memref_squeeze %dma_wait3A_207 : memref<1x80x128xi32, #tpu.memory_space<hbm>> -> memref<80x128xi32, #tpu.memory_space<hbm>>
      %dma_wait3A_209 = arith.constant 0 : i32
      %dma_wait3A_210 = arith.constant 0 : i32
      %dma_wait3A_211 = tpu.memref_slice %arg2[%add3A, %dma_wait3A_209, %dma_wait3A_210] : memref<32x80x128xi32, #tpu.memory_space<hbm>> -> memref<1x80x128xi32, #tpu.memory_space<hbm>>
      %dma_wait3A_212 = tpu.memref_squeeze %dma_wait3A_211 : memref<1x80x128xi32, #tpu.memory_space<hbm>> -> memref<80x128xi32, #tpu.memory_space<hbm>>
      tpu.wait_dma2 semaphore(%run_scoped3A : memref<!tpu.dma_semaphore, #tpu.memory_space<semaphore_mem>>) src(%dma_wait3A_212 : memref<80x128xi32, #tpu.memory_space<hbm>>) dst(%arg4 : memref<80x128xi32, #tpu.memory_space<vmem>>)
      tpu.yield
    }) : () -> ()
    %scan3A = arith.constant 0 : i32
    %scan3A_193 = arith.constant 0 : i32
    %scan3A_194 = arith.constant 20 : i32
    %scan3A_195 = arith.addi %scan3A_193, %scan3A_194 : i32
    %scan3A_196 = arith.constant 1 : i32
    scf.for %scan3A_199 = %scan3A_193 to %scan3A_195 step %scan3A_196  : i32 {
      %mul3A_200 = arith.constant 4 : i32
      %mul3A_201 = arith.muli %scan3A_199, %mul3A_200 : i32
      %add3A_202 = arith.constant 0 : i32
      %add3A_203 = arith.addi %mul3A_201, %add3A_202 : i32
      %dma_start3A = arith.constant 0 : i32
      %dma_start3A_204 = tpu.memref_slice %arg4[%add3A_203, %dma_start3A] : memref<80x128xi32, #tpu.memory_space<vmem>> -> memref<1x128xi32, #tpu.memory_space<vmem>>
      %dma_start3A_205 = tpu.memref_squeeze %dma_start3A_204 : memref<1x128xi32, #tpu.memory_space<vmem>> -> memref<128xi32, #tpu.memory_space<vmem>>
      %dma_start3A_206 = arith.constant 0 : i32
      %dma_start3A_207 = tpu.memref_slice %arg7[%dma_start3A_206] : memref<10240xf32, #tpu.memory_space<vmem_shared>> -> memref<10240xf32, #tpu.memory_space<vmem_shared>>
      tpu.enqueue_indirect_dma source(%arg5 : memref<128xf32, #tpu.memory_space<vmem>>) target(%dma_start3A_207 : memref<10240xf32, #tpu.memory_space<vmem_shared>>) offsets(%dma_start3A_205 : memref<128xi32, #tpu.memory_space<vmem>>) semaphore(%arg8 : memref<!tpu.dma_semaphore, #tpu.memory_space<semaphore_mem>>) {add = true}
      %add3A_208 = arith.constant 1 : i32
      %add3A_209 = arith.addi %mul3A_201, %add3A_208 : i32
      %dma_start3A_210 = arith.constant 0 : i32
      %dma_start3A_211 = tpu.memref_slice %arg4[%add3A_209, %dma_start3A_210] : memref<80x128xi32, #tpu.memory_space<vmem>> -> memref<1x128xi32, #tpu.memory_space<vmem>>
      %dma_start3A_212 = tpu.memref_squeeze %dma_start3A_211 : memref<1x128xi32, #tpu.memory_space<vmem>> -> memref<128xi32, #tpu.memory_space<vmem>>
      %dma_start3A_213 = arith.constant 0 : i32
      %dma_start3A_214 = tpu.memref_slice %arg7[%dma_start3A_213] : memref<10240xf32, #tpu.memory_space<vmem_shared>> -> memref<10240xf32, #tpu.memory_space<vmem_shared>>
      tpu.enqueue_indirect_dma source(%arg5 : memref<128xf32, #tpu.memory_space<vmem>>) target(%dma_start3A_214 : memref<10240xf32, #tpu.memory_space<vmem_shared>>) offsets(%dma_start3A_212 : memref<128xi32, #tpu.memory_space<vmem>>) semaphore(%arg8 : memref<!tpu.dma_semaphore, #tpu.memory_space<semaphore_mem>>) {add = true}
      %add3A_215 = arith.constant 2 : i32
      %add3A_216 = arith.addi %mul3A_201, %add3A_215 : i32
      %dma_start3A_217 = arith.constant 0 : i32
      %dma_start3A_218 = tpu.memref_slice %arg4[%add3A_216, %dma_start3A_217] : memref<80x128xi32, #tpu.memory_space<vmem>> -> memref<1x128xi32, #tpu.memory_space<vmem>>
      %dma_start3A_219 = tpu.memref_squeeze %dma_start3A_218 : memref<1x128xi32, #tpu.memory_space<vmem>> -> memref<128xi32, #tpu.memory_space<vmem>>
      %dma_start3A_220 = arith.constant 0 : i32
      %dma_start3A_221 = tpu.memref_slice %arg7[%dma_start3A_220] : memref<10240xf32, #tpu.memory_space<vmem_shared>> -> memref<10240xf32, #tpu.memory_space<vmem_shared>>
      tpu.enqueue_indirect_dma source(%arg5 : memref<128xf32, #tpu.memory_space<vmem>>) target(%dma_start3A_221 : memref<10240xf32, #tpu.memory_space<vmem_shared>>) offsets(%dma_start3A_219 : memref<128xi32, #tpu.memory_space<vmem>>) semaphore(%arg8 : memref<!tpu.dma_semaphore, #tpu.memory_space<semaphore_mem>>) {add = true}
      %add3A_222 = arith.constant 3 : i32
      %add3A_223 = arith.addi %mul3A_201, %add3A_222 : i32
      %dma_start3A_224 = arith.constant 0 : i32
      %dma_start3A_225 = tpu.memref_slice %arg4[%add3A_223, %dma_start3A_224] : memref<80x128xi32, #tpu.memory_space<vmem>> -> memref<1x128xi32, #tpu.memory_space<vmem>>
      %dma_start3A_226 = tpu.memref_squeeze %dma_start3A_225 : memref<1x128xi32, #tpu.memory_space<vmem>> -> memref<128xi32, #tpu.memory_space<vmem>>
      %dma_start3A_227 = arith.constant 0 : i32
      %dma_start3A_228 = tpu.memref_slice %arg7[%dma_start3A_227] : memref<10240xf32, #tpu.memory_space<vmem_shared>> -> memref<10240xf32, #tpu.memory_space<vmem_shared>>
      tpu.enqueue_indirect_dma source(%arg5 : memref<128xf32, #tpu.memory_space<vmem>>) target(%dma_start3A_228 : memref<10240xf32, #tpu.memory_space<vmem_shared>>) offsets(%dma_start3A_226 : memref<128xi32, #tpu.memory_space<vmem>>) semaphore(%arg8 : memref<!tpu.dma_semaphore, #tpu.memory_space<semaphore_mem>>) {add = true}
      %add3A_229 = arith.constant 0 : i32
      %add3A_230 = arith.addi %mul3A_201, %add3A_229 : i32
      %dma_wait3A = arith.constant 0 : i32
      %dma_wait3A_231 = tpu.memref_slice %arg4[%add3A_230, %dma_wait3A] : memref<80x128xi32, #tpu.memory_space<vmem>> -> memref<1x128xi32, #tpu.memory_space<vmem>>
      %dma_wait3A_232 = tpu.memref_squeeze %dma_wait3A_231 : memref<1x128xi32, #tpu.memory_space<vmem>> -> memref<128xi32, #tpu.memory_space<vmem>>
      %dma_wait3A_233 = arith.constant 0 : i32
      %dma_wait3A_234 = tpu.memref_slice %arg7[%dma_wait3A_233] : memref<10240xf32, #tpu.memory_space<vmem_shared>> -> memref<10240xf32, #tpu.memory_space<vmem_shared>>
      tpu.wait_indirect_dma semaphore(%arg8 : memref<!tpu.dma_semaphore, #tpu.memory_space<semaphore_mem>>) src(%arg5 : memref<128xf32, #tpu.memory_space<vmem>>) dst(%dma_wait3A_234 : memref<10240xf32, #tpu.memory_space<vmem_shared>>)
      %add3A_235 = arith.constant 1 : i32
      %add3A_236 = arith.addi %mul3A_201, %add3A_235 : i32
      %dma_wait3A_237 = arith.constant 0 : i32
      %dma_wait3A_238 = tpu.memref_slice %arg4[%add3A_236, %dma_wait3A_237] : memref<80x128xi32, #tpu.memory_space<vmem>> -> memref<1x128xi32, #tpu.memory_space<vmem>>
      %dma_wait3A_239 = tpu.memref_squeeze %dma_wait3A_238 : memref<1x128xi32, #tpu.memory_space<vmem>> -> memref<128xi32, #tpu.memory_space<vmem>>
      %dma_wait3A_240 = arith.constant 0 : i32
      %dma_wait3A_241 = tpu.memref_slice %arg7[%dma_wait3A_240] : memref<10240xf32, #tpu.memory_space<vmem_shared>> -> memref<10240xf32, #tpu.memory_space<vmem_shared>>
      tpu.wait_indirect_dma semaphore(%arg8 : memref<!tpu.dma_semaphore, #tpu.memory_space<semaphore_mem>>) src(%arg5 : memref<128xf32, #tpu.memory_space<vmem>>) dst(%dma_wait3A_241 : memref<10240xf32, #tpu.memory_space<vmem_shared>>)
      %add3A_242 = arith.constant 2 : i32
      %add3A_243 = arith.addi %mul3A_201, %add3A_242 : i32
      %dma_wait3A_244 = arith.constant 0 : i32
      %dma_wait3A_245 = tpu.memref_slice %arg4[%add3A_243, %dma_wait3A_244] : memref<80x128xi32, #tpu.memory_space<vmem>> -> memref<1x128xi32, #tpu.memory_space<vmem>>
      %dma_wait3A_246 = tpu.memref_squeeze %dma_wait3A_245 : memref<1x128xi32, #tpu.memory_space<vmem>> -> memref<128xi32, #tpu.memory_space<vmem>>
      %dma_wait3A_247 = arith.constant 0 : i32
      %dma_wait3A_248 = tpu.memref_slice %arg7[%dma_wait3A_247] : memref<10240xf32, #tpu.memory_space<vmem_shared>> -> memref<10240xf32, #tpu.memory_space<vmem_shared>>
      tpu.wait_indirect_dma semaphore(%arg8 : memref<!tpu.dma_semaphore, #tpu.memory_space<semaphore_mem>>) src(%arg5 : memref<128xf32, #tpu.memory_space<vmem>>) dst(%dma_wait3A_248 : memref<10240xf32, #tpu.memory_space<vmem_shared>>)
      %add3A_249 = arith.constant 3 : i32
      %add3A_250 = arith.addi %mul3A_201, %add3A_249 : i32
      %dma_wait3A_251 = arith.constant 0 : i32
      %dma_wait3A_252 = tpu.memref_slice %arg4[%add3A_250, %dma_wait3A_251] : memref<80x128xi32, #tpu.memory_space<vmem>> -> memref<1x128xi32, #tpu.memory_space<vmem>>
      %dma_wait3A_253 = tpu.memref_squeeze %dma_wait3A_252 : memref<1x128xi32, #tpu.memory_space<vmem>> -> memref<128xi32, #tpu.memory_space<vmem>>
      %dma_wait3A_254 = arith.constant 0 : i32
      %dma_wait3A_255 = tpu.memref_slice %arg7[%dma_wait3A_254] : memref<10240xf32, #tpu.memory_space<vmem_shared>> -> memref<10240xf32, #tpu.memory_space<vmem_shared>>
      tpu.wait_indirect_dma semaphore(%arg8 : memref<!tpu.dma_semaphore, #tpu.memory_space<semaphore_mem>>) src(%arg5 : memref<128xf32, #tpu.memory_space<vmem>>) dst(%dma_wait3A_255 : memref<10240xf32, #tpu.memory_space<vmem_shared>>)
    }
    %scan3A_197 = arith.constant 20 : i32
    %barrier3A_198 = arith.constant 0 : index
    tpu.barrier barrier_id(%barrier3A_198)
    "tpu.region"() ({
      %run_scoped3A = tpu.sem_alloc : memref<!tpu.dma_semaphore, #tpu.memory_space<semaphore_mem>>
      %dma_start3A = tpu.memref_slice %arg3[%arg0, %multiple_of3A] : memref<2x10240xf32, #tpu.memory_space<hbm>> -> memref<1x640xf32, #tpu.memory_space<hbm>>
      %dma_start3A_199 = tpu.memref_squeeze %dma_start3A : memref<1x640xf32, #tpu.memory_space<hbm>> -> memref<640xf32, #tpu.memory_space<hbm>>
      %dma_start3A_200 = tpu.memref_slice %arg7[%multiple_of3A] : memref<10240xf32, #tpu.memory_space<vmem_shared>> -> memref<640xf32, #tpu.memory_space<vmem_shared>>
      tpu.enqueue_dma source(%dma_start3A_200 : memref<640xf32, #tpu.memory_space<vmem_shared>>) target(%dma_start3A_199 : memref<640xf32, #tpu.memory_space<hbm>>) target_semaphore(%run_scoped3A : memref<!tpu.dma_semaphore, #tpu.memory_space<semaphore_mem>>)
      %dma_wait3A = tpu.memref_slice %arg3[%arg0, %multiple_of3A] : memref<2x10240xf32, #tpu.memory_space<hbm>> -> memref<1x640xf32, #tpu.memory_space<hbm>>
      %dma_wait3A_201 = tpu.memref_squeeze %dma_wait3A : memref<1x640xf32, #tpu.memory_space<hbm>> -> memref<640xf32, #tpu.memory_space<hbm>>
      %dma_wait3A_202 = tpu.memref_slice %arg7[%multiple_of3A] : memref<10240xf32, #tpu.memory_space<vmem_shared>> -> memref<640xf32, #tpu.memory_space<vmem_shared>>
      tpu.wait_dma2 semaphore(%run_scoped3A : memref<!tpu.dma_semaphore, #tpu.memory_space<semaphore_mem>>) src(%dma_wait3A_202 : memref<640xf32, #tpu.memory_space<vmem_shared>>) dst(%dma_wait3A_201 : memref<640xf32, #tpu.memory_space<hbm>>)
      tpu.yield
    }) : () -> ()
    return
  }
}

#map = affine_map<(d0, d1) -> (0, 0)>
#map1 = affine_map<(d0, d1) -> (0, 0, 0)>
module attributes {stable_mosaic.version = 14 : i64} {
  func.func @_sc_agg1(%arg0: i32, %arg1: i32, %arg2: memref<10000x128xf32, #tpu.memory_space<hbm>>, %arg3: memref<32x80x128xi32, #tpu.memory_space<hbm>>, %arg4: memref<32x80x128xi32, #tpu.memory_space<hbm>>, %arg5: memref<2x10240x128xf32, #tpu.memory_space<hbm>>, %arg6: memref<40x128xi32, #tpu.memory_space<vmem>>, %arg7: memref<40x128xi32, #tpu.memory_space<vmem>>, %arg8: memref<128x128xf32, #tpu.memory_space<vmem>>, %arg9: memref<128x128xf32, #tpu.memory_space<vmem>>, %arg10: memref<10240x128xf32, #tpu.memory_space<vmem_shared>>, %arg11: memref<!tpu.dma_semaphore, #tpu.memory_space<semaphore_mem>>, %arg12: memref<!tpu.dma_semaphore, #tpu.memory_space<semaphore_mem>>) attributes {dimension_semantics = [#tpu.dimension_semantics<core_parallel>, #tpu.dimension_semantics<subcore_parallel>], iteration_bounds = array<i64: 2, 16>, scalar_prefetch = 0 : i64, scratch_operands = 7 : i64, tpu.core_type = #tpu.core_type<sc_vector_subcore>, window_params = [{transform_indices = #map}, {transform_indices = #map1}, {transform_indices = #map1}, {transform_indices = #map1}]} {
    %mul3A = arith.constant 16 : i32
    %mul3A_0 = arith.muli %arg0, %mul3A : i32
    %add3A = arith.addi %mul3A_0, %arg1 : i32
    %scan3A = arith.constant 0 : i32
    %scan3A_1 = arith.constant 0 : i32
    %scan3A_2 = arith.constant 128 : i32
    %scan3A_3 = arith.addi %scan3A_1, %scan3A_2 : i32
    %scan3A_4 = arith.constant 1 : i32
    scf.for %scan3A_58 = %scan3A_1 to %scan3A_3 step %scan3A_4  : i32 {
      %broadcast_in_dim3A = arith.constant 0.000000e+00 : f32
      %broadcast_in_dim3A_59 = vector.broadcast %broadcast_in_dim3A : f32 to vector<16xf32>
      %swap3A = arith.index_cast %scan3A_58 : i32 to index
      %swap3A_60 = arith.constant 0 : index
      %swap3A_61 = tpu.vector_load %arg8[%swap3A, %swap3A_60] {strides = array<i32>} : memref<128x128xf32, #tpu.memory_space<vmem>>, vector<16xf32>,
      tpu.vector_store %arg8[%swap3A, %swap3A_60], %broadcast_in_dim3A_59 {strides = array<i32>} : memref<128x128xf32, #tpu.memory_space<vmem>>, vector<16xf32>,
      %broadcast_in_dim3A_62 = arith.constant 0.000000e+00 : f32
      %broadcast_in_dim3A_63 = vector.broadcast %broadcast_in_dim3A_62 : f32 to vector<16xf32>
      %swap3A_64 = arith.index_cast %scan3A_58 : i32 to index
      %swap3A_65 = arith.constant 16 : index
      %swap3A_66 = tpu.vector_load %arg8[%swap3A_64, %swap3A_65] {strides = array<i32>} : memref<128x128xf32, #tpu.memory_space<vmem>>, vector<16xf32>,
      tpu.vector_store %arg8[%swap3A_64, %swap3A_65], %broadcast_in_dim3A_63 {strides = array<i32>} : memref<128x128xf32, #tpu.memory_space<vmem>>, vector<16xf32>,
      %broadcast_in_dim3A_67 = arith.constant 0.000000e+00 : f32
      %broadcast_in_dim3A_68 = vector.broadcast %broadcast_in_dim3A_67 : f32 to vector<16xf32>
      %swap3A_69 = arith.index_cast %scan3A_58 : i32 to index
      %swap3A_70 = arith.constant 32 : index
      %swap3A_71 = tpu.vector_load %arg8[%swap3A_69, %swap3A_70] {strides = array<i32>} : memref<128x128xf32, #tpu.memory_space<vmem>>, vector<16xf32>,
      tpu.vector_store %arg8[%swap3A_69, %swap3A_70], %broadcast_in_dim3A_68 {strides = array<i32>} : memref<128x128xf32, #tpu.memory_space<vmem>>, vector<16xf32>,
      %broadcast_in_dim3A_72 = arith.constant 0.000000e+00 : f32
      %broadcast_in_dim3A_73 = vector.broadcast %broadcast_in_dim3A_72 : f32 to vector<16xf32>
      %swap3A_74 = arith.index_cast %scan3A_58 : i32 to index
      %swap3A_75 = arith.constant 48 : index
      %swap3A_76 = tpu.vector_load %arg8[%swap3A_74, %swap3A_75] {strides = array<i32>} : memref<128x128xf32, #tpu.memory_space<vmem>>, vector<16xf32>,
      tpu.vector_store %arg8[%swap3A_74, %swap3A_75], %broadcast_in_dim3A_73 {strides = array<i32>} : memref<128x128xf32, #tpu.memory_space<vmem>>, vector<16xf32>,
      %broadcast_in_dim3A_77 = arith.constant 0.000000e+00 : f32
      %broadcast_in_dim3A_78 = vector.broadcast %broadcast_in_dim3A_77 : f32 to vector<16xf32>
      %swap3A_79 = arith.index_cast %scan3A_58 : i32 to index
      %swap3A_80 = arith.constant 64 : index
      %swap3A_81 = tpu.vector_load %arg8[%swap3A_79, %swap3A_80] {strides = array<i32>} : memref<128x128xf32, #tpu.memory_space<vmem>>, vector<16xf32>,
      tpu.vector_store %arg8[%swap3A_79, %swap3A_80], %broadcast_in_dim3A_78 {strides = array<i32>} : memref<128x128xf32, #tpu.memory_space<vmem>>, vector<16xf32>,
      %broadcast_in_dim3A_82 = arith.constant 0.000000e+00 : f32
      %broadcast_in_dim3A_83 = vector.broadcast %broadcast_in_dim3A_82 : f32 to vector<16xf32>
      %swap3A_84 = arith.index_cast %scan3A_58 : i32 to index
      %swap3A_85 = arith.constant 80 : index
      %swap3A_86 = tpu.vector_load %arg8[%swap3A_84, %swap3A_85] {strides = array<i32>} : memref<128x128xf32, #tpu.memory_space<vmem>>, vector<16xf32>,
      tpu.vector_store %arg8[%swap3A_84, %swap3A_85], %broadcast_in_dim3A_83 {strides = array<i32>} : memref<128x128xf32, #tpu.memory_space<vmem>>, vector<16xf32>,
      %broadcast_in_dim3A_87 = arith.constant 0.000000e+00 : f32
      %broadcast_in_dim3A_88 = vector.broadcast %broadcast_in_dim3A_87 : f32 to vector<16xf32>
      %swap3A_89 = arith.index_cast %scan3A_58 : i32 to index
      %swap3A_90 = arith.constant 96 : index
      %swap3A_91 = tpu.vector_load %arg8[%swap3A_89, %swap3A_90] {strides = array<i32>} : memref<128x128xf32, #tpu.memory_space<vmem>>, vector<16xf32>,
      tpu.vector_store %arg8[%swap3A_89, %swap3A_90], %broadcast_in_dim3A_88 {strides = array<i32>} : memref<128x128xf32, #tpu.memory_space<vmem>>, vector<16xf32>,
      %broadcast_in_dim3A_92 = arith.constant 0.000000e+00 : f32
      %broadcast_in_dim3A_93 = vector.broadcast %broadcast_in_dim3A_92 : f32 to vector<16xf32>
      %swap3A_94 = arith.index_cast %scan3A_58 : i32 to index
      %swap3A_95 = arith.constant 112 : index
      %swap3A_96 = tpu.vector_load %arg8[%swap3A_94, %swap3A_95] {strides = array<i32>} : memref<128x128xf32, #tpu.memory_space<vmem>>, vector<16xf32>,
      tpu.vector_store %arg8[%swap3A_94, %swap3A_95], %broadcast_in_dim3A_93 {strides = array<i32>} : memref<128x128xf32, #tpu.memory_space<vmem>>, vector<16xf32>,
    }
    %scan3A_5 = arith.constant 128 : i32
    %mul3A_6 = arith.constant 640 : i32
    %mul3A_7 = arith.muli %arg1, %mul3A_6 : i32
    %multiple_of3A = tpu.assume_multiple %mul3A_7, 8 : i32
    %add3A_8 = arith.constant 0 : i32
    %add3A_9 = arith.addi %multiple_of3A, %add3A_8 : i32
    "tpu.region"() ({
      %run_scoped3A = tpu.sem_alloc : memref<!tpu.dma_semaphore, #tpu.memory_space<semaphore_mem>>
      %dma_start3A_58 = arith.constant 0 : i32
      %dma_start3A_59 = tpu.memref_slice %arg10[%add3A_9, %dma_start3A_58] : memref<10240x128xf32, #tpu.memory_space<vmem_shared>> -> memref<128x128xf32, #tpu.memory_space<vmem_shared>>
      %dma_start3A_60 = arith.constant 0 : i32
      %dma_start3A_61 = tpu.memref_slice %arg10[%add3A_9, %dma_start3A_60] : memref<10240x128xf32, #tpu.memory_space<vmem_shared>> -> memref<128x128xf32, #tpu.memory_space<vmem_shared>>
      tpu.enqueue_dma source(%arg8 : memref<128x128xf32, #tpu.memory_space<vmem>>) target(%dma_start3A_61 : memref<128x128xf32, #tpu.memory_space<vmem_shared>>) target_semaphore(%run_scoped3A : memref<!tpu.dma_semaphore, #tpu.memory_space<semaphore_mem>>)
      %dma_wait3A = arith.constant 0 : i32
      %dma_wait3A_62 = tpu.memref_slice %arg10[%add3A_9, %dma_wait3A] : memref<10240x128xf32, #tpu.memory_space<vmem_shared>> -> memref<128x128xf32, #tpu.memory_space<vmem_shared>>
      %dma_wait3A_63 = arith.constant 0 : i32
      %dma_wait3A_64 = tpu.memref_slice %arg10[%add3A_9, %dma_wait3A_63] : memref<10240x128xf32, #tpu.memory_space<vmem_shared>> -> memref<128x128xf32, #tpu.memory_space<vmem_shared>>
      tpu.wait_dma2 semaphore(%run_scoped3A : memref<!tpu.dma_semaphore, #tpu.memory_space<semaphore_mem>>) src(%arg8 : memref<128x128xf32, #tpu.memory_space<vmem>>) dst(%dma_wait3A_64 : memref<128x128xf32, #tpu.memory_space<vmem_shared>>)
      tpu.yield
    }) : () -> ()
    %add3A_10 = arith.constant 128 : i32
    %add3A_11 = arith.addi %multiple_of3A, %add3A_10 : i32
    "tpu.region"() ({
      %run_scoped3A = tpu.sem_alloc : memref<!tpu.dma_semaphore, #tpu.memory_space<semaphore_mem>>
      %dma_start3A_58 = arith.constant 0 : i32
      %dma_start3A_59 = tpu.memref_slice %arg10[%add3A_11, %dma_start3A_58] : memref<10240x128xf32, #tpu.memory_space<vmem_shared>> -> memref<128x128xf32, #tpu.memory_space<vmem_shared>>
      %dma_start3A_60 = arith.constant 0 : i32
      %dma_start3A_61 = tpu.memref_slice %arg10[%add3A_11, %dma_start3A_60] : memref<10240x128xf32, #tpu.memory_space<vmem_shared>> -> memref<128x128xf32, #tpu.memory_space<vmem_shared>>
      tpu.enqueue_dma source(%arg8 : memref<128x128xf32, #tpu.memory_space<vmem>>) target(%dma_start3A_61 : memref<128x128xf32, #tpu.memory_space<vmem_shared>>) target_semaphore(%run_scoped3A : memref<!tpu.dma_semaphore, #tpu.memory_space<semaphore_mem>>)
      %dma_wait3A = arith.constant 0 : i32
      %dma_wait3A_62 = tpu.memref_slice %arg10[%add3A_11, %dma_wait3A] : memref<10240x128xf32, #tpu.memory_space<vmem_shared>> -> memref<128x128xf32, #tpu.memory_space<vmem_shared>>
      %dma_wait3A_63 = arith.constant 0 : i32
      %dma_wait3A_64 = tpu.memref_slice %arg10[%add3A_11, %dma_wait3A_63] : memref<10240x128xf32, #tpu.memory_space<vmem_shared>> -> memref<128x128xf32, #tpu.memory_space<vmem_shared>>
      tpu.wait_dma2 semaphore(%run_scoped3A : memref<!tpu.dma_semaphore, #tpu.memory_space<semaphore_mem>>) src(%arg8 : memref<128x128xf32, #tpu.memory_space<vmem>>) dst(%dma_wait3A_64 : memref<128x128xf32, #tpu.memory_space<vmem_shared>>)
      tpu.yield
    }) : () -> ()
    %add3A_12 = arith.constant 256 : i32
    %add3A_13 = arith.addi %multiple_of3A, %add3A_12 : i32
    "tpu.region"() ({
      %run_scoped3A = tpu.sem_alloc : memref<!tpu.dma_semaphore, #tpu.memory_space<semaphore_mem>>
      %dma_start3A_58 = arith.constant 0 : i32
      %dma_start3A_59 = tpu.memref_slice %arg10[%add3A_13, %dma_start3A_58] : memref<10240x128xf32, #tpu.memory_space<vmem_shared>> -> memref<128x128xf32, #tpu.memory_space<vmem_shared>>
      %dma_start3A_60 = arith.constant 0 : i32
      %dma_start3A_61 = tpu.memref_slice %arg10[%add3A_13, %dma_start3A_60] : memref<10240x128xf32, #tpu.memory_space<vmem_shared>> -> memref<128x128xf32, #tpu.memory_space<vmem_shared>>
      tpu.enqueue_dma source(%arg8 : memref<128x128xf32, #tpu.memory_space<vmem>>) target(%dma_start3A_61 : memref<128x128xf32, #tpu.memory_space<vmem_shared>>) target_semaphore(%run_scoped3A : memref<!tpu.dma_semaphore, #tpu.memory_space<semaphore_mem>>)
      %dma_wait3A = arith.constant 0 : i32
      %dma_wait3A_62 = tpu.memref_slice %arg10[%add3A_13, %dma_wait3A] : memref<10240x128xf32, #tpu.memory_space<vmem_shared>> -> memref<128x128xf32, #tpu.memory_space<vmem_shared>>
      %dma_wait3A_63 = arith.constant 0 : i32
      %dma_wait3A_64 = tpu.memref_slice %arg10[%add3A_13, %dma_wait3A_63] : memref<10240x128xf32, #tpu.memory_space<vmem_shared>> -> memref<128x128xf32, #tpu.memory_space<vmem_shared>>
      tpu.wait_dma2 semaphore(%run_scoped3A : memref<!tpu.dma_semaphore, #tpu.memory_space<semaphore_mem>>) src(%arg8 : memref<128x128xf32, #tpu.memory_space<vmem>>) dst(%dma_wait3A_64 : memref<128x128xf32, #tpu.memory_space<vmem_shared>>)
      tpu.yield
    }) : () -> ()
    %add3A_14 = arith.constant 384 : i32
    %add3A_15 = arith.addi %multiple_of3A, %add3A_14 : i32
    "tpu.region"() ({
      %run_scoped3A = tpu.sem_alloc : memref<!tpu.dma_semaphore, #tpu.memory_space<semaphore_mem>>
      %dma_start3A_58 = arith.constant 0 : i32
      %dma_start3A_59 = tpu.memref_slice %arg10[%add3A_15, %dma_start3A_58] : memref<10240x128xf32, #tpu.memory_space<vmem_shared>> -> memref<128x128xf32, #tpu.memory_space<vmem_shared>>
      %dma_start3A_60 = arith.constant 0 : i32
      %dma_start3A_61 = tpu.memref_slice %arg10[%add3A_15, %dma_start3A_60] : memref<10240x128xf32, #tpu.memory_space<vmem_shared>> -> memref<128x128xf32, #tpu.memory_space<vmem_shared>>
      tpu.enqueue_dma source(%arg8 : memref<128x128xf32, #tpu.memory_space<vmem>>) target(%dma_start3A_61 : memref<128x128xf32, #tpu.memory_space<vmem_shared>>) target_semaphore(%run_scoped3A : memref<!tpu.dma_semaphore, #tpu.memory_space<semaphore_mem>>)
      %dma_wait3A = arith.constant 0 : i32
      %dma_wait3A_62 = tpu.memref_slice %arg10[%add3A_15, %dma_wait3A] : memref<10240x128xf32, #tpu.memory_space<vmem_shared>> -> memref<128x128xf32, #tpu.memory_space<vmem_shared>>
      %dma_wait3A_63 = arith.constant 0 : i32
      %dma_wait3A_64 = tpu.memref_slice %arg10[%add3A_15, %dma_wait3A_63] : memref<10240x128xf32, #tpu.memory_space<vmem_shared>> -> memref<128x128xf32, #tpu.memory_space<vmem_shared>>
      tpu.wait_dma2 semaphore(%run_scoped3A : memref<!tpu.dma_semaphore, #tpu.memory_space<semaphore_mem>>) src(%arg8 : memref<128x128xf32, #tpu.memory_space<vmem>>) dst(%dma_wait3A_64 : memref<128x128xf32, #tpu.memory_space<vmem_shared>>)
      tpu.yield
    }) : () -> ()
    %add3A_16 = arith.constant 512 : i32
    %add3A_17 = arith.addi %multiple_of3A, %add3A_16 : i32
    "tpu.region"() ({
      %run_scoped3A = tpu.sem_alloc : memref<!tpu.dma_semaphore, #tpu.memory_space<semaphore_mem>>
      %dma_start3A_58 = arith.constant 0 : i32
      %dma_start3A_59 = tpu.memref_slice %arg10[%add3A_17, %dma_start3A_58] : memref<10240x128xf32, #tpu.memory_space<vmem_shared>> -> memref<128x128xf32, #tpu.memory_space<vmem_shared>>
      %dma_start3A_60 = arith.constant 0 : i32
      %dma_start3A_61 = tpu.memref_slice %arg10[%add3A_17, %dma_start3A_60] : memref<10240x128xf32, #tpu.memory_space<vmem_shared>> -> memref<128x128xf32, #tpu.memory_space<vmem_shared>>
      tpu.enqueue_dma source(%arg8 : memref<128x128xf32, #tpu.memory_space<vmem>>) target(%dma_start3A_61 : memref<128x128xf32, #tpu.memory_space<vmem_shared>>) target_semaphore(%run_scoped3A : memref<!tpu.dma_semaphore, #tpu.memory_space<semaphore_mem>>)
      %dma_wait3A = arith.constant 0 : i32
      %dma_wait3A_62 = tpu.memref_slice %arg10[%add3A_17, %dma_wait3A] : memref<10240x128xf32, #tpu.memory_space<vmem_shared>> -> memref<128x128xf32, #tpu.memory_space<vmem_shared>>
      %dma_wait3A_63 = arith.constant 0 : i32
      %dma_wait3A_64 = tpu.memref_slice %arg10[%add3A_17, %dma_wait3A_63] : memref<10240x128xf32, #tpu.memory_space<vmem_shared>> -> memref<128x128xf32, #tpu.memory_space<vmem_shared>>
      tpu.wait_dma2 semaphore(%run_scoped3A : memref<!tpu.dma_semaphore, #tpu.memory_space<semaphore_mem>>) src(%arg8 : memref<128x128xf32, #tpu.memory_space<vmem>>) dst(%dma_wait3A_64 : memref<128x128xf32, #tpu.memory_space<vmem_shared>>)
      tpu.yield
    }) : () -> ()
    %barrier3A = arith.constant 0 : index
    tpu.barrier barrier_id(%barrier3A)
    "tpu.region"() ({
      %run_scoped3A = tpu.sem_alloc : memref<!tpu.dma_semaphore, #tpu.memory_space<semaphore_mem>>
      %dma_start3A_58 = arith.constant 0 : i32
      %dma_start3A_59 = arith.constant 0 : i32
      %dma_start3A_60 = tpu.memref_slice %arg3[%add3A, %dma_start3A_58, %dma_start3A_59] : memref<32x80x128xi32, #tpu.memory_space<hbm>> -> memref<1x40x128xi32, #tpu.memory_space<hbm>>
      %dma_start3A_61 = tpu.memref_squeeze %dma_start3A_60 : memref<1x40x128xi32, #tpu.memory_space<hbm>> -> memref<40x128xi32, #tpu.memory_space<hbm>>
      %dma_start3A_62 = arith.constant 0 : i32
      %dma_start3A_63 = arith.constant 0 : i32
      %dma_start3A_64 = tpu.memref_slice %arg3[%add3A, %dma_start3A_62, %dma_start3A_63] : memref<32x80x128xi32, #tpu.memory_space<hbm>> -> memref<1x40x128xi32, #tpu.memory_space<hbm>>
      %dma_start3A_65 = tpu.memref_squeeze %dma_start3A_64 : memref<1x40x128xi32, #tpu.memory_space<hbm>> -> memref<40x128xi32, #tpu.memory_space<hbm>>
      tpu.enqueue_dma source(%dma_start3A_65 : memref<40x128xi32, #tpu.memory_space<hbm>>) target(%arg6 : memref<40x128xi32, #tpu.memory_space<vmem>>) target_semaphore(%run_scoped3A : memref<!tpu.dma_semaphore, #tpu.memory_space<semaphore_mem>>)
      %dma_wait3A = arith.constant 0 : i32
      %dma_wait3A_66 = arith.constant 0 : i32
      %dma_wait3A_67 = tpu.memref_slice %arg3[%add3A, %dma_wait3A, %dma_wait3A_66] : memref<32x80x128xi32, #tpu.memory_space<hbm>> -> memref<1x40x128xi32, #tpu.memory_space<hbm>>
      %dma_wait3A_68 = tpu.memref_squeeze %dma_wait3A_67 : memref<1x40x128xi32, #tpu.memory_space<hbm>> -> memref<40x128xi32, #tpu.memory_space<hbm>>
      %dma_wait3A_69 = arith.constant 0 : i32
      %dma_wait3A_70 = arith.constant 0 : i32
      %dma_wait3A_71 = tpu.memref_slice %arg3[%add3A, %dma_wait3A_69, %dma_wait3A_70] : memref<32x80x128xi32, #tpu.memory_space<hbm>> -> memref<1x40x128xi32, #tpu.memory_space<hbm>>
      %dma_wait3A_72 = tpu.memref_squeeze %dma_wait3A_71 : memref<1x40x128xi32, #tpu.memory_space<hbm>> -> memref<40x128xi32, #tpu.memory_space<hbm>>
      tpu.wait_dma2 semaphore(%run_scoped3A : memref<!tpu.dma_semaphore, #tpu.memory_space<semaphore_mem>>) src(%dma_wait3A_72 : memref<40x128xi32, #tpu.memory_space<hbm>>) dst(%arg6 : memref<40x128xi32, #tpu.memory_space<vmem>>)
      tpu.yield
    }) : () -> ()
    "tpu.region"() ({
      %run_scoped3A = tpu.sem_alloc : memref<!tpu.dma_semaphore, #tpu.memory_space<semaphore_mem>>
      %dma_start3A_58 = arith.constant 0 : i32
      %dma_start3A_59 = arith.constant 0 : i32
      %dma_start3A_60 = tpu.memref_slice %arg4[%add3A, %dma_start3A_58, %dma_start3A_59] : memref<32x80x128xi32, #tpu.memory_space<hbm>> -> memref<1x40x128xi32, #tpu.memory_space<hbm>>
      %dma_start3A_61 = tpu.memref_squeeze %dma_start3A_60 : memref<1x40x128xi32, #tpu.memory_space<hbm>> -> memref<40x128xi32, #tpu.memory_space<hbm>>
      %dma_start3A_62 = arith.constant 0 : i32
      %dma_start3A_63 = arith.constant 0 : i32
      %dma_start3A_64 = tpu.memref_slice %arg4[%add3A, %dma_start3A_62, %dma_start3A_63] : memref<32x80x128xi32, #tpu.memory_space<hbm>> -> memref<1x40x128xi32, #tpu.memory_space<hbm>>
      %dma_start3A_65 = tpu.memref_squeeze %dma_start3A_64 : memref<1x40x128xi32, #tpu.memory_space<hbm>> -> memref<40x128xi32, #tpu.memory_space<hbm>>
      tpu.enqueue_dma source(%dma_start3A_65 : memref<40x128xi32, #tpu.memory_space<hbm>>) target(%arg7 : memref<40x128xi32, #tpu.memory_space<vmem>>) target_semaphore(%run_scoped3A : memref<!tpu.dma_semaphore, #tpu.memory_space<semaphore_mem>>)
      %dma_wait3A = arith.constant 0 : i32
      %dma_wait3A_66 = arith.constant 0 : i32
      %dma_wait3A_67 = tpu.memref_slice %arg4[%add3A, %dma_wait3A, %dma_wait3A_66] : memref<32x80x128xi32, #tpu.memory_space<hbm>> -> memref<1x40x128xi32, #tpu.memory_space<hbm>>
      %dma_wait3A_68 = tpu.memref_squeeze %dma_wait3A_67 : memref<1x40x128xi32, #tpu.memory_space<hbm>> -> memref<40x128xi32, #tpu.memory_space<hbm>>
      %dma_wait3A_69 = arith.constant 0 : i32
      %dma_wait3A_70 = arith.constant 0 : i32
      %dma_wait3A_71 = tpu.memref_slice %arg4[%add3A, %dma_wait3A_69, %dma_wait3A_70] : memref<32x80x128xi32, #tpu.memory_space<hbm>> -> memref<1x40x128xi32, #tpu.memory_space<hbm>>
      %dma_wait3A_72 = tpu.memref_squeeze %dma_wait3A_71 : memref<1x40x128xi32, #tpu.memory_space<hbm>> -> memref<40x128xi32, #tpu.memory_space<hbm>>
      tpu.wait_dma2 semaphore(%run_scoped3A : memref<!tpu.dma_semaphore, #tpu.memory_space<semaphore_mem>>) src(%dma_wait3A_72 : memref<40x128xi32, #tpu.memory_space<hbm>>) dst(%arg7 : memref<40x128xi32, #tpu.memory_space<vmem>>)
      tpu.yield
    }) : () -> ()
    %dma_start3A = arith.constant 0 : i32
    %dma_start3A_18 = arith.constant 0 : i32
    %dma_start3A_19 = tpu.memref_slice %arg6[%dma_start3A, %dma_start3A_18] : memref<40x128xi32, #tpu.memory_space<vmem>> -> memref<1x128xi32, #tpu.memory_space<vmem>>
    %dma_start3A_20 = tpu.memref_squeeze %dma_start3A_19 : memref<1x128xi32, #tpu.memory_space<vmem>> -> memref<128xi32, #tpu.memory_space<vmem>>
    %dma_start3A_21 = arith.constant 0 : i32
    %dma_start3A_22 = arith.constant 0 : i32
    %dma_start3A_23 = tpu.memref_slice %arg2[%dma_start3A_21, %dma_start3A_22] : memref<10000x128xf32, #tpu.memory_space<hbm>> -> memref<10000x128xf32, #tpu.memory_space<hbm>>
    tpu.enqueue_indirect_dma source(%dma_start3A_23 : memref<10000x128xf32, #tpu.memory_space<hbm>>) target(%arg8 : memref<128x128xf32, #tpu.memory_space<vmem>>) offsets(%dma_start3A_20 : memref<128xi32, #tpu.memory_space<vmem>>) semaphore(%arg11 : memref<!tpu.dma_semaphore, #tpu.memory_space<semaphore_mem>>)
    %dma_start3A_24 = arith.constant 1 : i32
    %dma_start3A_25 = arith.constant 0 : i32
    %dma_start3A_26 = tpu.memref_slice %arg6[%dma_start3A_24, %dma_start3A_25] : memref<40x128xi32, #tpu.memory_space<vmem>> -> memref<1x128xi32, #tpu.memory_space<vmem>>
    %dma_start3A_27 = tpu.memref_squeeze %dma_start3A_26 : memref<1x128xi32, #tpu.memory_space<vmem>> -> memref<128xi32, #tpu.memory_space<vmem>>
    %dma_start3A_28 = arith.constant 0 : i32
    %dma_start3A_29 = arith.constant 0 : i32
    %dma_start3A_30 = tpu.memref_slice %arg2[%dma_start3A_28, %dma_start3A_29] : memref<10000x128xf32, #tpu.memory_space<hbm>> -> memref<10000x128xf32, #tpu.memory_space<hbm>>
    tpu.enqueue_indirect_dma source(%dma_start3A_30 : memref<10000x128xf32, #tpu.memory_space<hbm>>) target(%arg9 : memref<128x128xf32, #tpu.memory_space<vmem>>) offsets(%dma_start3A_27 : memref<128xi32, #tpu.memory_space<vmem>>) semaphore(%arg11 : memref<!tpu.dma_semaphore, #tpu.memory_space<semaphore_mem>>)
    %scan3A_31 = arith.constant 0 : i32
    %scan3A_32 = arith.constant 0 : i32
    %scan3A_33 = arith.constant 20 : i32
    %scan3A_34 = arith.addi %scan3A_32, %scan3A_33 : i32
    %scan3A_35 = arith.constant 1 : i32
    scf.for %scan3A_58 = %scan3A_32 to %scan3A_34 step %scan3A_35  : i32 {
      %mul3A_59 = arith.constant 2 : i32
      %mul3A_60 = arith.muli %scan3A_58, %mul3A_59 : i32
      %dma_wait3A = arith.constant 0 : i32
      %dma_wait3A_61 = tpu.memref_slice %arg6[%mul3A_60, %dma_wait3A] : memref<40x128xi32, #tpu.memory_space<vmem>> -> memref<1x128xi32, #tpu.memory_space<vmem>>
      %dma_wait3A_62 = tpu.memref_squeeze %dma_wait3A_61 : memref<1x128xi32, #tpu.memory_space<vmem>> -> memref<128xi32, #tpu.memory_space<vmem>>
      %dma_wait3A_63 = arith.constant 0 : i32
      %dma_wait3A_64 = arith.constant 0 : i32
      %dma_wait3A_65 = tpu.memref_slice %arg2[%dma_wait3A_63, %dma_wait3A_64] : memref<10000x128xf32, #tpu.memory_space<hbm>> -> memref<10000x128xf32, #tpu.memory_space<hbm>>
      tpu.wait_indirect_dma semaphore(%arg11 : memref<!tpu.dma_semaphore, #tpu.memory_space<semaphore_mem>>) src(%dma_wait3A_65 : memref<10000x128xf32, #tpu.memory_space<hbm>>) dst(%arg8 : memref<128x128xf32, #tpu.memory_space<vmem>>)
      %dma_start3A_66 = arith.constant 0 : i32
      %dma_start3A_67 = tpu.memref_slice %arg7[%mul3A_60, %dma_start3A_66] : memref<40x128xi32, #tpu.memory_space<vmem>> -> memref<1x128xi32, #tpu.memory_space<vmem>>
      %dma_start3A_68 = tpu.memref_squeeze %dma_start3A_67 : memref<1x128xi32, #tpu.memory_space<vmem>> -> memref<128xi32, #tpu.memory_space<vmem>>
      %dma_start3A_69 = arith.constant 0 : i32
      %dma_start3A_70 = arith.constant 0 : i32
      %dma_start3A_71 = tpu.memref_slice %arg10[%dma_start3A_69, %dma_start3A_70] : memref<10240x128xf32, #tpu.memory_space<vmem_shared>> -> memref<10240x128xf32, #tpu.memory_space<vmem_shared>>
      tpu.enqueue_indirect_dma source(%arg8 : memref<128x128xf32, #tpu.memory_space<vmem>>) target(%dma_start3A_71 : memref<10240x128xf32, #tpu.memory_space<vmem_shared>>) offsets(%dma_start3A_68 : memref<128xi32, #tpu.memory_space<vmem>>) semaphore(%arg12 : memref<!tpu.dma_semaphore, #tpu.memory_space<semaphore_mem>>) {add = true}
      %add3A_72 = arith.constant 1 : i32
      %add3A_73 = arith.addi %mul3A_60, %add3A_72 : i32
      %dma_wait3A_74 = arith.constant 0 : i32
      %dma_wait3A_75 = tpu.memref_slice %arg6[%add3A_73, %dma_wait3A_74] : memref<40x128xi32, #tpu.memory_space<vmem>> -> memref<1x128xi32, #tpu.memory_space<vmem>>
      %dma_wait3A_76 = tpu.memref_squeeze %dma_wait3A_75 : memref<1x128xi32, #tpu.memory_space<vmem>> -> memref<128xi32, #tpu.memory_space<vmem>>
      %dma_wait3A_77 = arith.constant 0 : i32
      %dma_wait3A_78 = arith.constant 0 : i32
      %dma_wait3A_79 = tpu.memref_slice %arg2[%dma_wait3A_77, %dma_wait3A_78] : memref<10000x128xf32, #tpu.memory_space<hbm>> -> memref<10000x128xf32, #tpu.memory_space<hbm>>
      tpu.wait_indirect_dma semaphore(%arg11 : memref<!tpu.dma_semaphore, #tpu.memory_space<semaphore_mem>>) src(%dma_wait3A_79 : memref<10000x128xf32, #tpu.memory_space<hbm>>) dst(%arg9 : memref<128x128xf32, #tpu.memory_space<vmem>>)
      %dma_wait3A_80 = arith.constant 0 : i32
      %dma_wait3A_81 = tpu.memref_slice %arg7[%mul3A_60, %dma_wait3A_80] : memref<40x128xi32, #tpu.memory_space<vmem>> -> memref<1x128xi32, #tpu.memory_space<vmem>>
      %dma_wait3A_82 = tpu.memref_squeeze %dma_wait3A_81 : memref<1x128xi32, #tpu.memory_space<vmem>> -> memref<128xi32, #tpu.memory_space<vmem>>
      %dma_wait3A_83 = arith.constant 0 : i32
      %dma_wait3A_84 = arith.constant 0 : i32
      %dma_wait3A_85 = tpu.memref_slice %arg10[%dma_wait3A_83, %dma_wait3A_84] : memref<10240x128xf32, #tpu.memory_space<vmem_shared>> -> memref<10240x128xf32, #tpu.memory_space<vmem_shared>>
      tpu.wait_indirect_dma semaphore(%arg12 : memref<!tpu.dma_semaphore, #tpu.memory_space<semaphore_mem>>) src(%arg8 : memref<128x128xf32, #tpu.memory_space<vmem>>) dst(%dma_wait3A_85 : memref<10240x128xf32, #tpu.memory_space<vmem_shared>>)
      %add3A_86 = arith.constant 2 : i32
      %add3A_87 = arith.addi %mul3A_60, %add3A_86 : i32
      %lt3A = arith.constant 40 : i32
      %lt3A_88 = arith.cmpi slt, %add3A_87, %lt3A : i32
      %convert_element_type3A = arith.extui %lt3A_88 : i1 to i32
      %cond3A = arith.constant 0 : i32
      %cond3A_89 = arith.cmpi ne, %convert_element_type3A, %cond3A : i32
      scf.if %cond3A_89 {
        %add3A_113 = arith.constant 2 : i32
        %add3A_114 = arith.addi %mul3A_60, %add3A_113 : i32
        %dma_start3A_115 = arith.constant 0 : i32
        %dma_start3A_116 = tpu.memref_slice %arg6[%add3A_114, %dma_start3A_115] : memref<40x128xi32, #tpu.memory_space<vmem>> -> memref<1x128xi32, #tpu.memory_space<vmem>>
        %dma_start3A_117 = tpu.memref_squeeze %dma_start3A_116 : memref<1x128xi32, #tpu.memory_space<vmem>> -> memref<128xi32, #tpu.memory_space<vmem>>
        %dma_start3A_118 = arith.constant 0 : i32
        %dma_start3A_119 = arith.constant 0 : i32
        %dma_start3A_120 = tpu.memref_slice %arg2[%dma_start3A_118, %dma_start3A_119] : memref<10000x128xf32, #tpu.memory_space<hbm>> -> memref<10000x128xf32, #tpu.memory_space<hbm>>
        tpu.enqueue_indirect_dma source(%dma_start3A_120 : memref<10000x128xf32, #tpu.memory_space<hbm>>) target(%arg8 : memref<128x128xf32, #tpu.memory_space<vmem>>) offsets(%dma_start3A_117 : memref<128xi32, #tpu.memory_space<vmem>>) semaphore(%arg11 : memref<!tpu.dma_semaphore, #tpu.memory_space<semaphore_mem>>)
      } else {
      }
      %add3A_90 = arith.constant 1 : i32
      %add3A_91 = arith.addi %mul3A_60, %add3A_90 : i32
      %dma_start3A_92 = arith.constant 0 : i32
      %dma_start3A_93 = tpu.memref_slice %arg7[%add3A_91, %dma_start3A_92] : memref<40x128xi32, #tpu.memory_space<vmem>> -> memref<1x128xi32, #tpu.memory_space<vmem>>
      %dma_start3A_94 = tpu.memref_squeeze %dma_start3A_93 : memref<1x128xi32, #tpu.memory_space<vmem>> -> memref<128xi32, #tpu.memory_space<vmem>>
      %dma_start3A_95 = arith.constant 0 : i32
      %dma_start3A_96 = arith.constant 0 : i32
      %dma_start3A_97 = tpu.memref_slice %arg10[%dma_start3A_95, %dma_start3A_96] : memref<10240x128xf32, #tpu.memory_space<vmem_shared>> -> memref<10240x128xf32, #tpu.memory_space<vmem_shared>>
      tpu.enqueue_indirect_dma source(%arg9 : memref<128x128xf32, #tpu.memory_space<vmem>>) target(%dma_start3A_97 : memref<10240x128xf32, #tpu.memory_space<vmem_shared>>) offsets(%dma_start3A_94 : memref<128xi32, #tpu.memory_space<vmem>>) semaphore(%arg12 : memref<!tpu.dma_semaphore, #tpu.memory_space<semaphore_mem>>) {add = true}
      %add3A_98 = arith.constant 1 : i32
      %add3A_99 = arith.addi %mul3A_60, %add3A_98 : i32
      %dma_wait3A_100 = arith.constant 0 : i32
      %dma_wait3A_101 = tpu.memref_slice %arg7[%add3A_99, %dma_wait3A_100] : memref<40x128xi32, #tpu.memory_space<vmem>> -> memref<1x128xi32, #tpu.memory_space<vmem>>
      %dma_wait3A_102 = tpu.memref_squeeze %dma_wait3A_101 : memref<1x128xi32, #tpu.memory_space<vmem>> -> memref<128xi32, #tpu.memory_space<vmem>>
      %dma_wait3A_103 = arith.constant 0 : i32
      %dma_wait3A_104 = arith.constant 0 : i32
      %dma_wait3A_105 = tpu.memref_slice %arg10[%dma_wait3A_103, %dma_wait3A_104] : memref<10240x128xf32, #tpu.memory_space<vmem_shared>> -> memref<10240x128xf32, #tpu.memory_space<vmem_shared>>
      tpu.wait_indirect_dma semaphore(%arg12 : memref<!tpu.dma_semaphore, #tpu.memory_space<semaphore_mem>>) src(%arg9 : memref<128x128xf32, #tpu.memory_space<vmem>>) dst(%dma_wait3A_105 : memref<10240x128xf32, #tpu.memory_space<vmem_shared>>)
      %add3A_106 = arith.constant 3 : i32
      %add3A_107 = arith.addi %mul3A_60, %add3A_106 : i32
      %lt3A_108 = arith.constant 40 : i32
      %lt3A_109 = arith.cmpi slt, %add3A_107, %lt3A_108 : i32
      %convert_element_type3A_110 = arith.extui %lt3A_109 : i1 to i32
      %cond3A_111 = arith.constant 0 : i32
      %cond3A_112 = arith.cmpi ne, %convert_element_type3A_110, %cond3A_111 : i32
      scf.if %cond3A_112 {
        %add3A_113 = arith.constant 3 : i32
        %add3A_114 = arith.addi %mul3A_60, %add3A_113 : i32
        %dma_start3A_115 = arith.constant 0 : i32
        %dma_start3A_116 = tpu.memref_slice %arg6[%add3A_114, %dma_start3A_115] : memref<40x128xi32, #tpu.memory_space<vmem>> -> memref<1x128xi32, #tpu.memory_space<vmem>>
        %dma_start3A_117 = tpu.memref_squeeze %dma_start3A_116 : memref<1x128xi32, #tpu.memory_space<vmem>> -> memref<128xi32, #tpu.memory_space<vmem>>
        %dma_start3A_118 = arith.constant 0 : i32
        %dma_start3A_119 = arith.constant 0 : i32
        %dma_start3A_120 = tpu.memref_slice %arg2[%dma_start3A_118, %dma_start3A_119] : memref<10000x128xf32, #tpu.memory_space<hbm>> -> memref<10000x128xf32, #tpu.memory_space<hbm>>
        tpu.enqueue_indirect_dma source(%dma_start3A_120 : memref<10000x128xf32, #tpu.memory_space<hbm>>) target(%arg9 : memref<128x128xf32, #tpu.memory_space<vmem>>) offsets(%dma_start3A_117 : memref<128xi32, #tpu.memory_space<vmem>>) semaphore(%arg11 : memref<!tpu.dma_semaphore, #tpu.memory_space<semaphore_mem>>)
      } else {
      }
    }
    %scan3A_36 = arith.constant 20 : i32
    "tpu.region"() ({
      %run_scoped3A = tpu.sem_alloc : memref<!tpu.dma_semaphore, #tpu.memory_space<semaphore_mem>>
      %dma_start3A_58 = arith.constant 40 : i32
      %dma_start3A_59 = arith.constant 0 : i32
      %dma_start3A_60 = tpu.memref_slice %arg3[%add3A, %dma_start3A_58, %dma_start3A_59] : memref<32x80x128xi32, #tpu.memory_space<hbm>> -> memref<1x40x128xi32, #tpu.memory_space<hbm>>
      %dma_start3A_61 = tpu.memref_squeeze %dma_start3A_60 : memref<1x40x128xi32, #tpu.memory_space<hbm>> -> memref<40x128xi32, #tpu.memory_space<hbm>>
      %dma_start3A_62 = arith.constant 40 : i32
      %dma_start3A_63 = arith.constant 0 : i32
      %dma_start3A_64 = tpu.memref_slice %arg3[%add3A, %dma_start3A_62, %dma_start3A_63] : memref<32x80x128xi32, #tpu.memory_space<hbm>> -> memref<1x40x128xi32, #tpu.memory_space<hbm>>
      %dma_start3A_65 = tpu.memref_squeeze %dma_start3A_64 : memref<1x40x128xi32, #tpu.memory_space<hbm>> -> memref<40x128xi32, #tpu.memory_space<hbm>>
      tpu.enqueue_dma source(%dma_start3A_65 : memref<40x128xi32, #tpu.memory_space<hbm>>) target(%arg6 : memref<40x128xi32, #tpu.memory_space<vmem>>) target_semaphore(%run_scoped3A : memref<!tpu.dma_semaphore, #tpu.memory_space<semaphore_mem>>)
      %dma_wait3A = arith.constant 40 : i32
      %dma_wait3A_66 = arith.constant 0 : i32
      %dma_wait3A_67 = tpu.memref_slice %arg3[%add3A, %dma_wait3A, %dma_wait3A_66] : memref<32x80x128xi32, #tpu.memory_space<hbm>> -> memref<1x40x128xi32, #tpu.memory_space<hbm>>
      %dma_wait3A_68 = tpu.memref_squeeze %dma_wait3A_67 : memref<1x40x128xi32, #tpu.memory_space<hbm>> -> memref<40x128xi32, #tpu.memory_space<hbm>>
      %dma_wait3A_69 = arith.constant 40 : i32
      %dma_wait3A_70 = arith.constant 0 : i32
      %dma_wait3A_71 = tpu.memref_slice %arg3[%add3A, %dma_wait3A_69, %dma_wait3A_70] : memref<32x80x128xi32, #tpu.memory_space<hbm>> -> memref<1x40x128xi32, #tpu.memory_space<hbm>>
      %dma_wait3A_72 = tpu.memref_squeeze %dma_wait3A_71 : memref<1x40x128xi32, #tpu.memory_space<hbm>> -> memref<40x128xi32, #tpu.memory_space<hbm>>
      tpu.wait_dma2 semaphore(%run_scoped3A : memref<!tpu.dma_semaphore, #tpu.memory_space<semaphore_mem>>) src(%dma_wait3A_72 : memref<40x128xi32, #tpu.memory_space<hbm>>) dst(%arg6 : memref<40x128xi32, #tpu.memory_space<vmem>>)
      tpu.yield
    }) : () -> ()
    "tpu.region"() ({
      %run_scoped3A = tpu.sem_alloc : memref<!tpu.dma_semaphore, #tpu.memory_space<semaphore_mem>>
      %dma_start3A_58 = arith.constant 40 : i32
      %dma_start3A_59 = arith.constant 0 : i32
      %dma_start3A_60 = tpu.memref_slice %arg4[%add3A, %dma_start3A_58, %dma_start3A_59] : memref<32x80x128xi32, #tpu.memory_space<hbm>> -> memref<1x40x128xi32, #tpu.memory_space<hbm>>
      %dma_start3A_61 = tpu.memref_squeeze %dma_start3A_60 : memref<1x40x128xi32, #tpu.memory_space<hbm>> -> memref<40x128xi32, #tpu.memory_space<hbm>>
      %dma_start3A_62 = arith.constant 40 : i32
      %dma_start3A_63 = arith.constant 0 : i32
      %dma_start3A_64 = tpu.memref_slice %arg4[%add3A, %dma_start3A_62, %dma_start3A_63] : memref<32x80x128xi32, #tpu.memory_space<hbm>> -> memref<1x40x128xi32, #tpu.memory_space<hbm>>
      %dma_start3A_65 = tpu.memref_squeeze %dma_start3A_64 : memref<1x40x128xi32, #tpu.memory_space<hbm>> -> memref<40x128xi32, #tpu.memory_space<hbm>>
      tpu.enqueue_dma source(%dma_start3A_65 : memref<40x128xi32, #tpu.memory_space<hbm>>) target(%arg7 : memref<40x128xi32, #tpu.memory_space<vmem>>) target_semaphore(%run_scoped3A : memref<!tpu.dma_semaphore, #tpu.memory_space<semaphore_mem>>)
      %dma_wait3A = arith.constant 40 : i32
      %dma_wait3A_66 = arith.constant 0 : i32
      %dma_wait3A_67 = tpu.memref_slice %arg4[%add3A, %dma_wait3A, %dma_wait3A_66] : memref<32x80x128xi32, #tpu.memory_space<hbm>> -> memref<1x40x128xi32, #tpu.memory_space<hbm>>
      %dma_wait3A_68 = tpu.memref_squeeze %dma_wait3A_67 : memref<1x40x128xi32, #tpu.memory_space<hbm>> -> memref<40x128xi32, #tpu.memory_space<hbm>>
      %dma_wait3A_69 = arith.constant 40 : i32
      %dma_wait3A_70 = arith.constant 0 : i32
      %dma_wait3A_71 = tpu.memref_slice %arg4[%add3A, %dma_wait3A_69, %dma_wait3A_70] : memref<32x80x128xi32, #tpu.memory_space<hbm>> -> memref<1x40x128xi32, #tpu.memory_space<hbm>>
      %dma_wait3A_72 = tpu.memref_squeeze %dma_wait3A_71 : memref<1x40x128xi32, #tpu.memory_space<hbm>> -> memref<40x128xi32, #tpu.memory_space<hbm>>
      tpu.wait_dma2 semaphore(%run_scoped3A : memref<!tpu.dma_semaphore, #tpu.memory_space<semaphore_mem>>) src(%dma_wait3A_72 : memref<40x128xi32, #tpu.memory_space<hbm>>) dst(%arg7 : memref<40x128xi32, #tpu.memory_space<vmem>>)
      tpu.yield
    }) : () -> ()
    %dma_start3A_37 = arith.constant 0 : i32
    %dma_start3A_38 = arith.constant 0 : i32
    %dma_start3A_39 = tpu.memref_slice %arg6[%dma_start3A_37, %dma_start3A_38] : memref<40x128xi32, #tpu.memory_space<vmem>> -> memref<1x128xi32, #tpu.memory_space<vmem>>
    %dma_start3A_40 = tpu.memref_squeeze %dma_start3A_39 : memref<1x128xi32, #tpu.memory_space<vmem>> -> memref<128xi32, #tpu.memory_space<vmem>>
    %dma_start3A_41 = arith.constant 0 : i32
    %dma_start3A_42 = arith.constant 0 : i32
    %dma_start3A_43 = tpu.memref_slice %arg2[%dma_start3A_41, %dma_start3A_42] : memref<10000x128xf32, #tpu.memory_space<hbm>> -> memref<10000x128xf32, #tpu.memory_space<hbm>>
    tpu.enqueue_indirect_dma source(%dma_start3A_43 : memref<10000x128xf32, #tpu.memory_space<hbm>>) target(%arg8 : memref<128x128xf32, #tpu.memory_space<vmem>>) offsets(%dma_start3A_40 : memref<128xi32, #tpu.memory_space<vmem>>) semaphore(%arg11 : memref<!tpu.dma_semaphore, #tpu.memory_space<semaphore_mem>>)
    %dma_start3A_44 = arith.constant 1 : i32
    %dma_start3A_45 = arith.constant 0 : i32
    %dma_start3A_46 = tpu.memref_slice %arg6[%dma_start3A_44, %dma_start3A_45] : memref<40x128xi32, #tpu.memory_space<vmem>> -> memref<1x128xi32, #tpu.memory_space<vmem>>
    %dma_start3A_47 = tpu.memref_squeeze %dma_start3A_46 : memref<1x128xi32, #tpu.memory_space<vmem>> -> memref<128xi32, #tpu.memory_space<vmem>>
    %dma_start3A_48 = arith.constant 0 : i32
    %dma_start3A_49 = arith.constant 0 : i32
    %dma_start3A_50 = tpu.memref_slice %arg2[%dma_start3A_48, %dma_start3A_49] : memref<10000x128xf32, #tpu.memory_space<hbm>> -> memref<10000x128xf32, #tpu.memory_space<hbm>>
    tpu.enqueue_indirect_dma source(%dma_start3A_50 : memref<10000x128xf32, #tpu.memory_space<hbm>>) target(%arg9 : memref<128x128xf32, #tpu.memory_space<vmem>>) offsets(%dma_start3A_47 : memref<128xi32, #tpu.memory_space<vmem>>) semaphore(%arg11 : memref<!tpu.dma_semaphore, #tpu.memory_space<semaphore_mem>>)
    %scan3A_51 = arith.constant 0 : i32
    %scan3A_52 = arith.constant 0 : i32
    %scan3A_53 = arith.constant 20 : i32
    %scan3A_54 = arith.addi %scan3A_52, %scan3A_53 : i32
    %scan3A_55 = arith.constant 1 : i32
    scf.for %scan3A_58 = %scan3A_52 to %scan3A_54 step %scan3A_55  : i32 {
      %mul3A_59 = arith.constant 2 : i32
      %mul3A_60 = arith.muli %scan3A_58, %mul3A_59 : i32
      %dma_wait3A = arith.constant 0 : i32
      %dma_wait3A_61 = tpu.memref_slice %arg6[%mul3A_60, %dma_wait3A] : memref<40x128xi32, #tpu.memory_space<vmem>> -> memref<1x128xi32, #tpu.memory_space<vmem>>
      %dma_wait3A_62 = tpu.memref_squeeze %dma_wait3A_61 : memref<1x128xi32, #tpu.memory_space<vmem>> -> memref<128xi32, #tpu.memory_space<vmem>>
      %dma_wait3A_63 = arith.constant 0 : i32
      %dma_wait3A_64 = arith.constant 0 : i32
      %dma_wait3A_65 = tpu.memref_slice %arg2[%dma_wait3A_63, %dma_wait3A_64] : memref<10000x128xf32, #tpu.memory_space<hbm>> -> memref<10000x128xf32, #tpu.memory_space<hbm>>
      tpu.wait_indirect_dma semaphore(%arg11 : memref<!tpu.dma_semaphore, #tpu.memory_space<semaphore_mem>>) src(%dma_wait3A_65 : memref<10000x128xf32, #tpu.memory_space<hbm>>) dst(%arg8 : memref<128x128xf32, #tpu.memory_space<vmem>>)
      %dma_start3A_66 = arith.constant 0 : i32
      %dma_start3A_67 = tpu.memref_slice %arg7[%mul3A_60, %dma_start3A_66] : memref<40x128xi32, #tpu.memory_space<vmem>> -> memref<1x128xi32, #tpu.memory_space<vmem>>
      %dma_start3A_68 = tpu.memref_squeeze %dma_start3A_67 : memref<1x128xi32, #tpu.memory_space<vmem>> -> memref<128xi32, #tpu.memory_space<vmem>>
      %dma_start3A_69 = arith.constant 0 : i32
      %dma_start3A_70 = arith.constant 0 : i32
      %dma_start3A_71 = tpu.memref_slice %arg10[%dma_start3A_69, %dma_start3A_70] : memref<10240x128xf32, #tpu.memory_space<vmem_shared>> -> memref<10240x128xf32, #tpu.memory_space<vmem_shared>>
      tpu.enqueue_indirect_dma source(%arg8 : memref<128x128xf32, #tpu.memory_space<vmem>>) target(%dma_start3A_71 : memref<10240x128xf32, #tpu.memory_space<vmem_shared>>) offsets(%dma_start3A_68 : memref<128xi32, #tpu.memory_space<vmem>>) semaphore(%arg12 : memref<!tpu.dma_semaphore, #tpu.memory_space<semaphore_mem>>) {add = true}
      %add3A_72 = arith.constant 1 : i32
      %add3A_73 = arith.addi %mul3A_60, %add3A_72 : i32
      %dma_wait3A_74 = arith.constant 0 : i32
      %dma_wait3A_75 = tpu.memref_slice %arg6[%add3A_73, %dma_wait3A_74] : memref<40x128xi32, #tpu.memory_space<vmem>> -> memref<1x128xi32, #tpu.memory_space<vmem>>
      %dma_wait3A_76 = tpu.memref_squeeze %dma_wait3A_75 : memref<1x128xi32, #tpu.memory_space<vmem>> -> memref<128xi32, #tpu.memory_space<vmem>>
      %dma_wait3A_77 = arith.constant 0 : i32
      %dma_wait3A_78 = arith.constant 0 : i32
      %dma_wait3A_79 = tpu.memref_slice %arg2[%dma_wait3A_77, %dma_wait3A_78] : memref<10000x128xf32, #tpu.memory_space<hbm>> -> memref<10000x128xf32, #tpu.memory_space<hbm>>
      tpu.wait_indirect_dma semaphore(%arg11 : memref<!tpu.dma_semaphore, #tpu.memory_space<semaphore_mem>>) src(%dma_wait3A_79 : memref<10000x128xf32, #tpu.memory_space<hbm>>) dst(%arg9 : memref<128x128xf32, #tpu.memory_space<vmem>>)
      %dma_wait3A_80 = arith.constant 0 : i32
      %dma_wait3A_81 = tpu.memref_slice %arg7[%mul3A_60, %dma_wait3A_80] : memref<40x128xi32, #tpu.memory_space<vmem>> -> memref<1x128xi32, #tpu.memory_space<vmem>>
      %dma_wait3A_82 = tpu.memref_squeeze %dma_wait3A_81 : memref<1x128xi32, #tpu.memory_space<vmem>> -> memref<128xi32, #tpu.memory_space<vmem>>
      %dma_wait3A_83 = arith.constant 0 : i32
      %dma_wait3A_84 = arith.constant 0 : i32
      %dma_wait3A_85 = tpu.memref_slice %arg10[%dma_wait3A_83, %dma_wait3A_84] : memref<10240x128xf32, #tpu.memory_space<vmem_shared>> -> memref<10240x128xf32, #tpu.memory_space<vmem_shared>>
      tpu.wait_indirect_dma semaphore(%arg12 : memref<!tpu.dma_semaphore, #tpu.memory_space<semaphore_mem>>) src(%arg8 : memref<128x128xf32, #tpu.memory_space<vmem>>) dst(%dma_wait3A_85 : memref<10240x128xf32, #tpu.memory_space<vmem_shared>>)
      %add3A_86 = arith.constant 2 : i32
      %add3A_87 = arith.addi %mul3A_60, %add3A_86 : i32
      %lt3A = arith.constant 40 : i32
      %lt3A_88 = arith.cmpi slt, %add3A_87, %lt3A : i32
      %convert_element_type3A = arith.extui %lt3A_88 : i1 to i32
      %cond3A = arith.constant 0 : i32
      %cond3A_89 = arith.cmpi ne, %convert_element_type3A, %cond3A : i32
      scf.if %cond3A_89 {
        %add3A_113 = arith.constant 2 : i32
        %add3A_114 = arith.addi %mul3A_60, %add3A_113 : i32
        %dma_start3A_115 = arith.constant 0 : i32
        %dma_start3A_116 = tpu.memref_slice %arg6[%add3A_114, %dma_start3A_115] : memref<40x128xi32, #tpu.memory_space<vmem>> -> memref<1x128xi32, #tpu.memory_space<vmem>>
        %dma_start3A_117 = tpu.memref_squeeze %dma_start3A_116 : memref<1x128xi32, #tpu.memory_space<vmem>> -> memref<128xi32, #tpu.memory_space<vmem>>
        %dma_start3A_118 = arith.constant 0 : i32
        %dma_start3A_119 = arith.constant 0 : i32
        %dma_start3A_120 = tpu.memref_slice %arg2[%dma_start3A_118, %dma_start3A_119] : memref<10000x128xf32, #tpu.memory_space<hbm>> -> memref<10000x128xf32, #tpu.memory_space<hbm>>
        tpu.enqueue_indirect_dma source(%dma_start3A_120 : memref<10000x128xf32, #tpu.memory_space<hbm>>) target(%arg8 : memref<128x128xf32, #tpu.memory_space<vmem>>) offsets(%dma_start3A_117 : memref<128xi32, #tpu.memory_space<vmem>>) semaphore(%arg11 : memref<!tpu.dma_semaphore, #tpu.memory_space<semaphore_mem>>)
      } else {
      }
      %add3A_90 = arith.constant 1 : i32
      %add3A_91 = arith.addi %mul3A_60, %add3A_90 : i32
      %dma_start3A_92 = arith.constant 0 : i32
      %dma_start3A_93 = tpu.memref_slice %arg7[%add3A_91, %dma_start3A_92] : memref<40x128xi32, #tpu.memory_space<vmem>> -> memref<1x128xi32, #tpu.memory_space<vmem>>
      %dma_start3A_94 = tpu.memref_squeeze %dma_start3A_93 : memref<1x128xi32, #tpu.memory_space<vmem>> -> memref<128xi32, #tpu.memory_space<vmem>>
      %dma_start3A_95 = arith.constant 0 : i32
      %dma_start3A_96 = arith.constant 0 : i32
      %dma_start3A_97 = tpu.memref_slice %arg10[%dma_start3A_95, %dma_start3A_96] : memref<10240x128xf32, #tpu.memory_space<vmem_shared>> -> memref<10240x128xf32, #tpu.memory_space<vmem_shared>>
      tpu.enqueue_indirect_dma source(%arg9 : memref<128x128xf32, #tpu.memory_space<vmem>>) target(%dma_start3A_97 : memref<10240x128xf32, #tpu.memory_space<vmem_shared>>) offsets(%dma_start3A_94 : memref<128xi32, #tpu.memory_space<vmem>>) semaphore(%arg12 : memref<!tpu.dma_semaphore, #tpu.memory_space<semaphore_mem>>) {add = true}
      %add3A_98 = arith.constant 1 : i32
      %add3A_99 = arith.addi %mul3A_60, %add3A_98 : i32
      %dma_wait3A_100 = arith.constant 0 : i32
      %dma_wait3A_101 = tpu.memref_slice %arg7[%add3A_99, %dma_wait3A_100] : memref<40x128xi32, #tpu.memory_space<vmem>> -> memref<1x128xi32, #tpu.memory_space<vmem>>
      %dma_wait3A_102 = tpu.memref_squeeze %dma_wait3A_101 : memref<1x128xi32, #tpu.memory_space<vmem>> -> memref<128xi32, #tpu.memory_space<vmem>>
      %dma_wait3A_103 = arith.constant 0 : i32
      %dma_wait3A_104 = arith.constant 0 : i32
      %dma_wait3A_105 = tpu.memref_slice %arg10[%dma_wait3A_103, %dma_wait3A_104] : memref<10240x128xf32, #tpu.memory_space<vmem_shared>> -> memref<10240x128xf32, #tpu.memory_space<vmem_shared>>
      tpu.wait_indirect_dma semaphore(%arg12 : memref<!tpu.dma_semaphore, #tpu.memory_space<semaphore_mem>>) src(%arg9 : memref<128x128xf32, #tpu.memory_space<vmem>>) dst(%dma_wait3A_105 : memref<10240x128xf32, #tpu.memory_space<vmem_shared>>)
      %add3A_106 = arith.constant 3 : i32
      %add3A_107 = arith.addi %mul3A_60, %add3A_106 : i32
      %lt3A_108 = arith.constant 40 : i32
      %lt3A_109 = arith.cmpi slt, %add3A_107, %lt3A_108 : i32
      %convert_element_type3A_110 = arith.extui %lt3A_109 : i1 to i32
      %cond3A_111 = arith.constant 0 : i32
      %cond3A_112 = arith.cmpi ne, %convert_element_type3A_110, %cond3A_111 : i32
      scf.if %cond3A_112 {
        %add3A_113 = arith.constant 3 : i32
        %add3A_114 = arith.addi %mul3A_60, %add3A_113 : i32
        %dma_start3A_115 = arith.constant 0 : i32
        %dma_start3A_116 = tpu.memref_slice %arg6[%add3A_114, %dma_start3A_115] : memref<40x128xi32, #tpu.memory_space<vmem>> -> memref<1x128xi32, #tpu.memory_space<vmem>>
        %dma_start3A_117 = tpu.memref_squeeze %dma_start3A_116 : memref<1x128xi32, #tpu.memory_space<vmem>> -> memref<128xi32, #tpu.memory_space<vmem>>
        %dma_start3A_118 = arith.constant 0 : i32
        %dma_start3A_119 = arith.constant 0 : i32
        %dma_start3A_120 = tpu.memref_slice %arg2[%dma_start3A_118, %dma_start3A_119] : memref<10000x128xf32, #tpu.memory_space<hbm>> -> memref<10000x128xf32, #tpu.memory_space<hbm>>
        tpu.enqueue_indirect_dma source(%dma_start3A_120 : memref<10000x128xf32, #tpu.memory_space<hbm>>) target(%arg9 : memref<128x128xf32, #tpu.memory_space<vmem>>) offsets(%dma_start3A_117 : memref<128xi32, #tpu.memory_space<vmem>>) semaphore(%arg11 : memref<!tpu.dma_semaphore, #tpu.memory_space<semaphore_mem>>)
      } else {
      }
    }
    %scan3A_56 = arith.constant 20 : i32
    %barrier3A_57 = arith.constant 0 : index
    tpu.barrier barrier_id(%barrier3A_57)
    "tpu.region"() ({
      %run_scoped3A = tpu.sem_alloc : memref<!tpu.dma_semaphore, #tpu.memory_space<semaphore_mem>>
      %dma_start3A_58 = arith.constant 0 : i32
      %dma_start3A_59 = tpu.memref_slice %arg5[%arg0, %multiple_of3A, %dma_start3A_58] : memref<2x10240x128xf32, #tpu.memory_space<hbm>> -> memref<1x640x128xf32, #tpu.memory_space<hbm>>
      %dma_start3A_60 = tpu.memref_squeeze %dma_start3A_59 : memref<1x640x128xf32, #tpu.memory_space<hbm>> -> memref<640x128xf32, #tpu.memory_space<hbm>>
      %dma_start3A_61 = arith.constant 0 : i32
      %dma_start3A_62 = tpu.memref_slice %arg10[%multiple_of3A, %dma_start3A_61] : memref<10240x128xf32, #tpu.memory_space<vmem_shared>> -> memref<640x128xf32, #tpu.memory_space<vmem_shared>>
      tpu.enqueue_dma source(%dma_start3A_62 : memref<640x128xf32, #tpu.memory_space<vmem_shared>>) target(%dma_start3A_60 : memref<640x128xf32, #tpu.memory_space<hbm>>) target_semaphore(%run_scoped3A : memref<!tpu.dma_semaphore, #tpu.memory_space<semaphore_mem>>)
      %dma_wait3A = arith.constant 0 : i32
      %dma_wait3A_63 = tpu.memref_slice %arg5[%arg0, %multiple_of3A, %dma_wait3A] : memref<2x10240x128xf32, #tpu.memory_space<hbm>> -> memref<1x640x128xf32, #tpu.memory_space<hbm>>
      %dma_wait3A_64 = tpu.memref_squeeze %dma_wait3A_63 : memref<1x640x128xf32, #tpu.memory_space<hbm>> -> memref<640x128xf32, #tpu.memory_space<hbm>>
      %dma_wait3A_65 = arith.constant 0 : i32
      %dma_wait3A_66 = tpu.memref_slice %arg10[%multiple_of3A, %dma_wait3A_65] : memref<10240x128xf32, #tpu.memory_space<vmem_shared>> -> memref<640x128xf32, #tpu.memory_space<vmem_shared>>
      tpu.wait_dma2 semaphore(%run_scoped3A : memref<!tpu.dma_semaphore, #tpu.memory_space<semaphore_mem>>) src(%dma_wait3A_66 : memref<640x128xf32, #tpu.memory_space<vmem_shared>>) dst(%dma_wait3A_64 : memref<640x128xf32, #tpu.memory_space<hbm>>)
      tpu.yield
    }) : () -> ()
    return
  }
}

#map = affine_map<(d0, d1) -> (0)>
#map1 = affine_map<(d0, d1) -> (0, 0, 0)>
#map2 = affine_map<(d0, d1) -> (0, 0)>
module attributes {stable_mosaic.version = 14 : i64} {
  func.func @_sc_agg2(%arg0: i32, %arg1: i32, %arg2: memref<10240xf32, #tpu.memory_space<hbm>>, %arg3: memref<32x80x128xi32, #tpu.memory_space<hbm>>, %arg4: memref<32x80x128xi32, #tpu.memory_space<hbm>>, %arg5: memref<10240xf32, #tpu.memory_space<hbm>>, %arg6: memref<16xf32, #tpu.memory_space<hbm>>, %arg7: memref<2x10240xf32, #tpu.memory_space<hbm>>, %arg8: memref<80x128xi32, #tpu.memory_space<vmem>>, %arg9: memref<80x128xi32, #tpu.memory_space<vmem>>, %arg10: memref<10000xf32, #tpu.memory_space<vmem>>, %arg11: memref<16xf32, #tpu.memory_space<vmem>>, %arg12: memref<128xf32, #tpu.memory_space<vmem>>, %arg13: memref<128xf32, #tpu.memory_space<vmem>>, %arg14: memref<640xf32, #tpu.memory_space<vmem>>, %arg15: memref<1280xf32, #tpu.memory_space<vmem>>, %arg16: memref<10240xf32, #tpu.memory_space<vmem_shared>>, %arg17: memref<!tpu.dma_semaphore, #tpu.memory_space<semaphore_mem>>) attributes {dimension_semantics = [#tpu.dimension_semantics<core_parallel>, #tpu.dimension_semantics<subcore_parallel>], iteration_bounds = array<i64: 2, 16>, scalar_prefetch = 0 : i64, scratch_operands = 10 : i64, tpu.core_type = #tpu.core_type<sc_vector_subcore>, window_params = [{transform_indices = #map}, {transform_indices = #map1}, {transform_indices = #map1}, {transform_indices = #map}, {transform_indices = #map}, {transform_indices = #map2}]} {
    %mul3A = arith.constant 16 : i32
    %mul3A_0 = arith.muli %arg0, %mul3A : i32
    %add3A = arith.addi %mul3A_0, %arg1 : i32
    %broadcast_in_dim3A = arith.constant 0.000000e+00 : f32
    %broadcast_in_dim3A_1 = vector.broadcast %broadcast_in_dim3A : f32 to vector<16xf32>
    %swap3A = arith.constant 0 : index
    %swap3A_2 = tpu.vector_load %arg14[%swap3A] {strides = array<i32>} : memref<640xf32, #tpu.memory_space<vmem>>, vector<16xf32>,
    tpu.vector_store %arg14[%swap3A], %broadcast_in_dim3A_1 {strides = array<i32>} : memref<640xf32, #tpu.memory_space<vmem>>, vector<16xf32>,
    %broadcast_in_dim3A_3 = arith.constant 0.000000e+00 : f32
    %broadcast_in_dim3A_4 = vector.broadcast %broadcast_in_dim3A_3 : f32 to vector<16xf32>
    %swap3A_5 = arith.constant 16 : index
    %swap3A_6 = tpu.vector_load %arg14[%swap3A_5] {strides = array<i32>} : memref<640xf32, #tpu.memory_space<vmem>>, vector<16xf32>,
    tpu.vector_store %arg14[%swap3A_5], %broadcast_in_dim3A_4 {strides = array<i32>} : memref<640xf32, #tpu.memory_space<vmem>>, vector<16xf32>,
    %broadcast_in_dim3A_7 = arith.constant 0.000000e+00 : f32
    %broadcast_in_dim3A_8 = vector.broadcast %broadcast_in_dim3A_7 : f32 to vector<16xf32>
    %swap3A_9 = arith.constant 32 : index
    %swap3A_10 = tpu.vector_load %arg14[%swap3A_9] {strides = array<i32>} : memref<640xf32, #tpu.memory_space<vmem>>, vector<16xf32>,
    tpu.vector_store %arg14[%swap3A_9], %broadcast_in_dim3A_8 {strides = array<i32>} : memref<640xf32, #tpu.memory_space<vmem>>, vector<16xf32>,
    %broadcast_in_dim3A_11 = arith.constant 0.000000e+00 : f32
    %broadcast_in_dim3A_12 = vector.broadcast %broadcast_in_dim3A_11 : f32 to vector<16xf32>
    %swap3A_13 = arith.constant 48 : index
    %swap3A_14 = tpu.vector_load %arg14[%swap3A_13] {strides = array<i32>} : memref<640xf32, #tpu.memory_space<vmem>>, vector<16xf32>,
    tpu.vector_store %arg14[%swap3A_13], %broadcast_in_dim3A_12 {strides = array<i32>} : memref<640xf32, #tpu.memory_space<vmem>>, vector<16xf32>,
    %broadcast_in_dim3A_15 = arith.constant 0.000000e+00 : f32
    %broadcast_in_dim3A_16 = vector.broadcast %broadcast_in_dim3A_15 : f32 to vector<16xf32>
    %swap3A_17 = arith.constant 64 : index
    %swap3A_18 = tpu.vector_load %arg14[%swap3A_17] {strides = array<i32>} : memref<640xf32, #tpu.memory_space<vmem>>, vector<16xf32>,
    tpu.vector_store %arg14[%swap3A_17], %broadcast_in_dim3A_16 {strides = array<i32>} : memref<640xf32, #tpu.memory_space<vmem>>, vector<16xf32>,
    %broadcast_in_dim3A_19 = arith.constant 0.000000e+00 : f32
    %broadcast_in_dim3A_20 = vector.broadcast %broadcast_in_dim3A_19 : f32 to vector<16xf32>
    %swap3A_21 = arith.constant 80 : index
    %swap3A_22 = tpu.vector_load %arg14[%swap3A_21] {strides = array<i32>} : memref<640xf32, #tpu.memory_space<vmem>>, vector<16xf32>,
    tpu.vector_store %arg14[%swap3A_21], %broadcast_in_dim3A_20 {strides = array<i32>} : memref<640xf32, #tpu.memory_space<vmem>>, vector<16xf32>,
    %broadcast_in_dim3A_23 = arith.constant 0.000000e+00 : f32
    %broadcast_in_dim3A_24 = vector.broadcast %broadcast_in_dim3A_23 : f32 to vector<16xf32>
    %swap3A_25 = arith.constant 96 : index
    %swap3A_26 = tpu.vector_load %arg14[%swap3A_25] {strides = array<i32>} : memref<640xf32, #tpu.memory_space<vmem>>, vector<16xf32>,
    tpu.vector_store %arg14[%swap3A_25], %broadcast_in_dim3A_24 {strides = array<i32>} : memref<640xf32, #tpu.memory_space<vmem>>, vector<16xf32>,
    %broadcast_in_dim3A_27 = arith.constant 0.000000e+00 : f32
    %broadcast_in_dim3A_28 = vector.broadcast %broadcast_in_dim3A_27 : f32 to vector<16xf32>
    %swap3A_29 = arith.constant 112 : index
    %swap3A_30 = tpu.vector_load %arg14[%swap3A_29] {strides = array<i32>} : memref<640xf32, #tpu.memory_space<vmem>>, vector<16xf32>,
    tpu.vector_store %arg14[%swap3A_29], %broadcast_in_dim3A_28 {strides = array<i32>} : memref<640xf32, #tpu.memory_space<vmem>>, vector<16xf32>,
    %broadcast_in_dim3A_31 = arith.constant 0.000000e+00 : f32
    %broadcast_in_dim3A_32 = vector.broadcast %broadcast_in_dim3A_31 : f32 to vector<16xf32>
    %swap3A_33 = arith.constant 128 : index
    %swap3A_34 = tpu.vector_load %arg14[%swap3A_33] {strides = array<i32>} : memref<640xf32, #tpu.memory_space<vmem>>, vector<16xf32>,
    tpu.vector_store %arg14[%swap3A_33], %broadcast_in_dim3A_32 {strides = array<i32>} : memref<640xf32, #tpu.memory_space<vmem>>, vector<16xf32>,
    %broadcast_in_dim3A_35 = arith.constant 0.000000e+00 : f32
    %broadcast_in_dim3A_36 = vector.broadcast %broadcast_in_dim3A_35 : f32 to vector<16xf32>
    %swap3A_37 = arith.constant 144 : index
    %swap3A_38 = tpu.vector_load %arg14[%swap3A_37] {strides = array<i32>} : memref<640xf32, #tpu.memory_space<vmem>>, vector<16xf32>,
    tpu.vector_store %arg14[%swap3A_37], %broadcast_in_dim3A_36 {strides = array<i32>} : memref<640xf32, #tpu.memory_space<vmem>>, vector<16xf32>,
    %broadcast_in_dim3A_39 = arith.constant 0.000000e+00 : f32
    %broadcast_in_dim3A_40 = vector.broadcast %broadcast_in_dim3A_39 : f32 to vector<16xf32>
    %swap3A_41 = arith.constant 160 : index
    %swap3A_42 = tpu.vector_load %arg14[%swap3A_41] {strides = array<i32>} : memref<640xf32, #tpu.memory_space<vmem>>, vector<16xf32>,
    tpu.vector_store %arg14[%swap3A_41], %broadcast_in_dim3A_40 {strides = array<i32>} : memref<640xf32, #tpu.memory_space<vmem>>, vector<16xf32>,
    %broadcast_in_dim3A_43 = arith.constant 0.000000e+00 : f32
    %broadcast_in_dim3A_44 = vector.broadcast %broadcast_in_dim3A_43 : f32 to vector<16xf32>
    %swap3A_45 = arith.constant 176 : index
    %swap3A_46 = tpu.vector_load %arg14[%swap3A_45] {strides = array<i32>} : memref<640xf32, #tpu.memory_space<vmem>>, vector<16xf32>,
    tpu.vector_store %arg14[%swap3A_45], %broadcast_in_dim3A_44 {strides = array<i32>} : memref<640xf32, #tpu.memory_space<vmem>>, vector<16xf32>,
    %broadcast_in_dim3A_47 = arith.constant 0.000000e+00 : f32
    %broadcast_in_dim3A_48 = vector.broadcast %broadcast_in_dim3A_47 : f32 to vector<16xf32>
    %swap3A_49 = arith.constant 192 : index
    %swap3A_50 = tpu.vector_load %arg14[%swap3A_49] {strides = array<i32>} : memref<640xf32, #tpu.memory_space<vmem>>, vector<16xf32>,
    tpu.vector_store %arg14[%swap3A_49], %broadcast_in_dim3A_48 {strides = array<i32>} : memref<640xf32, #tpu.memory_space<vmem>>, vector<16xf32>,
    %broadcast_in_dim3A_51 = arith.constant 0.000000e+00 : f32
    %broadcast_in_dim3A_52 = vector.broadcast %broadcast_in_dim3A_51 : f32 to vector<16xf32>
    %swap3A_53 = arith.constant 208 : index
    %swap3A_54 = tpu.vector_load %arg14[%swap3A_53] {strides = array<i32>} : memref<640xf32, #tpu.memory_space<vmem>>, vector<16xf32>,
    tpu.vector_store %arg14[%swap3A_53], %broadcast_in_dim3A_52 {strides = array<i32>} : memref<640xf32, #tpu.memory_space<vmem>>, vector<16xf32>,
    %broadcast_in_dim3A_55 = arith.constant 0.000000e+00 : f32
    %broadcast_in_dim3A_56 = vector.broadcast %broadcast_in_dim3A_55 : f32 to vector<16xf32>
    %swap3A_57 = arith.constant 224 : index
    %swap3A_58 = tpu.vector_load %arg14[%swap3A_57] {strides = array<i32>} : memref<640xf32, #tpu.memory_space<vmem>>, vector<16xf32>,
    tpu.vector_store %arg14[%swap3A_57], %broadcast_in_dim3A_56 {strides = array<i32>} : memref<640xf32, #tpu.memory_space<vmem>>, vector<16xf32>,
    %broadcast_in_dim3A_59 = arith.constant 0.000000e+00 : f32
    %broadcast_in_dim3A_60 = vector.broadcast %broadcast_in_dim3A_59 : f32 to vector<16xf32>
    %swap3A_61 = arith.constant 240 : index
    %swap3A_62 = tpu.vector_load %arg14[%swap3A_61] {strides = array<i32>} : memref<640xf32, #tpu.memory_space<vmem>>, vector<16xf32>,
    tpu.vector_store %arg14[%swap3A_61], %broadcast_in_dim3A_60 {strides = array<i32>} : memref<640xf32, #tpu.memory_space<vmem>>, vector<16xf32>,
    %broadcast_in_dim3A_63 = arith.constant 0.000000e+00 : f32
    %broadcast_in_dim3A_64 = vector.broadcast %broadcast_in_dim3A_63 : f32 to vector<16xf32>
    %swap3A_65 = arith.constant 256 : index
    %swap3A_66 = tpu.vector_load %arg14[%swap3A_65] {strides = array<i32>} : memref<640xf32, #tpu.memory_space<vmem>>, vector<16xf32>,
    tpu.vector_store %arg14[%swap3A_65], %broadcast_in_dim3A_64 {strides = array<i32>} : memref<640xf32, #tpu.memory_space<vmem>>, vector<16xf32>,
    %broadcast_in_dim3A_67 = arith.constant 0.000000e+00 : f32
    %broadcast_in_dim3A_68 = vector.broadcast %broadcast_in_dim3A_67 : f32 to vector<16xf32>
    %swap3A_69 = arith.constant 272 : index
    %swap3A_70 = tpu.vector_load %arg14[%swap3A_69] {strides = array<i32>} : memref<640xf32, #tpu.memory_space<vmem>>, vector<16xf32>,
    tpu.vector_store %arg14[%swap3A_69], %broadcast_in_dim3A_68 {strides = array<i32>} : memref<640xf32, #tpu.memory_space<vmem>>, vector<16xf32>,
    %broadcast_in_dim3A_71 = arith.constant 0.000000e+00 : f32
    %broadcast_in_dim3A_72 = vector.broadcast %broadcast_in_dim3A_71 : f32 to vector<16xf32>
    %swap3A_73 = arith.constant 288 : index
    %swap3A_74 = tpu.vector_load %arg14[%swap3A_73] {strides = array<i32>} : memref<640xf32, #tpu.memory_space<vmem>>, vector<16xf32>,
    tpu.vector_store %arg14[%swap3A_73], %broadcast_in_dim3A_72 {strides = array<i32>} : memref<640xf32, #tpu.memory_space<vmem>>, vector<16xf32>,
    %broadcast_in_dim3A_75 = arith.constant 0.000000e+00 : f32
    %broadcast_in_dim3A_76 = vector.broadcast %broadcast_in_dim3A_75 : f32 to vector<16xf32>
    %swap3A_77 = arith.constant 304 : index
    %swap3A_78 = tpu.vector_load %arg14[%swap3A_77] {strides = array<i32>} : memref<640xf32, #tpu.memory_space<vmem>>, vector<16xf32>,
    tpu.vector_store %arg14[%swap3A_77], %broadcast_in_dim3A_76 {strides = array<i32>} : memref<640xf32, #tpu.memory_space<vmem>>, vector<16xf32>,
    %broadcast_in_dim3A_79 = arith.constant 0.000000e+00 : f32
    %broadcast_in_dim3A_80 = vector.broadcast %broadcast_in_dim3A_79 : f32 to vector<16xf32>
    %swap3A_81 = arith.constant 320 : index
    %swap3A_82 = tpu.vector_load %arg14[%swap3A_81] {strides = array<i32>} : memref<640xf32, #tpu.memory_space<vmem>>, vector<16xf32>,
    tpu.vector_store %arg14[%swap3A_81], %broadcast_in_dim3A_80 {strides = array<i32>} : memref<640xf32, #tpu.memory_space<vmem>>, vector<16xf32>,
    %broadcast_in_dim3A_83 = arith.constant 0.000000e+00 : f32
    %broadcast_in_dim3A_84 = vector.broadcast %broadcast_in_dim3A_83 : f32 to vector<16xf32>
    %swap3A_85 = arith.constant 336 : index
    %swap3A_86 = tpu.vector_load %arg14[%swap3A_85] {strides = array<i32>} : memref<640xf32, #tpu.memory_space<vmem>>, vector<16xf32>,
    tpu.vector_store %arg14[%swap3A_85], %broadcast_in_dim3A_84 {strides = array<i32>} : memref<640xf32, #tpu.memory_space<vmem>>, vector<16xf32>,
    %broadcast_in_dim3A_87 = arith.constant 0.000000e+00 : f32
    %broadcast_in_dim3A_88 = vector.broadcast %broadcast_in_dim3A_87 : f32 to vector<16xf32>
    %swap3A_89 = arith.constant 352 : index
    %swap3A_90 = tpu.vector_load %arg14[%swap3A_89] {strides = array<i32>} : memref<640xf32, #tpu.memory_space<vmem>>, vector<16xf32>,
    tpu.vector_store %arg14[%swap3A_89], %broadcast_in_dim3A_88 {strides = array<i32>} : memref<640xf32, #tpu.memory_space<vmem>>, vector<16xf32>,
    %broadcast_in_dim3A_91 = arith.constant 0.000000e+00 : f32
    %broadcast_in_dim3A_92 = vector.broadcast %broadcast_in_dim3A_91 : f32 to vector<16xf32>
    %swap3A_93 = arith.constant 368 : index
    %swap3A_94 = tpu.vector_load %arg14[%swap3A_93] {strides = array<i32>} : memref<640xf32, #tpu.memory_space<vmem>>, vector<16xf32>,
    tpu.vector_store %arg14[%swap3A_93], %broadcast_in_dim3A_92 {strides = array<i32>} : memref<640xf32, #tpu.memory_space<vmem>>, vector<16xf32>,
    %broadcast_in_dim3A_95 = arith.constant 0.000000e+00 : f32
    %broadcast_in_dim3A_96 = vector.broadcast %broadcast_in_dim3A_95 : f32 to vector<16xf32>
    %swap3A_97 = arith.constant 384 : index
    %swap3A_98 = tpu.vector_load %arg14[%swap3A_97] {strides = array<i32>} : memref<640xf32, #tpu.memory_space<vmem>>, vector<16xf32>,
    tpu.vector_store %arg14[%swap3A_97], %broadcast_in_dim3A_96 {strides = array<i32>} : memref<640xf32, #tpu.memory_space<vmem>>, vector<16xf32>,
    %broadcast_in_dim3A_99 = arith.constant 0.000000e+00 : f32
    %broadcast_in_dim3A_100 = vector.broadcast %broadcast_in_dim3A_99 : f32 to vector<16xf32>
    %swap3A_101 = arith.constant 400 : index
    %swap3A_102 = tpu.vector_load %arg14[%swap3A_101] {strides = array<i32>} : memref<640xf32, #tpu.memory_space<vmem>>, vector<16xf32>,
    tpu.vector_store %arg14[%swap3A_101], %broadcast_in_dim3A_100 {strides = array<i32>} : memref<640xf32, #tpu.memory_space<vmem>>, vector<16xf32>,
    %broadcast_in_dim3A_103 = arith.constant 0.000000e+00 : f32
    %broadcast_in_dim3A_104 = vector.broadcast %broadcast_in_dim3A_103 : f32 to vector<16xf32>
    %swap3A_105 = arith.constant 416 : index
    %swap3A_106 = tpu.vector_load %arg14[%swap3A_105] {strides = array<i32>} : memref<640xf32, #tpu.memory_space<vmem>>, vector<16xf32>,
    tpu.vector_store %arg14[%swap3A_105], %broadcast_in_dim3A_104 {strides = array<i32>} : memref<640xf32, #tpu.memory_space<vmem>>, vector<16xf32>,
    %broadcast_in_dim3A_107 = arith.constant 0.000000e+00 : f32
    %broadcast_in_dim3A_108 = vector.broadcast %broadcast_in_dim3A_107 : f32 to vector<16xf32>
    %swap3A_109 = arith.constant 432 : index
    %swap3A_110 = tpu.vector_load %arg14[%swap3A_109] {strides = array<i32>} : memref<640xf32, #tpu.memory_space<vmem>>, vector<16xf32>,
    tpu.vector_store %arg14[%swap3A_109], %broadcast_in_dim3A_108 {strides = array<i32>} : memref<640xf32, #tpu.memory_space<vmem>>, vector<16xf32>,
    %broadcast_in_dim3A_111 = arith.constant 0.000000e+00 : f32
    %broadcast_in_dim3A_112 = vector.broadcast %broadcast_in_dim3A_111 : f32 to vector<16xf32>
    %swap3A_113 = arith.constant 448 : index
    %swap3A_114 = tpu.vector_load %arg14[%swap3A_113] {strides = array<i32>} : memref<640xf32, #tpu.memory_space<vmem>>, vector<16xf32>,
    tpu.vector_store %arg14[%swap3A_113], %broadcast_in_dim3A_112 {strides = array<i32>} : memref<640xf32, #tpu.memory_space<vmem>>, vector<16xf32>,
    %broadcast_in_dim3A_115 = arith.constant 0.000000e+00 : f32
    %broadcast_in_dim3A_116 = vector.broadcast %broadcast_in_dim3A_115 : f32 to vector<16xf32>
    %swap3A_117 = arith.constant 464 : index
    %swap3A_118 = tpu.vector_load %arg14[%swap3A_117] {strides = array<i32>} : memref<640xf32, #tpu.memory_space<vmem>>, vector<16xf32>,
    tpu.vector_store %arg14[%swap3A_117], %broadcast_in_dim3A_116 {strides = array<i32>} : memref<640xf32, #tpu.memory_space<vmem>>, vector<16xf32>,
    %broadcast_in_dim3A_119 = arith.constant 0.000000e+00 : f32
    %broadcast_in_dim3A_120 = vector.broadcast %broadcast_in_dim3A_119 : f32 to vector<16xf32>
    %swap3A_121 = arith.constant 480 : index
    %swap3A_122 = tpu.vector_load %arg14[%swap3A_121] {strides = array<i32>} : memref<640xf32, #tpu.memory_space<vmem>>, vector<16xf32>,
    tpu.vector_store %arg14[%swap3A_121], %broadcast_in_dim3A_120 {strides = array<i32>} : memref<640xf32, #tpu.memory_space<vmem>>, vector<16xf32>,
    %broadcast_in_dim3A_123 = arith.constant 0.000000e+00 : f32
    %broadcast_in_dim3A_124 = vector.broadcast %broadcast_in_dim3A_123 : f32 to vector<16xf32>
    %swap3A_125 = arith.constant 496 : index
    %swap3A_126 = tpu.vector_load %arg14[%swap3A_125] {strides = array<i32>} : memref<640xf32, #tpu.memory_space<vmem>>, vector<16xf32>,
    tpu.vector_store %arg14[%swap3A_125], %broadcast_in_dim3A_124 {strides = array<i32>} : memref<640xf32, #tpu.memory_space<vmem>>, vector<16xf32>,
    %broadcast_in_dim3A_127 = arith.constant 0.000000e+00 : f32
    %broadcast_in_dim3A_128 = vector.broadcast %broadcast_in_dim3A_127 : f32 to vector<16xf32>
    %swap3A_129 = arith.constant 512 : index
    %swap3A_130 = tpu.vector_load %arg14[%swap3A_129] {strides = array<i32>} : memref<640xf32, #tpu.memory_space<vmem>>, vector<16xf32>,
    tpu.vector_store %arg14[%swap3A_129], %broadcast_in_dim3A_128 {strides = array<i32>} : memref<640xf32, #tpu.memory_space<vmem>>, vector<16xf32>,
    %broadcast_in_dim3A_131 = arith.constant 0.000000e+00 : f32
    %broadcast_in_dim3A_132 = vector.broadcast %broadcast_in_dim3A_131 : f32 to vector<16xf32>
    %swap3A_133 = arith.constant 528 : index
    %swap3A_134 = tpu.vector_load %arg14[%swap3A_133] {strides = array<i32>} : memref<640xf32, #tpu.memory_space<vmem>>, vector<16xf32>,
    tpu.vector_store %arg14[%swap3A_133], %broadcast_in_dim3A_132 {strides = array<i32>} : memref<640xf32, #tpu.memory_space<vmem>>, vector<16xf32>,
    %broadcast_in_dim3A_135 = arith.constant 0.000000e+00 : f32
    %broadcast_in_dim3A_136 = vector.broadcast %broadcast_in_dim3A_135 : f32 to vector<16xf32>
    %swap3A_137 = arith.constant 544 : index
    %swap3A_138 = tpu.vector_load %arg14[%swap3A_137] {strides = array<i32>} : memref<640xf32, #tpu.memory_space<vmem>>, vector<16xf32>,
    tpu.vector_store %arg14[%swap3A_137], %broadcast_in_dim3A_136 {strides = array<i32>} : memref<640xf32, #tpu.memory_space<vmem>>, vector<16xf32>,
    %broadcast_in_dim3A_139 = arith.constant 0.000000e+00 : f32
    %broadcast_in_dim3A_140 = vector.broadcast %broadcast_in_dim3A_139 : f32 to vector<16xf32>
    %swap3A_141 = arith.constant 560 : index
    %swap3A_142 = tpu.vector_load %arg14[%swap3A_141] {strides = array<i32>} : memref<640xf32, #tpu.memory_space<vmem>>, vector<16xf32>,
    tpu.vector_store %arg14[%swap3A_141], %broadcast_in_dim3A_140 {strides = array<i32>} : memref<640xf32, #tpu.memory_space<vmem>>, vector<16xf32>,
    %broadcast_in_dim3A_143 = arith.constant 0.000000e+00 : f32
    %broadcast_in_dim3A_144 = vector.broadcast %broadcast_in_dim3A_143 : f32 to vector<16xf32>
    %swap3A_145 = arith.constant 576 : index
    %swap3A_146 = tpu.vector_load %arg14[%swap3A_145] {strides = array<i32>} : memref<640xf32, #tpu.memory_space<vmem>>, vector<16xf32>,
    tpu.vector_store %arg14[%swap3A_145], %broadcast_in_dim3A_144 {strides = array<i32>} : memref<640xf32, #tpu.memory_space<vmem>>, vector<16xf32>,
    %broadcast_in_dim3A_147 = arith.constant 0.000000e+00 : f32
    %broadcast_in_dim3A_148 = vector.broadcast %broadcast_in_dim3A_147 : f32 to vector<16xf32>
    %swap3A_149 = arith.constant 592 : index
    %swap3A_150 = tpu.vector_load %arg14[%swap3A_149] {strides = array<i32>} : memref<640xf32, #tpu.memory_space<vmem>>, vector<16xf32>,
    tpu.vector_store %arg14[%swap3A_149], %broadcast_in_dim3A_148 {strides = array<i32>} : memref<640xf32, #tpu.memory_space<vmem>>, vector<16xf32>,
    %broadcast_in_dim3A_151 = arith.constant 0.000000e+00 : f32
    %broadcast_in_dim3A_152 = vector.broadcast %broadcast_in_dim3A_151 : f32 to vector<16xf32>
    %swap3A_153 = arith.constant 608 : index
    %swap3A_154 = tpu.vector_load %arg14[%swap3A_153] {strides = array<i32>} : memref<640xf32, #tpu.memory_space<vmem>>, vector<16xf32>,
    tpu.vector_store %arg14[%swap3A_153], %broadcast_in_dim3A_152 {strides = array<i32>} : memref<640xf32, #tpu.memory_space<vmem>>, vector<16xf32>,
    %broadcast_in_dim3A_155 = arith.constant 0.000000e+00 : f32
    %broadcast_in_dim3A_156 = vector.broadcast %broadcast_in_dim3A_155 : f32 to vector<16xf32>
    %swap3A_157 = arith.constant 624 : index
    %swap3A_158 = tpu.vector_load %arg14[%swap3A_157] {strides = array<i32>} : memref<640xf32, #tpu.memory_space<vmem>>, vector<16xf32>,
    tpu.vector_store %arg14[%swap3A_157], %broadcast_in_dim3A_156 {strides = array<i32>} : memref<640xf32, #tpu.memory_space<vmem>>, vector<16xf32>,
    %mul3A_159 = arith.constant 640 : i32
    %mul3A_160 = arith.muli %arg1, %mul3A_159 : i32
    %multiple_of3A = tpu.assume_multiple %mul3A_160, 8 : i32
    "tpu.region"() ({
      %run_scoped3A = tpu.sem_alloc : memref<!tpu.dma_semaphore, #tpu.memory_space<semaphore_mem>>
      %dma_start3A = tpu.memref_slice %arg16[%multiple_of3A] : memref<10240xf32, #tpu.memory_space<vmem_shared>> -> memref<640xf32, #tpu.memory_space<vmem_shared>>
      %dma_start3A_926 = tpu.memref_slice %arg16[%multiple_of3A] : memref<10240xf32, #tpu.memory_space<vmem_shared>> -> memref<640xf32, #tpu.memory_space<vmem_shared>>
      tpu.enqueue_dma source(%arg14 : memref<640xf32, #tpu.memory_space<vmem>>) target(%dma_start3A_926 : memref<640xf32, #tpu.memory_space<vmem_shared>>) target_semaphore(%run_scoped3A : memref<!tpu.dma_semaphore, #tpu.memory_space<semaphore_mem>>)
      %dma_wait3A = tpu.memref_slice %arg16[%multiple_of3A] : memref<10240xf32, #tpu.memory_space<vmem_shared>> -> memref<640xf32, #tpu.memory_space<vmem_shared>>
      %dma_wait3A_927 = tpu.memref_slice %arg16[%multiple_of3A] : memref<10240xf32, #tpu.memory_space<vmem_shared>> -> memref<640xf32, #tpu.memory_space<vmem_shared>>
      tpu.wait_dma2 semaphore(%run_scoped3A : memref<!tpu.dma_semaphore, #tpu.memory_space<semaphore_mem>>) src(%arg14 : memref<640xf32, #tpu.memory_space<vmem>>) dst(%dma_wait3A_927 : memref<640xf32, #tpu.memory_space<vmem_shared>>)
      tpu.yield
    }) : () -> ()
    %barrier3A = arith.constant 0 : index
    tpu.barrier barrier_id(%barrier3A)
    "tpu.region"() ({
      %run_scoped3A = tpu.sem_alloc : memref<!tpu.dma_semaphore, #tpu.memory_space<semaphore_mem>>
      %dma_start3A = arith.constant 0 : i32
      %dma_start3A_926 = tpu.memref_slice %arg2[%dma_start3A] : memref<10240xf32, #tpu.memory_space<hbm>> -> memref<10000xf32, #tpu.memory_space<hbm>>
      %dma_start3A_927 = arith.constant 0 : i32
      %dma_start3A_928 = tpu.memref_slice %arg2[%dma_start3A_927] : memref<10240xf32, #tpu.memory_space<hbm>> -> memref<10000xf32, #tpu.memory_space<hbm>>
      tpu.enqueue_dma source(%dma_start3A_928 : memref<10000xf32, #tpu.memory_space<hbm>>) target(%arg10 : memref<10000xf32, #tpu.memory_space<vmem>>) target_semaphore(%run_scoped3A : memref<!tpu.dma_semaphore, #tpu.memory_space<semaphore_mem>>)
      %dma_wait3A = arith.constant 0 : i32
      %dma_wait3A_929 = tpu.memref_slice %arg2[%dma_wait3A] : memref<10240xf32, #tpu.memory_space<hbm>> -> memref<10000xf32, #tpu.memory_space<hbm>>
      %dma_wait3A_930 = arith.constant 0 : i32
      %dma_wait3A_931 = tpu.memref_slice %arg2[%dma_wait3A_930] : memref<10240xf32, #tpu.memory_space<hbm>> -> memref<10000xf32, #tpu.memory_space<hbm>>
      tpu.wait_dma2 semaphore(%run_scoped3A : memref<!tpu.dma_semaphore, #tpu.memory_space<semaphore_mem>>) src(%dma_wait3A_931 : memref<10000xf32, #tpu.memory_space<hbm>>) dst(%arg10 : memref<10000xf32, #tpu.memory_space<vmem>>)
      tpu.yield
    }) : () -> ()
    "tpu.region"() ({
      %run_scoped3A = tpu.sem_alloc : memref<!tpu.dma_semaphore, #tpu.memory_space<semaphore_mem>>
      %dma_start3A = arith.constant 0 : i32
      %dma_start3A_926 = arith.constant 0 : i32
      %dma_start3A_927 = tpu.memref_slice %arg3[%add3A, %dma_start3A, %dma_start3A_926] : memref<32x80x128xi32, #tpu.memory_space<hbm>> -> memref<1x80x128xi32, #tpu.memory_space<hbm>>
      %dma_start3A_928 = tpu.memref_squeeze %dma_start3A_927 : memref<1x80x128xi32, #tpu.memory_space<hbm>> -> memref<80x128xi32, #tpu.memory_space<hbm>>
      %dma_start3A_929 = arith.constant 0 : i32
      %dma_start3A_930 = arith.constant 0 : i32
      %dma_start3A_931 = tpu.memref_slice %arg3[%add3A, %dma_start3A_929, %dma_start3A_930] : memref<32x80x128xi32, #tpu.memory_space<hbm>> -> memref<1x80x128xi32, #tpu.memory_space<hbm>>
      %dma_start3A_932 = tpu.memref_squeeze %dma_start3A_931 : memref<1x80x128xi32, #tpu.memory_space<hbm>> -> memref<80x128xi32, #tpu.memory_space<hbm>>
      tpu.enqueue_dma source(%dma_start3A_932 : memref<80x128xi32, #tpu.memory_space<hbm>>) target(%arg8 : memref<80x128xi32, #tpu.memory_space<vmem>>) target_semaphore(%run_scoped3A : memref<!tpu.dma_semaphore, #tpu.memory_space<semaphore_mem>>)
      %dma_wait3A = arith.constant 0 : i32
      %dma_wait3A_933 = arith.constant 0 : i32
      %dma_wait3A_934 = tpu.memref_slice %arg3[%add3A, %dma_wait3A, %dma_wait3A_933] : memref<32x80x128xi32, #tpu.memory_space<hbm>> -> memref<1x80x128xi32, #tpu.memory_space<hbm>>
      %dma_wait3A_935 = tpu.memref_squeeze %dma_wait3A_934 : memref<1x80x128xi32, #tpu.memory_space<hbm>> -> memref<80x128xi32, #tpu.memory_space<hbm>>
      %dma_wait3A_936 = arith.constant 0 : i32
      %dma_wait3A_937 = arith.constant 0 : i32
      %dma_wait3A_938 = tpu.memref_slice %arg3[%add3A, %dma_wait3A_936, %dma_wait3A_937] : memref<32x80x128xi32, #tpu.memory_space<hbm>> -> memref<1x80x128xi32, #tpu.memory_space<hbm>>
      %dma_wait3A_939 = tpu.memref_squeeze %dma_wait3A_938 : memref<1x80x128xi32, #tpu.memory_space<hbm>> -> memref<80x128xi32, #tpu.memory_space<hbm>>
      tpu.wait_dma2 semaphore(%run_scoped3A : memref<!tpu.dma_semaphore, #tpu.memory_space<semaphore_mem>>) src(%dma_wait3A_939 : memref<80x128xi32, #tpu.memory_space<hbm>>) dst(%arg8 : memref<80x128xi32, #tpu.memory_space<vmem>>)
      tpu.yield
    }) : () -> ()
    "tpu.region"() ({
      %run_scoped3A = tpu.sem_alloc : memref<!tpu.dma_semaphore, #tpu.memory_space<semaphore_mem>>
      %dma_start3A = arith.constant 0 : i32
      %dma_start3A_926 = arith.constant 0 : i32
      %dma_start3A_927 = tpu.memref_slice %arg4[%add3A, %dma_start3A, %dma_start3A_926] : memref<32x80x128xi32, #tpu.memory_space<hbm>> -> memref<1x80x128xi32, #tpu.memory_space<hbm>>
      %dma_start3A_928 = tpu.memref_squeeze %dma_start3A_927 : memref<1x80x128xi32, #tpu.memory_space<hbm>> -> memref<80x128xi32, #tpu.memory_space<hbm>>
      %dma_start3A_929 = arith.constant 0 : i32
      %dma_start3A_930 = arith.constant 0 : i32
      %dma_start3A_931 = tpu.memref_slice %arg4[%add3A, %dma_start3A_929, %dma_start3A_930] : memref<32x80x128xi32, #tpu.memory_space<hbm>> -> memref<1x80x128xi32, #tpu.memory_space<hbm>>
      %dma_start3A_932 = tpu.memref_squeeze %dma_start3A_931 : memref<1x80x128xi32, #tpu.memory_space<hbm>> -> memref<80x128xi32, #tpu.memory_space<hbm>>
      tpu.enqueue_dma source(%dma_start3A_932 : memref<80x128xi32, #tpu.memory_space<hbm>>) target(%arg9 : memref<80x128xi32, #tpu.memory_space<vmem>>) target_semaphore(%run_scoped3A : memref<!tpu.dma_semaphore, #tpu.memory_space<semaphore_mem>>)
      %dma_wait3A = arith.constant 0 : i32
      %dma_wait3A_933 = arith.constant 0 : i32
      %dma_wait3A_934 = tpu.memref_slice %arg4[%add3A, %dma_wait3A, %dma_wait3A_933] : memref<32x80x128xi32, #tpu.memory_space<hbm>> -> memref<1x80x128xi32, #tpu.memory_space<hbm>>
      %dma_wait3A_935 = tpu.memref_squeeze %dma_wait3A_934 : memref<1x80x128xi32, #tpu.memory_space<hbm>> -> memref<80x128xi32, #tpu.memory_space<hbm>>
      %dma_wait3A_936 = arith.constant 0 : i32
      %dma_wait3A_937 = arith.constant 0 : i32
      %dma_wait3A_938 = tpu.memref_slice %arg4[%add3A, %dma_wait3A_936, %dma_wait3A_937] : memref<32x80x128xi32, #tpu.memory_space<hbm>> -> memref<1x80x128xi32, #tpu.memory_space<hbm>>
      %dma_wait3A_939 = tpu.memref_squeeze %dma_wait3A_938 : memref<1x80x128xi32, #tpu.memory_space<hbm>> -> memref<80x128xi32, #tpu.memory_space<hbm>>
      tpu.wait_dma2 semaphore(%run_scoped3A : memref<!tpu.dma_semaphore, #tpu.memory_space<semaphore_mem>>) src(%dma_wait3A_939 : memref<80x128xi32, #tpu.memory_space<hbm>>) dst(%arg9 : memref<80x128xi32, #tpu.memory_space<vmem>>)
      tpu.yield
    }) : () -> ()
    "tpu.region"() ({
      %run_scoped3A = tpu.sem_alloc : memref<!tpu.dma_semaphore, #tpu.memory_space<semaphore_mem>>
      tpu.enqueue_dma source(%arg6 : memref<16xf32, #tpu.memory_space<hbm>>) target(%arg11 : memref<16xf32, #tpu.memory_space<vmem>>) target_semaphore(%run_scoped3A : memref<!tpu.dma_semaphore, #tpu.memory_space<semaphore_mem>>)
      tpu.wait_dma2 semaphore(%run_scoped3A : memref<!tpu.dma_semaphore, #tpu.memory_space<semaphore_mem>>) src(%arg6 : memref<16xf32, #tpu.memory_space<hbm>>) dst(%arg11 : memref<16xf32, #tpu.memory_space<vmem>>)
      tpu.yield
    }) : () -> ()
    %scan3A = arith.constant 0 : i32
    %scan3A_161 = arith.constant 0 : i32
    %scan3A_162 = arith.constant 40 : i32
    %scan3A_163 = arith.addi %scan3A_161, %scan3A_162 : i32
    %scan3A_164 = arith.constant 1 : i32
    scf.for %scan3A_926 = %scan3A_161 to %scan3A_163 step %scan3A_164  : i32 {
      %mul3A_927 = arith.constant 2 : i32
      %mul3A_928 = arith.muli %scan3A_926, %mul3A_927 : i32
      %get3A_929 = arith.index_cast %mul3A_928 : i32 to index
      %get3A_930 = arith.constant 0 : index
      %get3A_931 = tpu.vector_load %arg8[%get3A_929, %get3A_930] {strides = array<i32>} : memref<80x128xi32, #tpu.memory_space<vmem>>, vector<16xi32>,
      %gather3A = tpu.vector_load_idx %arg10[%get3A_931] : memref<10000xf32, #tpu.memory_space<vmem>>[vector<16xi32>], vector<16xf32>,
      %swap3A_932 = arith.constant 0 : index
      %swap3A_933 = tpu.vector_load %arg12[%swap3A_932] {strides = array<i32>} : memref<128xf32, #tpu.memory_space<vmem>>, vector<16xf32>,
      tpu.vector_store %arg12[%swap3A_932], %gather3A {strides = array<i32>} : memref<128xf32, #tpu.memory_space<vmem>>, vector<16xf32>,
      %get3A_934 = arith.index_cast %mul3A_928 : i32 to index
      %get3A_935 = arith.constant 16 : index
      %get3A_936 = tpu.vector_load %arg8[%get3A_934, %get3A_935] {strides = array<i32>} : memref<80x128xi32, #tpu.memory_space<vmem>>, vector<16xi32>,
      %gather3A_937 = tpu.vector_load_idx %arg10[%get3A_936] : memref<10000xf32, #tpu.memory_space<vmem>>[vector<16xi32>], vector<16xf32>,
      %swap3A_938 = arith.constant 16 : index
      %swap3A_939 = tpu.vector_load %arg12[%swap3A_938] {strides = array<i32>} : memref<128xf32, #tpu.memory_space<vmem>>, vector<16xf32>,
      tpu.vector_store %arg12[%swap3A_938], %gather3A_937 {strides = array<i32>} : memref<128xf32, #tpu.memory_space<vmem>>, vector<16xf32>,
      %get3A_940 = arith.index_cast %mul3A_928 : i32 to index
      %get3A_941 = arith.constant 32 : index
      %get3A_942 = tpu.vector_load %arg8[%get3A_940, %get3A_941] {strides = array<i32>} : memref<80x128xi32, #tpu.memory_space<vmem>>, vector<16xi32>,
      %gather3A_943 = tpu.vector_load_idx %arg10[%get3A_942] : memref<10000xf32, #tpu.memory_space<vmem>>[vector<16xi32>], vector<16xf32>,
      %swap3A_944 = arith.constant 32 : index
      %swap3A_945 = tpu.vector_load %arg12[%swap3A_944] {strides = array<i32>} : memref<128xf32, #tpu.memory_space<vmem>>, vector<16xf32>,
      tpu.vector_store %arg12[%swap3A_944], %gather3A_943 {strides = array<i32>} : memref<128xf32, #tpu.memory_space<vmem>>, vector<16xf32>,
      %get3A_946 = arith.index_cast %mul3A_928 : i32 to index
      %get3A_947 = arith.constant 48 : index
      %get3A_948 = tpu.vector_load %arg8[%get3A_946, %get3A_947] {strides = array<i32>} : memref<80x128xi32, #tpu.memory_space<vmem>>, vector<16xi32>,
      %gather3A_949 = tpu.vector_load_idx %arg10[%get3A_948] : memref<10000xf32, #tpu.memory_space<vmem>>[vector<16xi32>], vector<16xf32>,
      %swap3A_950 = arith.constant 48 : index
      %swap3A_951 = tpu.vector_load %arg12[%swap3A_950] {strides = array<i32>} : memref<128xf32, #tpu.memory_space<vmem>>, vector<16xf32>,
      tpu.vector_store %arg12[%swap3A_950], %gather3A_949 {strides = array<i32>} : memref<128xf32, #tpu.memory_space<vmem>>, vector<16xf32>,
      %get3A_952 = arith.index_cast %mul3A_928 : i32 to index
      %get3A_953 = arith.constant 64 : index
      %get3A_954 = tpu.vector_load %arg8[%get3A_952, %get3A_953] {strides = array<i32>} : memref<80x128xi32, #tpu.memory_space<vmem>>, vector<16xi32>,
      %gather3A_955 = tpu.vector_load_idx %arg10[%get3A_954] : memref<10000xf32, #tpu.memory_space<vmem>>[vector<16xi32>], vector<16xf32>,
      %swap3A_956 = arith.constant 64 : index
      %swap3A_957 = tpu.vector_load %arg12[%swap3A_956] {strides = array<i32>} : memref<128xf32, #tpu.memory_space<vmem>>, vector<16xf32>,
      tpu.vector_store %arg12[%swap3A_956], %gather3A_955 {strides = array<i32>} : memref<128xf32, #tpu.memory_space<vmem>>, vector<16xf32>,
      %get3A_958 = arith.index_cast %mul3A_928 : i32 to index
      %get3A_959 = arith.constant 80 : index
      %get3A_960 = tpu.vector_load %arg8[%get3A_958, %get3A_959] {strides = array<i32>} : memref<80x128xi32, #tpu.memory_space<vmem>>, vector<16xi32>,
      %gather3A_961 = tpu.vector_load_idx %arg10[%get3A_960] : memref<10000xf32, #tpu.memory_space<vmem>>[vector<16xi32>], vector<16xf32>,
      %swap3A_962 = arith.constant 80 : index
      %swap3A_963 = tpu.vector_load %arg12[%swap3A_962] {strides = array<i32>} : memref<128xf32, #tpu.memory_space<vmem>>, vector<16xf32>,
      tpu.vector_store %arg12[%swap3A_962], %gather3A_961 {strides = array<i32>} : memref<128xf32, #tpu.memory_space<vmem>>, vector<16xf32>,
      %get3A_964 = arith.index_cast %mul3A_928 : i32 to index
      %get3A_965 = arith.constant 96 : index
      %get3A_966 = tpu.vector_load %arg8[%get3A_964, %get3A_965] {strides = array<i32>} : memref<80x128xi32, #tpu.memory_space<vmem>>, vector<16xi32>,
      %gather3A_967 = tpu.vector_load_idx %arg10[%get3A_966] : memref<10000xf32, #tpu.memory_space<vmem>>[vector<16xi32>], vector<16xf32>,
      %swap3A_968 = arith.constant 96 : index
      %swap3A_969 = tpu.vector_load %arg12[%swap3A_968] {strides = array<i32>} : memref<128xf32, #tpu.memory_space<vmem>>, vector<16xf32>,
      tpu.vector_store %arg12[%swap3A_968], %gather3A_967 {strides = array<i32>} : memref<128xf32, #tpu.memory_space<vmem>>, vector<16xf32>,
      %get3A_970 = arith.index_cast %mul3A_928 : i32 to index
      %get3A_971 = arith.constant 112 : index
      %get3A_972 = tpu.vector_load %arg8[%get3A_970, %get3A_971] {strides = array<i32>} : memref<80x128xi32, #tpu.memory_space<vmem>>, vector<16xi32>,
      %gather3A_973 = tpu.vector_load_idx %arg10[%get3A_972] : memref<10000xf32, #tpu.memory_space<vmem>>[vector<16xi32>], vector<16xf32>,
      %swap3A_974 = arith.constant 112 : index
      %swap3A_975 = tpu.vector_load %arg12[%swap3A_974] {strides = array<i32>} : memref<128xf32, #tpu.memory_space<vmem>>, vector<16xf32>,
      tpu.vector_store %arg12[%swap3A_974], %gather3A_973 {strides = array<i32>} : memref<128xf32, #tpu.memory_space<vmem>>, vector<16xf32>,
      %dma_start3A = arith.constant 0 : i32
      %dma_start3A_976 = tpu.memref_slice %arg9[%mul3A_928, %dma_start3A] : memref<80x128xi32, #tpu.memory_space<vmem>> -> memref<1x128xi32, #tpu.memory_space<vmem>>
      %dma_start3A_977 = tpu.memref_squeeze %dma_start3A_976 : memref<1x128xi32, #tpu.memory_space<vmem>> -> memref<128xi32, #tpu.memory_space<vmem>>
      %dma_start3A_978 = arith.constant 0 : i32
      %dma_start3A_979 = tpu.memref_slice %arg16[%dma_start3A_978] : memref<10240xf32, #tpu.memory_space<vmem_shared>> -> memref<10240xf32, #tpu.memory_space<vmem_shared>>
      tpu.enqueue_indirect_dma source(%arg12 : memref<128xf32, #tpu.memory_space<vmem>>) target(%dma_start3A_979 : memref<10240xf32, #tpu.memory_space<vmem_shared>>) offsets(%dma_start3A_977 : memref<128xi32, #tpu.memory_space<vmem>>) semaphore(%arg17 : memref<!tpu.dma_semaphore, #tpu.memory_space<semaphore_mem>>) {add = true}
      %add3A_980 = arith.constant 1 : i32
      %add3A_981 = arith.addi %mul3A_928, %add3A_980 : i32
      %get3A_982 = arith.index_cast %add3A_981 : i32 to index
      %get3A_983 = arith.constant 0 : index
      %get3A_984 = tpu.vector_load %arg8[%get3A_982, %get3A_983] {strides = array<i32>} : memref<80x128xi32, #tpu.memory_space<vmem>>, vector<16xi32>,
      %gather3A_985 = tpu.vector_load_idx %arg10[%get3A_984] : memref<10000xf32, #tpu.memory_space<vmem>>[vector<16xi32>], vector<16xf32>,
      %swap3A_986 = arith.constant 0 : index
      %swap3A_987 = tpu.vector_load %arg13[%swap3A_986] {strides = array<i32>} : memref<128xf32, #tpu.memory_space<vmem>>, vector<16xf32>,
      tpu.vector_store %arg13[%swap3A_986], %gather3A_985 {strides = array<i32>} : memref<128xf32, #tpu.memory_space<vmem>>, vector<16xf32>,
      %get3A_988 = arith.index_cast %add3A_981 : i32 to index
      %get3A_989 = arith.constant 16 : index
      %get3A_990 = tpu.vector_load %arg8[%get3A_988, %get3A_989] {strides = array<i32>} : memref<80x128xi32, #tpu.memory_space<vmem>>, vector<16xi32>,
      %gather3A_991 = tpu.vector_load_idx %arg10[%get3A_990] : memref<10000xf32, #tpu.memory_space<vmem>>[vector<16xi32>], vector<16xf32>,
      %swap3A_992 = arith.constant 16 : index
      %swap3A_993 = tpu.vector_load %arg13[%swap3A_992] {strides = array<i32>} : memref<128xf32, #tpu.memory_space<vmem>>, vector<16xf32>,
      tpu.vector_store %arg13[%swap3A_992], %gather3A_991 {strides = array<i32>} : memref<128xf32, #tpu.memory_space<vmem>>, vector<16xf32>,
      %get3A_994 = arith.index_cast %add3A_981 : i32 to index
      %get3A_995 = arith.constant 32 : index
      %get3A_996 = tpu.vector_load %arg8[%get3A_994, %get3A_995] {strides = array<i32>} : memref<80x128xi32, #tpu.memory_space<vmem>>, vector<16xi32>,
      %gather3A_997 = tpu.vector_load_idx %arg10[%get3A_996] : memref<10000xf32, #tpu.memory_space<vmem>>[vector<16xi32>], vector<16xf32>,
      %swap3A_998 = arith.constant 32 : index
      %swap3A_999 = tpu.vector_load %arg13[%swap3A_998] {strides = array<i32>} : memref<128xf32, #tpu.memory_space<vmem>>, vector<16xf32>,
      tpu.vector_store %arg13[%swap3A_998], %gather3A_997 {strides = array<i32>} : memref<128xf32, #tpu.memory_space<vmem>>, vector<16xf32>,
      %get3A_1000 = arith.index_cast %add3A_981 : i32 to index
      %get3A_1001 = arith.constant 48 : index
      %get3A_1002 = tpu.vector_load %arg8[%get3A_1000, %get3A_1001] {strides = array<i32>} : memref<80x128xi32, #tpu.memory_space<vmem>>, vector<16xi32>,
      %gather3A_1003 = tpu.vector_load_idx %arg10[%get3A_1002] : memref<10000xf32, #tpu.memory_space<vmem>>[vector<16xi32>], vector<16xf32>,
      %swap3A_1004 = arith.constant 48 : index
      %swap3A_1005 = tpu.vector_load %arg13[%swap3A_1004] {strides = array<i32>} : memref<128xf32, #tpu.memory_space<vmem>>, vector<16xf32>,
      tpu.vector_store %arg13[%swap3A_1004], %gather3A_1003 {strides = array<i32>} : memref<128xf32, #tpu.memory_space<vmem>>, vector<16xf32>,
      %get3A_1006 = arith.index_cast %add3A_981 : i32 to index
      %get3A_1007 = arith.constant 64 : index
      %get3A_1008 = tpu.vector_load %arg8[%get3A_1006, %get3A_1007] {strides = array<i32>} : memref<80x128xi32, #tpu.memory_space<vmem>>, vector<16xi32>,
      %gather3A_1009 = tpu.vector_load_idx %arg10[%get3A_1008] : memref<10000xf32, #tpu.memory_space<vmem>>[vector<16xi32>], vector<16xf32>,
      %swap3A_1010 = arith.constant 64 : index
      %swap3A_1011 = tpu.vector_load %arg13[%swap3A_1010] {strides = array<i32>} : memref<128xf32, #tpu.memory_space<vmem>>, vector<16xf32>,
      tpu.vector_store %arg13[%swap3A_1010], %gather3A_1009 {strides = array<i32>} : memref<128xf32, #tpu.memory_space<vmem>>, vector<16xf32>,
      %get3A_1012 = arith.index_cast %add3A_981 : i32 to index
      %get3A_1013 = arith.constant 80 : index
      %get3A_1014 = tpu.vector_load %arg8[%get3A_1012, %get3A_1013] {strides = array<i32>} : memref<80x128xi32, #tpu.memory_space<vmem>>, vector<16xi32>,
      %gather3A_1015 = tpu.vector_load_idx %arg10[%get3A_1014] : memref<10000xf32, #tpu.memory_space<vmem>>[vector<16xi32>], vector<16xf32>,
      %swap3A_1016 = arith.constant 80 : index
      %swap3A_1017 = tpu.vector_load %arg13[%swap3A_1016] {strides = array<i32>} : memref<128xf32, #tpu.memory_space<vmem>>, vector<16xf32>,
      tpu.vector_store %arg13[%swap3A_1016], %gather3A_1015 {strides = array<i32>} : memref<128xf32, #tpu.memory_space<vmem>>, vector<16xf32>,
      %get3A_1018 = arith.index_cast %add3A_981 : i32 to index
      %get3A_1019 = arith.constant 96 : index
      %get3A_1020 = tpu.vector_load %arg8[%get3A_1018, %get3A_1019] {strides = array<i32>} : memref<80x128xi32, #tpu.memory_space<vmem>>, vector<16xi32>,
      %gather3A_1021 = tpu.vector_load_idx %arg10[%get3A_1020] : memref<10000xf32, #tpu.memory_space<vmem>>[vector<16xi32>], vector<16xf32>,
      %swap3A_1022 = arith.constant 96 : index
      %swap3A_1023 = tpu.vector_load %arg13[%swap3A_1022] {strides = array<i32>} : memref<128xf32, #tpu.memory_space<vmem>>, vector<16xf32>,
      tpu.vector_store %arg13[%swap3A_1022], %gather3A_1021 {strides = array<i32>} : memref<128xf32, #tpu.memory_space<vmem>>, vector<16xf32>,
      %get3A_1024 = arith.index_cast %add3A_981 : i32 to index
      %get3A_1025 = arith.constant 112 : index
      %get3A_1026 = tpu.vector_load %arg8[%get3A_1024, %get3A_1025] {strides = array<i32>} : memref<80x128xi32, #tpu.memory_space<vmem>>, vector<16xi32>,
      %gather3A_1027 = tpu.vector_load_idx %arg10[%get3A_1026] : memref<10000xf32, #tpu.memory_space<vmem>>[vector<16xi32>], vector<16xf32>,
      %swap3A_1028 = arith.constant 112 : index
      %swap3A_1029 = tpu.vector_load %arg13[%swap3A_1028] {strides = array<i32>} : memref<128xf32, #tpu.memory_space<vmem>>, vector<16xf32>,
      tpu.vector_store %arg13[%swap3A_1028], %gather3A_1027 {strides = array<i32>} : memref<128xf32, #tpu.memory_space<vmem>>, vector<16xf32>,
      %add3A_1030 = arith.constant 1 : i32
      %add3A_1031 = arith.addi %mul3A_928, %add3A_1030 : i32
      %dma_start3A_1032 = arith.constant 0 : i32
      %dma_start3A_1033 = tpu.memref_slice %arg9[%add3A_1031, %dma_start3A_1032] : memref<80x128xi32, #tpu.memory_space<vmem>> -> memref<1x128xi32, #tpu.memory_space<vmem>>
      %dma_start3A_1034 = tpu.memref_squeeze %dma_start3A_1033 : memref<1x128xi32, #tpu.memory_space<vmem>> -> memref<128xi32, #tpu.memory_space<vmem>>
      %dma_start3A_1035 = arith.constant 0 : i32
      %dma_start3A_1036 = tpu.memref_slice %arg16[%dma_start3A_1035] : memref<10240xf32, #tpu.memory_space<vmem_shared>> -> memref<10240xf32, #tpu.memory_space<vmem_shared>>
      tpu.enqueue_indirect_dma source(%arg13 : memref<128xf32, #tpu.memory_space<vmem>>) target(%dma_start3A_1036 : memref<10240xf32, #tpu.memory_space<vmem_shared>>) offsets(%dma_start3A_1034 : memref<128xi32, #tpu.memory_space<vmem>>) semaphore(%arg17 : memref<!tpu.dma_semaphore, #tpu.memory_space<semaphore_mem>>) {add = true}
      %dma_wait3A = arith.constant 0 : i32
      %dma_wait3A_1037 = tpu.memref_slice %arg9[%mul3A_928, %dma_wait3A] : memref<80x128xi32, #tpu.memory_space<vmem>> -> memref<1x128xi32, #tpu.memory_space<vmem>>
      %dma_wait3A_1038 = tpu.memref_squeeze %dma_wait3A_1037 : memref<1x128xi32, #tpu.memory_space<vmem>> -> memref<128xi32, #tpu.memory_space<vmem>>
      %dma_wait3A_1039 = arith.constant 0 : i32
      %dma_wait3A_1040 = tpu.memref_slice %arg16[%dma_wait3A_1039] : memref<10240xf32, #tpu.memory_space<vmem_shared>> -> memref<10240xf32, #tpu.memory_space<vmem_shared>>
      tpu.wait_indirect_dma semaphore(%arg17 : memref<!tpu.dma_semaphore, #tpu.memory_space<semaphore_mem>>) src(%arg12 : memref<128xf32, #tpu.memory_space<vmem>>) dst(%dma_wait3A_1040 : memref<10240xf32, #tpu.memory_space<vmem_shared>>)
      %add3A_1041 = arith.constant 1 : i32
      %add3A_1042 = arith.addi %mul3A_928, %add3A_1041 : i32
      %dma_wait3A_1043 = arith.constant 0 : i32
      %dma_wait3A_1044 = tpu.memref_slice %arg9[%add3A_1042, %dma_wait3A_1043] : memref<80x128xi32, #tpu.memory_space<vmem>> -> memref<1x128xi32, #tpu.memory_space<vmem>>
      %dma_wait3A_1045 = tpu.memref_squeeze %dma_wait3A_1044 : memref<1x128xi32, #tpu.memory_space<vmem>> -> memref<128xi32, #tpu.memory_space<vmem>>
      %dma_wait3A_1046 = arith.constant 0 : i32
      %dma_wait3A_1047 = tpu.memref_slice %arg16[%dma_wait3A_1046] : memref<10240xf32, #tpu.memory_space<vmem_shared>> -> memref<10240xf32, #tpu.memory_space<vmem_shared>>
      tpu.wait_indirect_dma semaphore(%arg17 : memref<!tpu.dma_semaphore, #tpu.memory_space<semaphore_mem>>) src(%arg13 : memref<128xf32, #tpu.memory_space<vmem>>) dst(%dma_wait3A_1047 : memref<10240xf32, #tpu.memory_space<vmem_shared>>)
    }
    %scan3A_165 = arith.constant 40 : i32
    %barrier3A_166 = arith.constant 0 : index
    tpu.barrier barrier_id(%barrier3A_166)
    "tpu.region"() ({
      %run_scoped3A = tpu.sem_alloc : memref<!tpu.dma_semaphore, #tpu.memory_space<semaphore_mem>>
      %dma_start3A = arith.constant 0 : i32
      %dma_start3A_926 = tpu.memref_slice %arg15[%dma_start3A] : memref<1280xf32, #tpu.memory_space<vmem>> -> memref<640xf32, #tpu.memory_space<vmem>>
      %dma_start3A_927 = tpu.memref_slice %arg5[%multiple_of3A] : memref<10240xf32, #tpu.memory_space<hbm>> -> memref<640xf32, #tpu.memory_space<hbm>>
      %dma_start3A_928 = arith.constant 0 : i32
      %dma_start3A_929 = tpu.memref_slice %arg15[%dma_start3A_928] : memref<1280xf32, #tpu.memory_space<vmem>> -> memref<640xf32, #tpu.memory_space<vmem>>
      %dma_start3A_930 = tpu.memref_slice %arg5[%multiple_of3A] : memref<10240xf32, #tpu.memory_space<hbm>> -> memref<640xf32, #tpu.memory_space<hbm>>
      tpu.enqueue_dma source(%dma_start3A_930 : memref<640xf32, #tpu.memory_space<hbm>>) target(%dma_start3A_929 : memref<640xf32, #tpu.memory_space<vmem>>) target_semaphore(%run_scoped3A : memref<!tpu.dma_semaphore, #tpu.memory_space<semaphore_mem>>)
      %dma_wait3A = arith.constant 0 : i32
      %dma_wait3A_931 = tpu.memref_slice %arg15[%dma_wait3A] : memref<1280xf32, #tpu.memory_space<vmem>> -> memref<640xf32, #tpu.memory_space<vmem>>
      %dma_wait3A_932 = tpu.memref_slice %arg5[%multiple_of3A] : memref<10240xf32, #tpu.memory_space<hbm>> -> memref<640xf32, #tpu.memory_space<hbm>>
      %dma_wait3A_933 = arith.constant 0 : i32
      %dma_wait3A_934 = tpu.memref_slice %arg15[%dma_wait3A_933] : memref<1280xf32, #tpu.memory_space<vmem>> -> memref<640xf32, #tpu.memory_space<vmem>>
      %dma_wait3A_935 = tpu.memref_slice %arg5[%multiple_of3A] : memref<10240xf32, #tpu.memory_space<hbm>> -> memref<640xf32, #tpu.memory_space<hbm>>
      tpu.wait_dma2 semaphore(%run_scoped3A : memref<!tpu.dma_semaphore, #tpu.memory_space<semaphore_mem>>) src(%dma_wait3A_935 : memref<640xf32, #tpu.memory_space<hbm>>) dst(%dma_wait3A_934 : memref<640xf32, #tpu.memory_space<vmem>>)
      tpu.yield
    }) : () -> ()
    "tpu.region"() ({
      %run_scoped3A = tpu.sem_alloc : memref<!tpu.dma_semaphore, #tpu.memory_space<semaphore_mem>>
      %dma_start3A = arith.constant 640 : i32
      %dma_start3A_926 = tpu.memref_slice %arg15[%dma_start3A] : memref<1280xf32, #tpu.memory_space<vmem>> -> memref<640xf32, #tpu.memory_space<vmem>>
      %dma_start3A_927 = tpu.memref_slice %arg2[%multiple_of3A] : memref<10240xf32, #tpu.memory_space<hbm>> -> memref<640xf32, #tpu.memory_space<hbm>>
      %dma_start3A_928 = arith.constant 640 : i32
      %dma_start3A_929 = tpu.memref_slice %arg15[%dma_start3A_928] : memref<1280xf32, #tpu.memory_space<vmem>> -> memref<640xf32, #tpu.memory_space<vmem>>
      %dma_start3A_930 = tpu.memref_slice %arg2[%multiple_of3A] : memref<10240xf32, #tpu.memory_space<hbm>> -> memref<640xf32, #tpu.memory_space<hbm>>
      tpu.enqueue_dma source(%dma_start3A_930 : memref<640xf32, #tpu.memory_space<hbm>>) target(%dma_start3A_929 : memref<640xf32, #tpu.memory_space<vmem>>) target_semaphore(%run_scoped3A : memref<!tpu.dma_semaphore, #tpu.memory_space<semaphore_mem>>)
      %dma_wait3A = arith.constant 640 : i32
      %dma_wait3A_931 = tpu.memref_slice %arg15[%dma_wait3A] : memref<1280xf32, #tpu.memory_space<vmem>> -> memref<640xf32, #tpu.memory_space<vmem>>
      %dma_wait3A_932 = tpu.memref_slice %arg2[%multiple_of3A] : memref<10240xf32, #tpu.memory_space<hbm>> -> memref<640xf32, #tpu.memory_space<hbm>>
      %dma_wait3A_933 = arith.constant 640 : i32
      %dma_wait3A_934 = tpu.memref_slice %arg15[%dma_wait3A_933] : memref<1280xf32, #tpu.memory_space<vmem>> -> memref<640xf32, #tpu.memory_space<vmem>>
      %dma_wait3A_935 = tpu.memref_slice %arg2[%multiple_of3A] : memref<10240xf32, #tpu.memory_space<hbm>> -> memref<640xf32, #tpu.memory_space<hbm>>
      tpu.wait_dma2 semaphore(%run_scoped3A : memref<!tpu.dma_semaphore, #tpu.memory_space<semaphore_mem>>) src(%dma_wait3A_935 : memref<640xf32, #tpu.memory_space<hbm>>) dst(%dma_wait3A_934 : memref<640xf32, #tpu.memory_space<vmem>>)
      tpu.yield
    }) : () -> ()
    "tpu.region"() ({
      %run_scoped3A = tpu.sem_alloc : memref<!tpu.dma_semaphore, #tpu.memory_space<semaphore_mem>>
      %dma_start3A = tpu.memref_slice %arg16[%multiple_of3A] : memref<10240xf32, #tpu.memory_space<vmem_shared>> -> memref<640xf32, #tpu.memory_space<vmem_shared>>
      %dma_start3A_926 = tpu.memref_slice %arg16[%multiple_of3A] : memref<10240xf32, #tpu.memory_space<vmem_shared>> -> memref<640xf32, #tpu.memory_space<vmem_shared>>
      tpu.enqueue_dma source(%dma_start3A_926 : memref<640xf32, #tpu.memory_space<vmem_shared>>) target(%arg14 : memref<640xf32, #tpu.memory_space<vmem>>) target_semaphore(%run_scoped3A : memref<!tpu.dma_semaphore, #tpu.memory_space<semaphore_mem>>)
      %dma_wait3A = tpu.memref_slice %arg16[%multiple_of3A] : memref<10240xf32, #tpu.memory_space<vmem_shared>> -> memref<640xf32, #tpu.memory_space<vmem_shared>>
      %dma_wait3A_927 = tpu.memref_slice %arg16[%multiple_of3A] : memref<10240xf32, #tpu.memory_space<vmem_shared>> -> memref<640xf32, #tpu.memory_space<vmem_shared>>
      tpu.wait_dma2 semaphore(%run_scoped3A : memref<!tpu.dma_semaphore, #tpu.memory_space<semaphore_mem>>) src(%dma_wait3A_927 : memref<640xf32, #tpu.memory_space<vmem_shared>>) dst(%arg14 : memref<640xf32, #tpu.memory_space<vmem>>)
      tpu.yield
    }) : () -> ()
    %get3A = arith.constant 0 : index
    %get3A_167 = tpu.vector_load %arg15[%get3A] {strides = array<i32>} : memref<1280xf32, #tpu.memory_space<vmem>>, vector<16xf32>,
    %get3A_168 = arith.constant 640 : index
    %get3A_169 = tpu.vector_load %arg15[%get3A_168] {strides = array<i32>} : memref<1280xf32, #tpu.memory_space<vmem>>, vector<16xf32>,
    %get3A_170 = arith.constant 0 : index
    %get3A_171 = tpu.vector_load %arg14[%get3A_170] {strides = array<i32>} : memref<640xf32, #tpu.memory_space<vmem>>, vector<16xf32>,
    %mul3A_172 = arith.constant 5.000000e-01 : f32
    %mul3A_173 = vector.broadcast %mul3A_172 : f32 to vector<16xf32>
    %mul3A_174 = arith.mulf %mul3A_173, %get3A_169 : vector<16xf32>
    %add3A_175 = arith.addf %get3A_171, %mul3A_174 : vector<16xf32>
    %mul3A_176 = arith.mulf %get3A_167, %add3A_175 : vector<16xf32>
    %get3A_177 = arith.constant 0 : index
    %get3A_178 = tpu.vector_load %arg11[%get3A_177] {strides = array<i32>} : memref<16xf32, #tpu.memory_space<vmem>>, vector<16xf32>,
    %mul3A_179 = arith.constant 5.000000e-01 : f32
    %mul3A_180 = vector.broadcast %mul3A_179 : f32 to vector<16xf32>
    %mul3A_181 = arith.mulf %mul3A_180, %get3A_178 : vector<16xf32>
    %add3A_182 = arith.addf %mul3A_176, %mul3A_181 : vector<16xf32>
    %swap3A_183 = arith.constant 0 : index
    %swap3A_184 = tpu.vector_load %arg14[%swap3A_183] {strides = array<i32>} : memref<640xf32, #tpu.memory_space<vmem>>, vector<16xf32>,
    tpu.vector_store %arg14[%swap3A_183], %add3A_182 {strides = array<i32>} : memref<640xf32, #tpu.memory_space<vmem>>, vector<16xf32>,
    %get3A_185 = arith.constant 16 : index
    %get3A_186 = tpu.vector_load %arg15[%get3A_185] {strides = array<i32>} : memref<1280xf32, #tpu.memory_space<vmem>>, vector<16xf32>,
    %get3A_187 = arith.constant 656 : index
    %get3A_188 = tpu.vector_load %arg15[%get3A_187] {strides = array<i32>} : memref<1280xf32, #tpu.memory_space<vmem>>, vector<16xf32>,
    %get3A_189 = arith.constant 16 : index
    %get3A_190 = tpu.vector_load %arg14[%get3A_189] {strides = array<i32>} : memref<640xf32, #tpu.memory_space<vmem>>, vector<16xf32>,
    %mul3A_191 = arith.constant 5.000000e-01 : f32
    %mul3A_192 = vector.broadcast %mul3A_191 : f32 to vector<16xf32>
    %mul3A_193 = arith.mulf %mul3A_192, %get3A_188 : vector<16xf32>
    %add3A_194 = arith.addf %get3A_190, %mul3A_193 : vector<16xf32>
    %mul3A_195 = arith.mulf %get3A_186, %add3A_194 : vector<16xf32>
    %get3A_196 = arith.constant 0 : index
    %get3A_197 = tpu.vector_load %arg11[%get3A_196] {strides = array<i32>} : memref<16xf32, #tpu.memory_space<vmem>>, vector<16xf32>,
    %mul3A_198 = arith.constant 5.000000e-01 : f32
    %mul3A_199 = vector.broadcast %mul3A_198 : f32 to vector<16xf32>
    %mul3A_200 = arith.mulf %mul3A_199, %get3A_197 : vector<16xf32>
    %add3A_201 = arith.addf %mul3A_195, %mul3A_200 : vector<16xf32>
    %swap3A_202 = arith.constant 16 : index
    %swap3A_203 = tpu.vector_load %arg14[%swap3A_202] {strides = array<i32>} : memref<640xf32, #tpu.memory_space<vmem>>, vector<16xf32>,
    tpu.vector_store %arg14[%swap3A_202], %add3A_201 {strides = array<i32>} : memref<640xf32, #tpu.memory_space<vmem>>, vector<16xf32>,
    %get3A_204 = arith.constant 32 : index
    %get3A_205 = tpu.vector_load %arg15[%get3A_204] {strides = array<i32>} : memref<1280xf32, #tpu.memory_space<vmem>>, vector<16xf32>,
    %get3A_206 = arith.constant 672 : index
    %get3A_207 = tpu.vector_load %arg15[%get3A_206] {strides = array<i32>} : memref<1280xf32, #tpu.memory_space<vmem>>, vector<16xf32>,
    %get3A_208 = arith.constant 32 : index
    %get3A_209 = tpu.vector_load %arg14[%get3A_208] {strides = array<i32>} : memref<640xf32, #tpu.memory_space<vmem>>, vector<16xf32>,
    %mul3A_210 = arith.constant 5.000000e-01 : f32
    %mul3A_211 = vector.broadcast %mul3A_210 : f32 to vector<16xf32>
    %mul3A_212 = arith.mulf %mul3A_211, %get3A_207 : vector<16xf32>
    %add3A_213 = arith.addf %get3A_209, %mul3A_212 : vector<16xf32>
    %mul3A_214 = arith.mulf %get3A_205, %add3A_213 : vector<16xf32>
    %get3A_215 = arith.constant 0 : index
    %get3A_216 = tpu.vector_load %arg11[%get3A_215] {strides = array<i32>} : memref<16xf32, #tpu.memory_space<vmem>>, vector<16xf32>,
    %mul3A_217 = arith.constant 5.000000e-01 : f32
    %mul3A_218 = vector.broadcast %mul3A_217 : f32 to vector<16xf32>
    %mul3A_219 = arith.mulf %mul3A_218, %get3A_216 : vector<16xf32>
    %add3A_220 = arith.addf %mul3A_214, %mul3A_219 : vector<16xf32>
    %swap3A_221 = arith.constant 32 : index
    %swap3A_222 = tpu.vector_load %arg14[%swap3A_221] {strides = array<i32>} : memref<640xf32, #tpu.memory_space<vmem>>, vector<16xf32>,
    tpu.vector_store %arg14[%swap3A_221], %add3A_220 {strides = array<i32>} : memref<640xf32, #tpu.memory_space<vmem>>, vector<16xf32>,
    %get3A_223 = arith.constant 48 : index
    %get3A_224 = tpu.vector_load %arg15[%get3A_223] {strides = array<i32>} : memref<1280xf32, #tpu.memory_space<vmem>>, vector<16xf32>,
    %get3A_225 = arith.constant 688 : index
    %get3A_226 = tpu.vector_load %arg15[%get3A_225] {strides = array<i32>} : memref<1280xf32, #tpu.memory_space<vmem>>, vector<16xf32>,
    %get3A_227 = arith.constant 48 : index
    %get3A_228 = tpu.vector_load %arg14[%get3A_227] {strides = array<i32>} : memref<640xf32, #tpu.memory_space<vmem>>, vector<16xf32>,
    %mul3A_229 = arith.constant 5.000000e-01 : f32
    %mul3A_230 = vector.broadcast %mul3A_229 : f32 to vector<16xf32>
    %mul3A_231 = arith.mulf %mul3A_230, %get3A_226 : vector<16xf32>
    %add3A_232 = arith.addf %get3A_228, %mul3A_231 : vector<16xf32>
    %mul3A_233 = arith.mulf %get3A_224, %add3A_232 : vector<16xf32>
    %get3A_234 = arith.constant 0 : index
    %get3A_235 = tpu.vector_load %arg11[%get3A_234] {strides = array<i32>} : memref<16xf32, #tpu.memory_space<vmem>>, vector<16xf32>,
    %mul3A_236 = arith.constant 5.000000e-01 : f32
    %mul3A_237 = vector.broadcast %mul3A_236 : f32 to vector<16xf32>
    %mul3A_238 = arith.mulf %mul3A_237, %get3A_235 : vector<16xf32>
    %add3A_239 = arith.addf %mul3A_233, %mul3A_238 : vector<16xf32>
    %swap3A_240 = arith.constant 48 : index
    %swap3A_241 = tpu.vector_load %arg14[%swap3A_240] {strides = array<i32>} : memref<640xf32, #tpu.memory_space<vmem>>, vector<16xf32>,
    tpu.vector_store %arg14[%swap3A_240], %add3A_239 {strides = array<i32>} : memref<640xf32, #tpu.memory_space<vmem>>, vector<16xf32>,
    %get3A_242 = arith.constant 64 : index
    %get3A_243 = tpu.vector_load %arg15[%get3A_242] {strides = array<i32>} : memref<1280xf32, #tpu.memory_space<vmem>>, vector<16xf32>,
    %get3A_244 = arith.constant 704 : index
    %get3A_245 = tpu.vector_load %arg15[%get3A_244] {strides = array<i32>} : memref<1280xf32, #tpu.memory_space<vmem>>, vector<16xf32>,
    %get3A_246 = arith.constant 64 : index
    %get3A_247 = tpu.vector_load %arg14[%get3A_246] {strides = array<i32>} : memref<640xf32, #tpu.memory_space<vmem>>, vector<16xf32>,
    %mul3A_248 = arith.constant 5.000000e-01 : f32
    %mul3A_249 = vector.broadcast %mul3A_248 : f32 to vector<16xf32>
    %mul3A_250 = arith.mulf %mul3A_249, %get3A_245 : vector<16xf32>
    %add3A_251 = arith.addf %get3A_247, %mul3A_250 : vector<16xf32>
    %mul3A_252 = arith.mulf %get3A_243, %add3A_251 : vector<16xf32>
    %get3A_253 = arith.constant 0 : index
    %get3A_254 = tpu.vector_load %arg11[%get3A_253] {strides = array<i32>} : memref<16xf32, #tpu.memory_space<vmem>>, vector<16xf32>,
    %mul3A_255 = arith.constant 5.000000e-01 : f32
    %mul3A_256 = vector.broadcast %mul3A_255 : f32 to vector<16xf32>
    %mul3A_257 = arith.mulf %mul3A_256, %get3A_254 : vector<16xf32>
    %add3A_258 = arith.addf %mul3A_252, %mul3A_257 : vector<16xf32>
    %swap3A_259 = arith.constant 64 : index
    %swap3A_260 = tpu.vector_load %arg14[%swap3A_259] {strides = array<i32>} : memref<640xf32, #tpu.memory_space<vmem>>, vector<16xf32>,
    tpu.vector_store %arg14[%swap3A_259], %add3A_258 {strides = array<i32>} : memref<640xf32, #tpu.memory_space<vmem>>, vector<16xf32>,
    %get3A_261 = arith.constant 80 : index
    %get3A_262 = tpu.vector_load %arg15[%get3A_261] {strides = array<i32>} : memref<1280xf32, #tpu.memory_space<vmem>>, vector<16xf32>,
    %get3A_263 = arith.constant 720 : index
    %get3A_264 = tpu.vector_load %arg15[%get3A_263] {strides = array<i32>} : memref<1280xf32, #tpu.memory_space<vmem>>, vector<16xf32>,
    %get3A_265 = arith.constant 80 : index
    %get3A_266 = tpu.vector_load %arg14[%get3A_265] {strides = array<i32>} : memref<640xf32, #tpu.memory_space<vmem>>, vector<16xf32>,
    %mul3A_267 = arith.constant 5.000000e-01 : f32
    %mul3A_268 = vector.broadcast %mul3A_267 : f32 to vector<16xf32>
    %mul3A_269 = arith.mulf %mul3A_268, %get3A_264 : vector<16xf32>
    %add3A_270 = arith.addf %get3A_266, %mul3A_269 : vector<16xf32>
    %mul3A_271 = arith.mulf %get3A_262, %add3A_270 : vector<16xf32>
    %get3A_272 = arith.constant 0 : index
    %get3A_273 = tpu.vector_load %arg11[%get3A_272] {strides = array<i32>} : memref<16xf32, #tpu.memory_space<vmem>>, vector<16xf32>,
    %mul3A_274 = arith.constant 5.000000e-01 : f32
    %mul3A_275 = vector.broadcast %mul3A_274 : f32 to vector<16xf32>
    %mul3A_276 = arith.mulf %mul3A_275, %get3A_273 : vector<16xf32>
    %add3A_277 = arith.addf %mul3A_271, %mul3A_276 : vector<16xf32>
    %swap3A_278 = arith.constant 80 : index
    %swap3A_279 = tpu.vector_load %arg14[%swap3A_278] {strides = array<i32>} : memref<640xf32, #tpu.memory_space<vmem>>, vector<16xf32>,
    tpu.vector_store %arg14[%swap3A_278], %add3A_277 {strides = array<i32>} : memref<640xf32, #tpu.memory_space<vmem>>, vector<16xf32>,
    %get3A_280 = arith.constant 96 : index
    %get3A_281 = tpu.vector_load %arg15[%get3A_280] {strides = array<i32>} : memref<1280xf32, #tpu.memory_space<vmem>>, vector<16xf32>,
    %get3A_282 = arith.constant 736 : index
    %get3A_283 = tpu.vector_load %arg15[%get3A_282] {strides = array<i32>} : memref<1280xf32, #tpu.memory_space<vmem>>, vector<16xf32>,
    %get3A_284 = arith.constant 96 : index
    %get3A_285 = tpu.vector_load %arg14[%get3A_284] {strides = array<i32>} : memref<640xf32, #tpu.memory_space<vmem>>, vector<16xf32>,
    %mul3A_286 = arith.constant 5.000000e-01 : f32
    %mul3A_287 = vector.broadcast %mul3A_286 : f32 to vector<16xf32>
    %mul3A_288 = arith.mulf %mul3A_287, %get3A_283 : vector<16xf32>
    %add3A_289 = arith.addf %get3A_285, %mul3A_288 : vector<16xf32>
    %mul3A_290 = arith.mulf %get3A_281, %add3A_289 : vector<16xf32>
    %get3A_291 = arith.constant 0 : index
    %get3A_292 = tpu.vector_load %arg11[%get3A_291] {strides = array<i32>} : memref<16xf32, #tpu.memory_space<vmem>>, vector<16xf32>,
    %mul3A_293 = arith.constant 5.000000e-01 : f32
    %mul3A_294 = vector.broadcast %mul3A_293 : f32 to vector<16xf32>
    %mul3A_295 = arith.mulf %mul3A_294, %get3A_292 : vector<16xf32>
    %add3A_296 = arith.addf %mul3A_290, %mul3A_295 : vector<16xf32>
    %swap3A_297 = arith.constant 96 : index
    %swap3A_298 = tpu.vector_load %arg14[%swap3A_297] {strides = array<i32>} : memref<640xf32, #tpu.memory_space<vmem>>, vector<16xf32>,
    tpu.vector_store %arg14[%swap3A_297], %add3A_296 {strides = array<i32>} : memref<640xf32, #tpu.memory_space<vmem>>, vector<16xf32>,
    %get3A_299 = arith.constant 112 : index
    %get3A_300 = tpu.vector_load %arg15[%get3A_299] {strides = array<i32>} : memref<1280xf32, #tpu.memory_space<vmem>>, vector<16xf32>,
    %get3A_301 = arith.constant 752 : index
    %get3A_302 = tpu.vector_load %arg15[%get3A_301] {strides = array<i32>} : memref<1280xf32, #tpu.memory_space<vmem>>, vector<16xf32>,
    %get3A_303 = arith.constant 112 : index
    %get3A_304 = tpu.vector_load %arg14[%get3A_303] {strides = array<i32>} : memref<640xf32, #tpu.memory_space<vmem>>, vector<16xf32>,
    %mul3A_305 = arith.constant 5.000000e-01 : f32
    %mul3A_306 = vector.broadcast %mul3A_305 : f32 to vector<16xf32>
    %mul3A_307 = arith.mulf %mul3A_306, %get3A_302 : vector<16xf32>
    %add3A_308 = arith.addf %get3A_304, %mul3A_307 : vector<16xf32>
    %mul3A_309 = arith.mulf %get3A_300, %add3A_308 : vector<16xf32>
    %get3A_310 = arith.constant 0 : index
    %get3A_311 = tpu.vector_load %arg11[%get3A_310] {strides = array<i32>} : memref<16xf32, #tpu.memory_space<vmem>>, vector<16xf32>,
    %mul3A_312 = arith.constant 5.000000e-01 : f32
    %mul3A_313 = vector.broadcast %mul3A_312 : f32 to vector<16xf32>
    %mul3A_314 = arith.mulf %mul3A_313, %get3A_311 : vector<16xf32>
    %add3A_315 = arith.addf %mul3A_309, %mul3A_314 : vector<16xf32>
    %swap3A_316 = arith.constant 112 : index
    %swap3A_317 = tpu.vector_load %arg14[%swap3A_316] {strides = array<i32>} : memref<640xf32, #tpu.memory_space<vmem>>, vector<16xf32>,
    tpu.vector_store %arg14[%swap3A_316], %add3A_315 {strides = array<i32>} : memref<640xf32, #tpu.memory_space<vmem>>, vector<16xf32>,
    %get3A_318 = arith.constant 128 : index
    %get3A_319 = tpu.vector_load %arg15[%get3A_318] {strides = array<i32>} : memref<1280xf32, #tpu.memory_space<vmem>>, vector<16xf32>,
    %get3A_320 = arith.constant 768 : index
    %get3A_321 = tpu.vector_load %arg15[%get3A_320] {strides = array<i32>} : memref<1280xf32, #tpu.memory_space<vmem>>, vector<16xf32>,
    %get3A_322 = arith.constant 128 : index
    %get3A_323 = tpu.vector_load %arg14[%get3A_322] {strides = array<i32>} : memref<640xf32, #tpu.memory_space<vmem>>, vector<16xf32>,
    %mul3A_324 = arith.constant 5.000000e-01 : f32
    %mul3A_325 = vector.broadcast %mul3A_324 : f32 to vector<16xf32>
    %mul3A_326 = arith.mulf %mul3A_325, %get3A_321 : vector<16xf32>
    %add3A_327 = arith.addf %get3A_323, %mul3A_326 : vector<16xf32>
    %mul3A_328 = arith.mulf %get3A_319, %add3A_327 : vector<16xf32>
    %get3A_329 = arith.constant 0 : index
    %get3A_330 = tpu.vector_load %arg11[%get3A_329] {strides = array<i32>} : memref<16xf32, #tpu.memory_space<vmem>>, vector<16xf32>,
    %mul3A_331 = arith.constant 5.000000e-01 : f32
    %mul3A_332 = vector.broadcast %mul3A_331 : f32 to vector<16xf32>
    %mul3A_333 = arith.mulf %mul3A_332, %get3A_330 : vector<16xf32>
    %add3A_334 = arith.addf %mul3A_328, %mul3A_333 : vector<16xf32>
    %swap3A_335 = arith.constant 128 : index
    %swap3A_336 = tpu.vector_load %arg14[%swap3A_335] {strides = array<i32>} : memref<640xf32, #tpu.memory_space<vmem>>, vector<16xf32>,
    tpu.vector_store %arg14[%swap3A_335], %add3A_334 {strides = array<i32>} : memref<640xf32, #tpu.memory_space<vmem>>, vector<16xf32>,
    %get3A_337 = arith.constant 144 : index
    %get3A_338 = tpu.vector_load %arg15[%get3A_337] {strides = array<i32>} : memref<1280xf32, #tpu.memory_space<vmem>>, vector<16xf32>,
    %get3A_339 = arith.constant 784 : index
    %get3A_340 = tpu.vector_load %arg15[%get3A_339] {strides = array<i32>} : memref<1280xf32, #tpu.memory_space<vmem>>, vector<16xf32>,
    %get3A_341 = arith.constant 144 : index
    %get3A_342 = tpu.vector_load %arg14[%get3A_341] {strides = array<i32>} : memref<640xf32, #tpu.memory_space<vmem>>, vector<16xf32>,
    %mul3A_343 = arith.constant 5.000000e-01 : f32
    %mul3A_344 = vector.broadcast %mul3A_343 : f32 to vector<16xf32>
    %mul3A_345 = arith.mulf %mul3A_344, %get3A_340 : vector<16xf32>
    %add3A_346 = arith.addf %get3A_342, %mul3A_345 : vector<16xf32>
    %mul3A_347 = arith.mulf %get3A_338, %add3A_346 : vector<16xf32>
    %get3A_348 = arith.constant 0 : index
    %get3A_349 = tpu.vector_load %arg11[%get3A_348] {strides = array<i32>} : memref<16xf32, #tpu.memory_space<vmem>>, vector<16xf32>,
    %mul3A_350 = arith.constant 5.000000e-01 : f32
    %mul3A_351 = vector.broadcast %mul3A_350 : f32 to vector<16xf32>
    %mul3A_352 = arith.mulf %mul3A_351, %get3A_349 : vector<16xf32>
    %add3A_353 = arith.addf %mul3A_347, %mul3A_352 : vector<16xf32>
    %swap3A_354 = arith.constant 144 : index
    %swap3A_355 = tpu.vector_load %arg14[%swap3A_354] {strides = array<i32>} : memref<640xf32, #tpu.memory_space<vmem>>, vector<16xf32>,
    tpu.vector_store %arg14[%swap3A_354], %add3A_353 {strides = array<i32>} : memref<640xf32, #tpu.memory_space<vmem>>, vector<16xf32>,
    %get3A_356 = arith.constant 160 : index
    %get3A_357 = tpu.vector_load %arg15[%get3A_356] {strides = array<i32>} : memref<1280xf32, #tpu.memory_space<vmem>>, vector<16xf32>,
    %get3A_358 = arith.constant 800 : index
    %get3A_359 = tpu.vector_load %arg15[%get3A_358] {strides = array<i32>} : memref<1280xf32, #tpu.memory_space<vmem>>, vector<16xf32>,
    %get3A_360 = arith.constant 160 : index
    %get3A_361 = tpu.vector_load %arg14[%get3A_360] {strides = array<i32>} : memref<640xf32, #tpu.memory_space<vmem>>, vector<16xf32>,
    %mul3A_362 = arith.constant 5.000000e-01 : f32
    %mul3A_363 = vector.broadcast %mul3A_362 : f32 to vector<16xf32>
    %mul3A_364 = arith.mulf %mul3A_363, %get3A_359 : vector<16xf32>
    %add3A_365 = arith.addf %get3A_361, %mul3A_364 : vector<16xf32>
    %mul3A_366 = arith.mulf %get3A_357, %add3A_365 : vector<16xf32>
    %get3A_367 = arith.constant 0 : index
    %get3A_368 = tpu.vector_load %arg11[%get3A_367] {strides = array<i32>} : memref<16xf32, #tpu.memory_space<vmem>>, vector<16xf32>,
    %mul3A_369 = arith.constant 5.000000e-01 : f32
    %mul3A_370 = vector.broadcast %mul3A_369 : f32 to vector<16xf32>
    %mul3A_371 = arith.mulf %mul3A_370, %get3A_368 : vector<16xf32>
    %add3A_372 = arith.addf %mul3A_366, %mul3A_371 : vector<16xf32>
    %swap3A_373 = arith.constant 160 : index
    %swap3A_374 = tpu.vector_load %arg14[%swap3A_373] {strides = array<i32>} : memref<640xf32, #tpu.memory_space<vmem>>, vector<16xf32>,
    tpu.vector_store %arg14[%swap3A_373], %add3A_372 {strides = array<i32>} : memref<640xf32, #tpu.memory_space<vmem>>, vector<16xf32>,
    %get3A_375 = arith.constant 176 : index
    %get3A_376 = tpu.vector_load %arg15[%get3A_375] {strides = array<i32>} : memref<1280xf32, #tpu.memory_space<vmem>>, vector<16xf32>,
    %get3A_377 = arith.constant 816 : index
    %get3A_378 = tpu.vector_load %arg15[%get3A_377] {strides = array<i32>} : memref<1280xf32, #tpu.memory_space<vmem>>, vector<16xf32>,
    %get3A_379 = arith.constant 176 : index
    %get3A_380 = tpu.vector_load %arg14[%get3A_379] {strides = array<i32>} : memref<640xf32, #tpu.memory_space<vmem>>, vector<16xf32>,
    %mul3A_381 = arith.constant 5.000000e-01 : f32
    %mul3A_382 = vector.broadcast %mul3A_381 : f32 to vector<16xf32>
    %mul3A_383 = arith.mulf %mul3A_382, %get3A_378 : vector<16xf32>
    %add3A_384 = arith.addf %get3A_380, %mul3A_383 : vector<16xf32>
    %mul3A_385 = arith.mulf %get3A_376, %add3A_384 : vector<16xf32>
    %get3A_386 = arith.constant 0 : index
    %get3A_387 = tpu.vector_load %arg11[%get3A_386] {strides = array<i32>} : memref<16xf32, #tpu.memory_space<vmem>>, vector<16xf32>,
    %mul3A_388 = arith.constant 5.000000e-01 : f32
    %mul3A_389 = vector.broadcast %mul3A_388 : f32 to vector<16xf32>
    %mul3A_390 = arith.mulf %mul3A_389, %get3A_387 : vector<16xf32>
    %add3A_391 = arith.addf %mul3A_385, %mul3A_390 : vector<16xf32>
    %swap3A_392 = arith.constant 176 : index
    %swap3A_393 = tpu.vector_load %arg14[%swap3A_392] {strides = array<i32>} : memref<640xf32, #tpu.memory_space<vmem>>, vector<16xf32>,
    tpu.vector_store %arg14[%swap3A_392], %add3A_391 {strides = array<i32>} : memref<640xf32, #tpu.memory_space<vmem>>, vector<16xf32>,
    %get3A_394 = arith.constant 192 : index
    %get3A_395 = tpu.vector_load %arg15[%get3A_394] {strides = array<i32>} : memref<1280xf32, #tpu.memory_space<vmem>>, vector<16xf32>,
    %get3A_396 = arith.constant 832 : index
    %get3A_397 = tpu.vector_load %arg15[%get3A_396] {strides = array<i32>} : memref<1280xf32, #tpu.memory_space<vmem>>, vector<16xf32>,
    %get3A_398 = arith.constant 192 : index
    %get3A_399 = tpu.vector_load %arg14[%get3A_398] {strides = array<i32>} : memref<640xf32, #tpu.memory_space<vmem>>, vector<16xf32>,
    %mul3A_400 = arith.constant 5.000000e-01 : f32
    %mul3A_401 = vector.broadcast %mul3A_400 : f32 to vector<16xf32>
    %mul3A_402 = arith.mulf %mul3A_401, %get3A_397 : vector<16xf32>
    %add3A_403 = arith.addf %get3A_399, %mul3A_402 : vector<16xf32>
    %mul3A_404 = arith.mulf %get3A_395, %add3A_403 : vector<16xf32>
    %get3A_405 = arith.constant 0 : index
    %get3A_406 = tpu.vector_load %arg11[%get3A_405] {strides = array<i32>} : memref<16xf32, #tpu.memory_space<vmem>>, vector<16xf32>,
    %mul3A_407 = arith.constant 5.000000e-01 : f32
    %mul3A_408 = vector.broadcast %mul3A_407 : f32 to vector<16xf32>
    %mul3A_409 = arith.mulf %mul3A_408, %get3A_406 : vector<16xf32>
    %add3A_410 = arith.addf %mul3A_404, %mul3A_409 : vector<16xf32>
    %swap3A_411 = arith.constant 192 : index
    %swap3A_412 = tpu.vector_load %arg14[%swap3A_411] {strides = array<i32>} : memref<640xf32, #tpu.memory_space<vmem>>, vector<16xf32>,
    tpu.vector_store %arg14[%swap3A_411], %add3A_410 {strides = array<i32>} : memref<640xf32, #tpu.memory_space<vmem>>, vector<16xf32>,
    %get3A_413 = arith.constant 208 : index
    %get3A_414 = tpu.vector_load %arg15[%get3A_413] {strides = array<i32>} : memref<1280xf32, #tpu.memory_space<vmem>>, vector<16xf32>,
    %get3A_415 = arith.constant 848 : index
    %get3A_416 = tpu.vector_load %arg15[%get3A_415] {strides = array<i32>} : memref<1280xf32, #tpu.memory_space<vmem>>, vector<16xf32>,
    %get3A_417 = arith.constant 208 : index
    %get3A_418 = tpu.vector_load %arg14[%get3A_417] {strides = array<i32>} : memref<640xf32, #tpu.memory_space<vmem>>, vector<16xf32>,
    %mul3A_419 = arith.constant 5.000000e-01 : f32
    %mul3A_420 = vector.broadcast %mul3A_419 : f32 to vector<16xf32>
    %mul3A_421 = arith.mulf %mul3A_420, %get3A_416 : vector<16xf32>
    %add3A_422 = arith.addf %get3A_418, %mul3A_421 : vector<16xf32>
    %mul3A_423 = arith.mulf %get3A_414, %add3A_422 : vector<16xf32>
    %get3A_424 = arith.constant 0 : index
    %get3A_425 = tpu.vector_load %arg11[%get3A_424] {strides = array<i32>} : memref<16xf32, #tpu.memory_space<vmem>>, vector<16xf32>,
    %mul3A_426 = arith.constant 5.000000e-01 : f32
    %mul3A_427 = vector.broadcast %mul3A_426 : f32 to vector<16xf32>
    %mul3A_428 = arith.mulf %mul3A_427, %get3A_425 : vector<16xf32>
    %add3A_429 = arith.addf %mul3A_423, %mul3A_428 : vector<16xf32>
    %swap3A_430 = arith.constant 208 : index
    %swap3A_431 = tpu.vector_load %arg14[%swap3A_430] {strides = array<i32>} : memref<640xf32, #tpu.memory_space<vmem>>, vector<16xf32>,
    tpu.vector_store %arg14[%swap3A_430], %add3A_429 {strides = array<i32>} : memref<640xf32, #tpu.memory_space<vmem>>, vector<16xf32>,
    %get3A_432 = arith.constant 224 : index
    %get3A_433 = tpu.vector_load %arg15[%get3A_432] {strides = array<i32>} : memref<1280xf32, #tpu.memory_space<vmem>>, vector<16xf32>,
    %get3A_434 = arith.constant 864 : index
    %get3A_435 = tpu.vector_load %arg15[%get3A_434] {strides = array<i32>} : memref<1280xf32, #tpu.memory_space<vmem>>, vector<16xf32>,
    %get3A_436 = arith.constant 224 : index
    %get3A_437 = tpu.vector_load %arg14[%get3A_436] {strides = array<i32>} : memref<640xf32, #tpu.memory_space<vmem>>, vector<16xf32>,
    %mul3A_438 = arith.constant 5.000000e-01 : f32
    %mul3A_439 = vector.broadcast %mul3A_438 : f32 to vector<16xf32>
    %mul3A_440 = arith.mulf %mul3A_439, %get3A_435 : vector<16xf32>
    %add3A_441 = arith.addf %get3A_437, %mul3A_440 : vector<16xf32>
    %mul3A_442 = arith.mulf %get3A_433, %add3A_441 : vector<16xf32>
    %get3A_443 = arith.constant 0 : index
    %get3A_444 = tpu.vector_load %arg11[%get3A_443] {strides = array<i32>} : memref<16xf32, #tpu.memory_space<vmem>>, vector<16xf32>,
    %mul3A_445 = arith.constant 5.000000e-01 : f32
    %mul3A_446 = vector.broadcast %mul3A_445 : f32 to vector<16xf32>
    %mul3A_447 = arith.mulf %mul3A_446, %get3A_444 : vector<16xf32>
    %add3A_448 = arith.addf %mul3A_442, %mul3A_447 : vector<16xf32>
    %swap3A_449 = arith.constant 224 : index
    %swap3A_450 = tpu.vector_load %arg14[%swap3A_449] {strides = array<i32>} : memref<640xf32, #tpu.memory_space<vmem>>, vector<16xf32>,
    tpu.vector_store %arg14[%swap3A_449], %add3A_448 {strides = array<i32>} : memref<640xf32, #tpu.memory_space<vmem>>, vector<16xf32>,
    %get3A_451 = arith.constant 240 : index
    %get3A_452 = tpu.vector_load %arg15[%get3A_451] {strides = array<i32>} : memref<1280xf32, #tpu.memory_space<vmem>>, vector<16xf32>,
    %get3A_453 = arith.constant 880 : index
    %get3A_454 = tpu.vector_load %arg15[%get3A_453] {strides = array<i32>} : memref<1280xf32, #tpu.memory_space<vmem>>, vector<16xf32>,
    %get3A_455 = arith.constant 240 : index
    %get3A_456 = tpu.vector_load %arg14[%get3A_455] {strides = array<i32>} : memref<640xf32, #tpu.memory_space<vmem>>, vector<16xf32>,
    %mul3A_457 = arith.constant 5.000000e-01 : f32
    %mul3A_458 = vector.broadcast %mul3A_457 : f32 to vector<16xf32>
    %mul3A_459 = arith.mulf %mul3A_458, %get3A_454 : vector<16xf32>
    %add3A_460 = arith.addf %get3A_456, %mul3A_459 : vector<16xf32>
    %mul3A_461 = arith.mulf %get3A_452, %add3A_460 : vector<16xf32>
    %get3A_462 = arith.constant 0 : index
    %get3A_463 = tpu.vector_load %arg11[%get3A_462] {strides = array<i32>} : memref<16xf32, #tpu.memory_space<vmem>>, vector<16xf32>,
    %mul3A_464 = arith.constant 5.000000e-01 : f32
    %mul3A_465 = vector.broadcast %mul3A_464 : f32 to vector<16xf32>
    %mul3A_466 = arith.mulf %mul3A_465, %get3A_463 : vector<16xf32>
    %add3A_467 = arith.addf %mul3A_461, %mul3A_466 : vector<16xf32>
    %swap3A_468 = arith.constant 240 : index
    %swap3A_469 = tpu.vector_load %arg14[%swap3A_468] {strides = array<i32>} : memref<640xf32, #tpu.memory_space<vmem>>, vector<16xf32>,
    tpu.vector_store %arg14[%swap3A_468], %add3A_467 {strides = array<i32>} : memref<640xf32, #tpu.memory_space<vmem>>, vector<16xf32>,
    %get3A_470 = arith.constant 256 : index
    %get3A_471 = tpu.vector_load %arg15[%get3A_470] {strides = array<i32>} : memref<1280xf32, #tpu.memory_space<vmem>>, vector<16xf32>,
    %get3A_472 = arith.constant 896 : index
    %get3A_473 = tpu.vector_load %arg15[%get3A_472] {strides = array<i32>} : memref<1280xf32, #tpu.memory_space<vmem>>, vector<16xf32>,
    %get3A_474 = arith.constant 256 : index
    %get3A_475 = tpu.vector_load %arg14[%get3A_474] {strides = array<i32>} : memref<640xf32, #tpu.memory_space<vmem>>, vector<16xf32>,
    %mul3A_476 = arith.constant 5.000000e-01 : f32
    %mul3A_477 = vector.broadcast %mul3A_476 : f32 to vector<16xf32>
    %mul3A_478 = arith.mulf %mul3A_477, %get3A_473 : vector<16xf32>
    %add3A_479 = arith.addf %get3A_475, %mul3A_478 : vector<16xf32>
    %mul3A_480 = arith.mulf %get3A_471, %add3A_479 : vector<16xf32>
    %get3A_481 = arith.constant 0 : index
    %get3A_482 = tpu.vector_load %arg11[%get3A_481] {strides = array<i32>} : memref<16xf32, #tpu.memory_space<vmem>>, vector<16xf32>,
    %mul3A_483 = arith.constant 5.000000e-01 : f32
    %mul3A_484 = vector.broadcast %mul3A_483 : f32 to vector<16xf32>
    %mul3A_485 = arith.mulf %mul3A_484, %get3A_482 : vector<16xf32>
    %add3A_486 = arith.addf %mul3A_480, %mul3A_485 : vector<16xf32>
    %swap3A_487 = arith.constant 256 : index
    %swap3A_488 = tpu.vector_load %arg14[%swap3A_487] {strides = array<i32>} : memref<640xf32, #tpu.memory_space<vmem>>, vector<16xf32>,
    tpu.vector_store %arg14[%swap3A_487], %add3A_486 {strides = array<i32>} : memref<640xf32, #tpu.memory_space<vmem>>, vector<16xf32>,
    %get3A_489 = arith.constant 272 : index
    %get3A_490 = tpu.vector_load %arg15[%get3A_489] {strides = array<i32>} : memref<1280xf32, #tpu.memory_space<vmem>>, vector<16xf32>,
    %get3A_491 = arith.constant 912 : index
    %get3A_492 = tpu.vector_load %arg15[%get3A_491] {strides = array<i32>} : memref<1280xf32, #tpu.memory_space<vmem>>, vector<16xf32>,
    %get3A_493 = arith.constant 272 : index
    %get3A_494 = tpu.vector_load %arg14[%get3A_493] {strides = array<i32>} : memref<640xf32, #tpu.memory_space<vmem>>, vector<16xf32>,
    %mul3A_495 = arith.constant 5.000000e-01 : f32
    %mul3A_496 = vector.broadcast %mul3A_495 : f32 to vector<16xf32>
    %mul3A_497 = arith.mulf %mul3A_496, %get3A_492 : vector<16xf32>
    %add3A_498 = arith.addf %get3A_494, %mul3A_497 : vector<16xf32>
    %mul3A_499 = arith.mulf %get3A_490, %add3A_498 : vector<16xf32>
    %get3A_500 = arith.constant 0 : index
    %get3A_501 = tpu.vector_load %arg11[%get3A_500] {strides = array<i32>} : memref<16xf32, #tpu.memory_space<vmem>>, vector<16xf32>,
    %mul3A_502 = arith.constant 5.000000e-01 : f32
    %mul3A_503 = vector.broadcast %mul3A_502 : f32 to vector<16xf32>
    %mul3A_504 = arith.mulf %mul3A_503, %get3A_501 : vector<16xf32>
    %add3A_505 = arith.addf %mul3A_499, %mul3A_504 : vector<16xf32>
    %swap3A_506 = arith.constant 272 : index
    %swap3A_507 = tpu.vector_load %arg14[%swap3A_506] {strides = array<i32>} : memref<640xf32, #tpu.memory_space<vmem>>, vector<16xf32>,
    tpu.vector_store %arg14[%swap3A_506], %add3A_505 {strides = array<i32>} : memref<640xf32, #tpu.memory_space<vmem>>, vector<16xf32>,
    %get3A_508 = arith.constant 288 : index
    %get3A_509 = tpu.vector_load %arg15[%get3A_508] {strides = array<i32>} : memref<1280xf32, #tpu.memory_space<vmem>>, vector<16xf32>,
    %get3A_510 = arith.constant 928 : index
    %get3A_511 = tpu.vector_load %arg15[%get3A_510] {strides = array<i32>} : memref<1280xf32, #tpu.memory_space<vmem>>, vector<16xf32>,
    %get3A_512 = arith.constant 288 : index
    %get3A_513 = tpu.vector_load %arg14[%get3A_512] {strides = array<i32>} : memref<640xf32, #tpu.memory_space<vmem>>, vector<16xf32>,
    %mul3A_514 = arith.constant 5.000000e-01 : f32
    %mul3A_515 = vector.broadcast %mul3A_514 : f32 to vector<16xf32>
    %mul3A_516 = arith.mulf %mul3A_515, %get3A_511 : vector<16xf32>
    %add3A_517 = arith.addf %get3A_513, %mul3A_516 : vector<16xf32>
    %mul3A_518 = arith.mulf %get3A_509, %add3A_517 : vector<16xf32>
    %get3A_519 = arith.constant 0 : index
    %get3A_520 = tpu.vector_load %arg11[%get3A_519] {strides = array<i32>} : memref<16xf32, #tpu.memory_space<vmem>>, vector<16xf32>,
    %mul3A_521 = arith.constant 5.000000e-01 : f32
    %mul3A_522 = vector.broadcast %mul3A_521 : f32 to vector<16xf32>
    %mul3A_523 = arith.mulf %mul3A_522, %get3A_520 : vector<16xf32>
    %add3A_524 = arith.addf %mul3A_518, %mul3A_523 : vector<16xf32>
    %swap3A_525 = arith.constant 288 : index
    %swap3A_526 = tpu.vector_load %arg14[%swap3A_525] {strides = array<i32>} : memref<640xf32, #tpu.memory_space<vmem>>, vector<16xf32>,
    tpu.vector_store %arg14[%swap3A_525], %add3A_524 {strides = array<i32>} : memref<640xf32, #tpu.memory_space<vmem>>, vector<16xf32>,
    %get3A_527 = arith.constant 304 : index
    %get3A_528 = tpu.vector_load %arg15[%get3A_527] {strides = array<i32>} : memref<1280xf32, #tpu.memory_space<vmem>>, vector<16xf32>,
    %get3A_529 = arith.constant 944 : index
    %get3A_530 = tpu.vector_load %arg15[%get3A_529] {strides = array<i32>} : memref<1280xf32, #tpu.memory_space<vmem>>, vector<16xf32>,
    %get3A_531 = arith.constant 304 : index
    %get3A_532 = tpu.vector_load %arg14[%get3A_531] {strides = array<i32>} : memref<640xf32, #tpu.memory_space<vmem>>, vector<16xf32>,
    %mul3A_533 = arith.constant 5.000000e-01 : f32
    %mul3A_534 = vector.broadcast %mul3A_533 : f32 to vector<16xf32>
    %mul3A_535 = arith.mulf %mul3A_534, %get3A_530 : vector<16xf32>
    %add3A_536 = arith.addf %get3A_532, %mul3A_535 : vector<16xf32>
    %mul3A_537 = arith.mulf %get3A_528, %add3A_536 : vector<16xf32>
    %get3A_538 = arith.constant 0 : index
    %get3A_539 = tpu.vector_load %arg11[%get3A_538] {strides = array<i32>} : memref<16xf32, #tpu.memory_space<vmem>>, vector<16xf32>,
    %mul3A_540 = arith.constant 5.000000e-01 : f32
    %mul3A_541 = vector.broadcast %mul3A_540 : f32 to vector<16xf32>
    %mul3A_542 = arith.mulf %mul3A_541, %get3A_539 : vector<16xf32>
    %add3A_543 = arith.addf %mul3A_537, %mul3A_542 : vector<16xf32>
    %swap3A_544 = arith.constant 304 : index
    %swap3A_545 = tpu.vector_load %arg14[%swap3A_544] {strides = array<i32>} : memref<640xf32, #tpu.memory_space<vmem>>, vector<16xf32>,
    tpu.vector_store %arg14[%swap3A_544], %add3A_543 {strides = array<i32>} : memref<640xf32, #tpu.memory_space<vmem>>, vector<16xf32>,
    %get3A_546 = arith.constant 320 : index
    %get3A_547 = tpu.vector_load %arg15[%get3A_546] {strides = array<i32>} : memref<1280xf32, #tpu.memory_space<vmem>>, vector<16xf32>,
    %get3A_548 = arith.constant 960 : index
    %get3A_549 = tpu.vector_load %arg15[%get3A_548] {strides = array<i32>} : memref<1280xf32, #tpu.memory_space<vmem>>, vector<16xf32>,
    %get3A_550 = arith.constant 320 : index
    %get3A_551 = tpu.vector_load %arg14[%get3A_550] {strides = array<i32>} : memref<640xf32, #tpu.memory_space<vmem>>, vector<16xf32>,
    %mul3A_552 = arith.constant 5.000000e-01 : f32
    %mul3A_553 = vector.broadcast %mul3A_552 : f32 to vector<16xf32>
    %mul3A_554 = arith.mulf %mul3A_553, %get3A_549 : vector<16xf32>
    %add3A_555 = arith.addf %get3A_551, %mul3A_554 : vector<16xf32>
    %mul3A_556 = arith.mulf %get3A_547, %add3A_555 : vector<16xf32>
    %get3A_557 = arith.constant 0 : index
    %get3A_558 = tpu.vector_load %arg11[%get3A_557] {strides = array<i32>} : memref<16xf32, #tpu.memory_space<vmem>>, vector<16xf32>,
    %mul3A_559 = arith.constant 5.000000e-01 : f32
    %mul3A_560 = vector.broadcast %mul3A_559 : f32 to vector<16xf32>
    %mul3A_561 = arith.mulf %mul3A_560, %get3A_558 : vector<16xf32>
    %add3A_562 = arith.addf %mul3A_556, %mul3A_561 : vector<16xf32>
    %swap3A_563 = arith.constant 320 : index
    %swap3A_564 = tpu.vector_load %arg14[%swap3A_563] {strides = array<i32>} : memref<640xf32, #tpu.memory_space<vmem>>, vector<16xf32>,
    tpu.vector_store %arg14[%swap3A_563], %add3A_562 {strides = array<i32>} : memref<640xf32, #tpu.memory_space<vmem>>, vector<16xf32>,
    %get3A_565 = arith.constant 336 : index
    %get3A_566 = tpu.vector_load %arg15[%get3A_565] {strides = array<i32>} : memref<1280xf32, #tpu.memory_space<vmem>>, vector<16xf32>,
    %get3A_567 = arith.constant 976 : index
    %get3A_568 = tpu.vector_load %arg15[%get3A_567] {strides = array<i32>} : memref<1280xf32, #tpu.memory_space<vmem>>, vector<16xf32>,
    %get3A_569 = arith.constant 336 : index
    %get3A_570 = tpu.vector_load %arg14[%get3A_569] {strides = array<i32>} : memref<640xf32, #tpu.memory_space<vmem>>, vector<16xf32>,
    %mul3A_571 = arith.constant 5.000000e-01 : f32
    %mul3A_572 = vector.broadcast %mul3A_571 : f32 to vector<16xf32>
    %mul3A_573 = arith.mulf %mul3A_572, %get3A_568 : vector<16xf32>
    %add3A_574 = arith.addf %get3A_570, %mul3A_573 : vector<16xf32>
    %mul3A_575 = arith.mulf %get3A_566, %add3A_574 : vector<16xf32>
    %get3A_576 = arith.constant 0 : index
    %get3A_577 = tpu.vector_load %arg11[%get3A_576] {strides = array<i32>} : memref<16xf32, #tpu.memory_space<vmem>>, vector<16xf32>,
    %mul3A_578 = arith.constant 5.000000e-01 : f32
    %mul3A_579 = vector.broadcast %mul3A_578 : f32 to vector<16xf32>
    %mul3A_580 = arith.mulf %mul3A_579, %get3A_577 : vector<16xf32>
    %add3A_581 = arith.addf %mul3A_575, %mul3A_580 : vector<16xf32>
    %swap3A_582 = arith.constant 336 : index
    %swap3A_583 = tpu.vector_load %arg14[%swap3A_582] {strides = array<i32>} : memref<640xf32, #tpu.memory_space<vmem>>, vector<16xf32>,
    tpu.vector_store %arg14[%swap3A_582], %add3A_581 {strides = array<i32>} : memref<640xf32, #tpu.memory_space<vmem>>, vector<16xf32>,
    %get3A_584 = arith.constant 352 : index
    %get3A_585 = tpu.vector_load %arg15[%get3A_584] {strides = array<i32>} : memref<1280xf32, #tpu.memory_space<vmem>>, vector<16xf32>,
    %get3A_586 = arith.constant 992 : index
    %get3A_587 = tpu.vector_load %arg15[%get3A_586] {strides = array<i32>} : memref<1280xf32, #tpu.memory_space<vmem>>, vector<16xf32>,
    %get3A_588 = arith.constant 352 : index
    %get3A_589 = tpu.vector_load %arg14[%get3A_588] {strides = array<i32>} : memref<640xf32, #tpu.memory_space<vmem>>, vector<16xf32>,
    %mul3A_590 = arith.constant 5.000000e-01 : f32
    %mul3A_591 = vector.broadcast %mul3A_590 : f32 to vector<16xf32>
    %mul3A_592 = arith.mulf %mul3A_591, %get3A_587 : vector<16xf32>
    %add3A_593 = arith.addf %get3A_589, %mul3A_592 : vector<16xf32>
    %mul3A_594 = arith.mulf %get3A_585, %add3A_593 : vector<16xf32>
    %get3A_595 = arith.constant 0 : index
    %get3A_596 = tpu.vector_load %arg11[%get3A_595] {strides = array<i32>} : memref<16xf32, #tpu.memory_space<vmem>>, vector<16xf32>,
    %mul3A_597 = arith.constant 5.000000e-01 : f32
    %mul3A_598 = vector.broadcast %mul3A_597 : f32 to vector<16xf32>
    %mul3A_599 = arith.mulf %mul3A_598, %get3A_596 : vector<16xf32>
    %add3A_600 = arith.addf %mul3A_594, %mul3A_599 : vector<16xf32>
    %swap3A_601 = arith.constant 352 : index
    %swap3A_602 = tpu.vector_load %arg14[%swap3A_601] {strides = array<i32>} : memref<640xf32, #tpu.memory_space<vmem>>, vector<16xf32>,
    tpu.vector_store %arg14[%swap3A_601], %add3A_600 {strides = array<i32>} : memref<640xf32, #tpu.memory_space<vmem>>, vector<16xf32>,
    %get3A_603 = arith.constant 368 : index
    %get3A_604 = tpu.vector_load %arg15[%get3A_603] {strides = array<i32>} : memref<1280xf32, #tpu.memory_space<vmem>>, vector<16xf32>,
    %get3A_605 = arith.constant 1008 : index
    %get3A_606 = tpu.vector_load %arg15[%get3A_605] {strides = array<i32>} : memref<1280xf32, #tpu.memory_space<vmem>>, vector<16xf32>,
    %get3A_607 = arith.constant 368 : index
    %get3A_608 = tpu.vector_load %arg14[%get3A_607] {strides = array<i32>} : memref<640xf32, #tpu.memory_space<vmem>>, vector<16xf32>,
    %mul3A_609 = arith.constant 5.000000e-01 : f32
    %mul3A_610 = vector.broadcast %mul3A_609 : f32 to vector<16xf32>
    %mul3A_611 = arith.mulf %mul3A_610, %get3A_606 : vector<16xf32>
    %add3A_612 = arith.addf %get3A_608, %mul3A_611 : vector<16xf32>
    %mul3A_613 = arith.mulf %get3A_604, %add3A_612 : vector<16xf32>
    %get3A_614 = arith.constant 0 : index
    %get3A_615 = tpu.vector_load %arg11[%get3A_614] {strides = array<i32>} : memref<16xf32, #tpu.memory_space<vmem>>, vector<16xf32>,
    %mul3A_616 = arith.constant 5.000000e-01 : f32
    %mul3A_617 = vector.broadcast %mul3A_616 : f32 to vector<16xf32>
    %mul3A_618 = arith.mulf %mul3A_617, %get3A_615 : vector<16xf32>
    %add3A_619 = arith.addf %mul3A_613, %mul3A_618 : vector<16xf32>
    %swap3A_620 = arith.constant 368 : index
    %swap3A_621 = tpu.vector_load %arg14[%swap3A_620] {strides = array<i32>} : memref<640xf32, #tpu.memory_space<vmem>>, vector<16xf32>,
    tpu.vector_store %arg14[%swap3A_620], %add3A_619 {strides = array<i32>} : memref<640xf32, #tpu.memory_space<vmem>>, vector<16xf32>,
    %get3A_622 = arith.constant 384 : index
    %get3A_623 = tpu.vector_load %arg15[%get3A_622] {strides = array<i32>} : memref<1280xf32, #tpu.memory_space<vmem>>, vector<16xf32>,
    %get3A_624 = arith.constant 1024 : index
    %get3A_625 = tpu.vector_load %arg15[%get3A_624] {strides = array<i32>} : memref<1280xf32, #tpu.memory_space<vmem>>, vector<16xf32>,
    %get3A_626 = arith.constant 384 : index
    %get3A_627 = tpu.vector_load %arg14[%get3A_626] {strides = array<i32>} : memref<640xf32, #tpu.memory_space<vmem>>, vector<16xf32>,
    %mul3A_628 = arith.constant 5.000000e-01 : f32
    %mul3A_629 = vector.broadcast %mul3A_628 : f32 to vector<16xf32>
    %mul3A_630 = arith.mulf %mul3A_629, %get3A_625 : vector<16xf32>
    %add3A_631 = arith.addf %get3A_627, %mul3A_630 : vector<16xf32>
    %mul3A_632 = arith.mulf %get3A_623, %add3A_631 : vector<16xf32>
    %get3A_633 = arith.constant 0 : index
    %get3A_634 = tpu.vector_load %arg11[%get3A_633] {strides = array<i32>} : memref<16xf32, #tpu.memory_space<vmem>>, vector<16xf32>,
    %mul3A_635 = arith.constant 5.000000e-01 : f32
    %mul3A_636 = vector.broadcast %mul3A_635 : f32 to vector<16xf32>
    %mul3A_637 = arith.mulf %mul3A_636, %get3A_634 : vector<16xf32>
    %add3A_638 = arith.addf %mul3A_632, %mul3A_637 : vector<16xf32>
    %swap3A_639 = arith.constant 384 : index
    %swap3A_640 = tpu.vector_load %arg14[%swap3A_639] {strides = array<i32>} : memref<640xf32, #tpu.memory_space<vmem>>, vector<16xf32>,
    tpu.vector_store %arg14[%swap3A_639], %add3A_638 {strides = array<i32>} : memref<640xf32, #tpu.memory_space<vmem>>, vector<16xf32>,
    %get3A_641 = arith.constant 400 : index
    %get3A_642 = tpu.vector_load %arg15[%get3A_641] {strides = array<i32>} : memref<1280xf32, #tpu.memory_space<vmem>>, vector<16xf32>,
    %get3A_643 = arith.constant 1040 : index
    %get3A_644 = tpu.vector_load %arg15[%get3A_643] {strides = array<i32>} : memref<1280xf32, #tpu.memory_space<vmem>>, vector<16xf32>,
    %get3A_645 = arith.constant 400 : index
    %get3A_646 = tpu.vector_load %arg14[%get3A_645] {strides = array<i32>} : memref<640xf32, #tpu.memory_space<vmem>>, vector<16xf32>,
    %mul3A_647 = arith.constant 5.000000e-01 : f32
    %mul3A_648 = vector.broadcast %mul3A_647 : f32 to vector<16xf32>
    %mul3A_649 = arith.mulf %mul3A_648, %get3A_644 : vector<16xf32>
    %add3A_650 = arith.addf %get3A_646, %mul3A_649 : vector<16xf32>
    %mul3A_651 = arith.mulf %get3A_642, %add3A_650 : vector<16xf32>
    %get3A_652 = arith.constant 0 : index
    %get3A_653 = tpu.vector_load %arg11[%get3A_652] {strides = array<i32>} : memref<16xf32, #tpu.memory_space<vmem>>, vector<16xf32>,
    %mul3A_654 = arith.constant 5.000000e-01 : f32
    %mul3A_655 = vector.broadcast %mul3A_654 : f32 to vector<16xf32>
    %mul3A_656 = arith.mulf %mul3A_655, %get3A_653 : vector<16xf32>
    %add3A_657 = arith.addf %mul3A_651, %mul3A_656 : vector<16xf32>
    %swap3A_658 = arith.constant 400 : index
    %swap3A_659 = tpu.vector_load %arg14[%swap3A_658] {strides = array<i32>} : memref<640xf32, #tpu.memory_space<vmem>>, vector<16xf32>,
    tpu.vector_store %arg14[%swap3A_658], %add3A_657 {strides = array<i32>} : memref<640xf32, #tpu.memory_space<vmem>>, vector<16xf32>,
    %get3A_660 = arith.constant 416 : index
    %get3A_661 = tpu.vector_load %arg15[%get3A_660] {strides = array<i32>} : memref<1280xf32, #tpu.memory_space<vmem>>, vector<16xf32>,
    %get3A_662 = arith.constant 1056 : index
    %get3A_663 = tpu.vector_load %arg15[%get3A_662] {strides = array<i32>} : memref<1280xf32, #tpu.memory_space<vmem>>, vector<16xf32>,
    %get3A_664 = arith.constant 416 : index
    %get3A_665 = tpu.vector_load %arg14[%get3A_664] {strides = array<i32>} : memref<640xf32, #tpu.memory_space<vmem>>, vector<16xf32>,
    %mul3A_666 = arith.constant 5.000000e-01 : f32
    %mul3A_667 = vector.broadcast %mul3A_666 : f32 to vector<16xf32>
    %mul3A_668 = arith.mulf %mul3A_667, %get3A_663 : vector<16xf32>
    %add3A_669 = arith.addf %get3A_665, %mul3A_668 : vector<16xf32>
    %mul3A_670 = arith.mulf %get3A_661, %add3A_669 : vector<16xf32>
    %get3A_671 = arith.constant 0 : index
    %get3A_672 = tpu.vector_load %arg11[%get3A_671] {strides = array<i32>} : memref<16xf32, #tpu.memory_space<vmem>>, vector<16xf32>,
    %mul3A_673 = arith.constant 5.000000e-01 : f32
    %mul3A_674 = vector.broadcast %mul3A_673 : f32 to vector<16xf32>
    %mul3A_675 = arith.mulf %mul3A_674, %get3A_672 : vector<16xf32>
    %add3A_676 = arith.addf %mul3A_670, %mul3A_675 : vector<16xf32>
    %swap3A_677 = arith.constant 416 : index
    %swap3A_678 = tpu.vector_load %arg14[%swap3A_677] {strides = array<i32>} : memref<640xf32, #tpu.memory_space<vmem>>, vector<16xf32>,
    tpu.vector_store %arg14[%swap3A_677], %add3A_676 {strides = array<i32>} : memref<640xf32, #tpu.memory_space<vmem>>, vector<16xf32>,
    %get3A_679 = arith.constant 432 : index
    %get3A_680 = tpu.vector_load %arg15[%get3A_679] {strides = array<i32>} : memref<1280xf32, #tpu.memory_space<vmem>>, vector<16xf32>,
    %get3A_681 = arith.constant 1072 : index
    %get3A_682 = tpu.vector_load %arg15[%get3A_681] {strides = array<i32>} : memref<1280xf32, #tpu.memory_space<vmem>>, vector<16xf32>,
    %get3A_683 = arith.constant 432 : index
    %get3A_684 = tpu.vector_load %arg14[%get3A_683] {strides = array<i32>} : memref<640xf32, #tpu.memory_space<vmem>>, vector<16xf32>,
    %mul3A_685 = arith.constant 5.000000e-01 : f32
    %mul3A_686 = vector.broadcast %mul3A_685 : f32 to vector<16xf32>
    %mul3A_687 = arith.mulf %mul3A_686, %get3A_682 : vector<16xf32>
    %add3A_688 = arith.addf %get3A_684, %mul3A_687 : vector<16xf32>
    %mul3A_689 = arith.mulf %get3A_680, %add3A_688 : vector<16xf32>
    %get3A_690 = arith.constant 0 : index
    %get3A_691 = tpu.vector_load %arg11[%get3A_690] {strides = array<i32>} : memref<16xf32, #tpu.memory_space<vmem>>, vector<16xf32>,
    %mul3A_692 = arith.constant 5.000000e-01 : f32
    %mul3A_693 = vector.broadcast %mul3A_692 : f32 to vector<16xf32>
    %mul3A_694 = arith.mulf %mul3A_693, %get3A_691 : vector<16xf32>
    %add3A_695 = arith.addf %mul3A_689, %mul3A_694 : vector<16xf32>
    %swap3A_696 = arith.constant 432 : index
    %swap3A_697 = tpu.vector_load %arg14[%swap3A_696] {strides = array<i32>} : memref<640xf32, #tpu.memory_space<vmem>>, vector<16xf32>,
    tpu.vector_store %arg14[%swap3A_696], %add3A_695 {strides = array<i32>} : memref<640xf32, #tpu.memory_space<vmem>>, vector<16xf32>,
    %get3A_698 = arith.constant 448 : index
    %get3A_699 = tpu.vector_load %arg15[%get3A_698] {strides = array<i32>} : memref<1280xf32, #tpu.memory_space<vmem>>, vector<16xf32>,
    %get3A_700 = arith.constant 1088 : index
    %get3A_701 = tpu.vector_load %arg15[%get3A_700] {strides = array<i32>} : memref<1280xf32, #tpu.memory_space<vmem>>, vector<16xf32>,
    %get3A_702 = arith.constant 448 : index
    %get3A_703 = tpu.vector_load %arg14[%get3A_702] {strides = array<i32>} : memref<640xf32, #tpu.memory_space<vmem>>, vector<16xf32>,
    %mul3A_704 = arith.constant 5.000000e-01 : f32
    %mul3A_705 = vector.broadcast %mul3A_704 : f32 to vector<16xf32>
    %mul3A_706 = arith.mulf %mul3A_705, %get3A_701 : vector<16xf32>
    %add3A_707 = arith.addf %get3A_703, %mul3A_706 : vector<16xf32>
    %mul3A_708 = arith.mulf %get3A_699, %add3A_707 : vector<16xf32>
    %get3A_709 = arith.constant 0 : index
    %get3A_710 = tpu.vector_load %arg11[%get3A_709] {strides = array<i32>} : memref<16xf32, #tpu.memory_space<vmem>>, vector<16xf32>,
    %mul3A_711 = arith.constant 5.000000e-01 : f32
    %mul3A_712 = vector.broadcast %mul3A_711 : f32 to vector<16xf32>
    %mul3A_713 = arith.mulf %mul3A_712, %get3A_710 : vector<16xf32>
    %add3A_714 = arith.addf %mul3A_708, %mul3A_713 : vector<16xf32>
    %swap3A_715 = arith.constant 448 : index
    %swap3A_716 = tpu.vector_load %arg14[%swap3A_715] {strides = array<i32>} : memref<640xf32, #tpu.memory_space<vmem>>, vector<16xf32>,
    tpu.vector_store %arg14[%swap3A_715], %add3A_714 {strides = array<i32>} : memref<640xf32, #tpu.memory_space<vmem>>, vector<16xf32>,
    %get3A_717 = arith.constant 464 : index
    %get3A_718 = tpu.vector_load %arg15[%get3A_717] {strides = array<i32>} : memref<1280xf32, #tpu.memory_space<vmem>>, vector<16xf32>,
    %get3A_719 = arith.constant 1104 : index
    %get3A_720 = tpu.vector_load %arg15[%get3A_719] {strides = array<i32>} : memref<1280xf32, #tpu.memory_space<vmem>>, vector<16xf32>,
    %get3A_721 = arith.constant 464 : index
    %get3A_722 = tpu.vector_load %arg14[%get3A_721] {strides = array<i32>} : memref<640xf32, #tpu.memory_space<vmem>>, vector<16xf32>,
    %mul3A_723 = arith.constant 5.000000e-01 : f32
    %mul3A_724 = vector.broadcast %mul3A_723 : f32 to vector<16xf32>
    %mul3A_725 = arith.mulf %mul3A_724, %get3A_720 : vector<16xf32>
    %add3A_726 = arith.addf %get3A_722, %mul3A_725 : vector<16xf32>
    %mul3A_727 = arith.mulf %get3A_718, %add3A_726 : vector<16xf32>
    %get3A_728 = arith.constant 0 : index
    %get3A_729 = tpu.vector_load %arg11[%get3A_728] {strides = array<i32>} : memref<16xf32, #tpu.memory_space<vmem>>, vector<16xf32>,
    %mul3A_730 = arith.constant 5.000000e-01 : f32
    %mul3A_731 = vector.broadcast %mul3A_730 : f32 to vector<16xf32>
    %mul3A_732 = arith.mulf %mul3A_731, %get3A_729 : vector<16xf32>
    %add3A_733 = arith.addf %mul3A_727, %mul3A_732 : vector<16xf32>
    %swap3A_734 = arith.constant 464 : index
    %swap3A_735 = tpu.vector_load %arg14[%swap3A_734] {strides = array<i32>} : memref<640xf32, #tpu.memory_space<vmem>>, vector<16xf32>,
    tpu.vector_store %arg14[%swap3A_734], %add3A_733 {strides = array<i32>} : memref<640xf32, #tpu.memory_space<vmem>>, vector<16xf32>,
    %get3A_736 = arith.constant 480 : index
    %get3A_737 = tpu.vector_load %arg15[%get3A_736] {strides = array<i32>} : memref<1280xf32, #tpu.memory_space<vmem>>, vector<16xf32>,
    %get3A_738 = arith.constant 1120 : index
    %get3A_739 = tpu.vector_load %arg15[%get3A_738] {strides = array<i32>} : memref<1280xf32, #tpu.memory_space<vmem>>, vector<16xf32>,
    %get3A_740 = arith.constant 480 : index
    %get3A_741 = tpu.vector_load %arg14[%get3A_740] {strides = array<i32>} : memref<640xf32, #tpu.memory_space<vmem>>, vector<16xf32>,
    %mul3A_742 = arith.constant 5.000000e-01 : f32
    %mul3A_743 = vector.broadcast %mul3A_742 : f32 to vector<16xf32>
    %mul3A_744 = arith.mulf %mul3A_743, %get3A_739 : vector<16xf32>
    %add3A_745 = arith.addf %get3A_741, %mul3A_744 : vector<16xf32>
    %mul3A_746 = arith.mulf %get3A_737, %add3A_745 : vector<16xf32>
    %get3A_747 = arith.constant 0 : index
    %get3A_748 = tpu.vector_load %arg11[%get3A_747] {strides = array<i32>} : memref<16xf32, #tpu.memory_space<vmem>>, vector<16xf32>,
    %mul3A_749 = arith.constant 5.000000e-01 : f32
    %mul3A_750 = vector.broadcast %mul3A_749 : f32 to vector<16xf32>
    %mul3A_751 = arith.mulf %mul3A_750, %get3A_748 : vector<16xf32>
    %add3A_752 = arith.addf %mul3A_746, %mul3A_751 : vector<16xf32>
    %swap3A_753 = arith.constant 480 : index
    %swap3A_754 = tpu.vector_load %arg14[%swap3A_753] {strides = array<i32>} : memref<640xf32, #tpu.memory_space<vmem>>, vector<16xf32>,
    tpu.vector_store %arg14[%swap3A_753], %add3A_752 {strides = array<i32>} : memref<640xf32, #tpu.memory_space<vmem>>, vector<16xf32>,
    %get3A_755 = arith.constant 496 : index
    %get3A_756 = tpu.vector_load %arg15[%get3A_755] {strides = array<i32>} : memref<1280xf32, #tpu.memory_space<vmem>>, vector<16xf32>,
    %get3A_757 = arith.constant 1136 : index
    %get3A_758 = tpu.vector_load %arg15[%get3A_757] {strides = array<i32>} : memref<1280xf32, #tpu.memory_space<vmem>>, vector<16xf32>,
    %get3A_759 = arith.constant 496 : index
    %get3A_760 = tpu.vector_load %arg14[%get3A_759] {strides = array<i32>} : memref<640xf32, #tpu.memory_space<vmem>>, vector<16xf32>,
    %mul3A_761 = arith.constant 5.000000e-01 : f32
    %mul3A_762 = vector.broadcast %mul3A_761 : f32 to vector<16xf32>
    %mul3A_763 = arith.mulf %mul3A_762, %get3A_758 : vector<16xf32>
    %add3A_764 = arith.addf %get3A_760, %mul3A_763 : vector<16xf32>
    %mul3A_765 = arith.mulf %get3A_756, %add3A_764 : vector<16xf32>
    %get3A_766 = arith.constant 0 : index
    %get3A_767 = tpu.vector_load %arg11[%get3A_766] {strides = array<i32>} : memref<16xf32, #tpu.memory_space<vmem>>, vector<16xf32>,
    %mul3A_768 = arith.constant 5.000000e-01 : f32
    %mul3A_769 = vector.broadcast %mul3A_768 : f32 to vector<16xf32>
    %mul3A_770 = arith.mulf %mul3A_769, %get3A_767 : vector<16xf32>
    %add3A_771 = arith.addf %mul3A_765, %mul3A_770 : vector<16xf32>
    %swap3A_772 = arith.constant 496 : index
    %swap3A_773 = tpu.vector_load %arg14[%swap3A_772] {strides = array<i32>} : memref<640xf32, #tpu.memory_space<vmem>>, vector<16xf32>,
    tpu.vector_store %arg14[%swap3A_772], %add3A_771 {strides = array<i32>} : memref<640xf32, #tpu.memory_space<vmem>>, vector<16xf32>,
    %get3A_774 = arith.constant 512 : index
    %get3A_775 = tpu.vector_load %arg15[%get3A_774] {strides = array<i32>} : memref<1280xf32, #tpu.memory_space<vmem>>, vector<16xf32>,
    %get3A_776 = arith.constant 1152 : index
    %get3A_777 = tpu.vector_load %arg15[%get3A_776] {strides = array<i32>} : memref<1280xf32, #tpu.memory_space<vmem>>, vector<16xf32>,
    %get3A_778 = arith.constant 512 : index
    %get3A_779 = tpu.vector_load %arg14[%get3A_778] {strides = array<i32>} : memref<640xf32, #tpu.memory_space<vmem>>, vector<16xf32>,
    %mul3A_780 = arith.constant 5.000000e-01 : f32
    %mul3A_781 = vector.broadcast %mul3A_780 : f32 to vector<16xf32>
    %mul3A_782 = arith.mulf %mul3A_781, %get3A_777 : vector<16xf32>
    %add3A_783 = arith.addf %get3A_779, %mul3A_782 : vector<16xf32>
    %mul3A_784 = arith.mulf %get3A_775, %add3A_783 : vector<16xf32>
    %get3A_785 = arith.constant 0 : index
    %get3A_786 = tpu.vector_load %arg11[%get3A_785] {strides = array<i32>} : memref<16xf32, #tpu.memory_space<vmem>>, vector<16xf32>,
    %mul3A_787 = arith.constant 5.000000e-01 : f32
    %mul3A_788 = vector.broadcast %mul3A_787 : f32 to vector<16xf32>
    %mul3A_789 = arith.mulf %mul3A_788, %get3A_786 : vector<16xf32>
    %add3A_790 = arith.addf %mul3A_784, %mul3A_789 : vector<16xf32>
    %swap3A_791 = arith.constant 512 : index
    %swap3A_792 = tpu.vector_load %arg14[%swap3A_791] {strides = array<i32>} : memref<640xf32, #tpu.memory_space<vmem>>, vector<16xf32>,
    tpu.vector_store %arg14[%swap3A_791], %add3A_790 {strides = array<i32>} : memref<640xf32, #tpu.memory_space<vmem>>, vector<16xf32>,
    %get3A_793 = arith.constant 528 : index
    %get3A_794 = tpu.vector_load %arg15[%get3A_793] {strides = array<i32>} : memref<1280xf32, #tpu.memory_space<vmem>>, vector<16xf32>,
    %get3A_795 = arith.constant 1168 : index
    %get3A_796 = tpu.vector_load %arg15[%get3A_795] {strides = array<i32>} : memref<1280xf32, #tpu.memory_space<vmem>>, vector<16xf32>,
    %get3A_797 = arith.constant 528 : index
    %get3A_798 = tpu.vector_load %arg14[%get3A_797] {strides = array<i32>} : memref<640xf32, #tpu.memory_space<vmem>>, vector<16xf32>,
    %mul3A_799 = arith.constant 5.000000e-01 : f32
    %mul3A_800 = vector.broadcast %mul3A_799 : f32 to vector<16xf32>
    %mul3A_801 = arith.mulf %mul3A_800, %get3A_796 : vector<16xf32>
    %add3A_802 = arith.addf %get3A_798, %mul3A_801 : vector<16xf32>
    %mul3A_803 = arith.mulf %get3A_794, %add3A_802 : vector<16xf32>
    %get3A_804 = arith.constant 0 : index
    %get3A_805 = tpu.vector_load %arg11[%get3A_804] {strides = array<i32>} : memref<16xf32, #tpu.memory_space<vmem>>, vector<16xf32>,
    %mul3A_806 = arith.constant 5.000000e-01 : f32
    %mul3A_807 = vector.broadcast %mul3A_806 : f32 to vector<16xf32>
    %mul3A_808 = arith.mulf %mul3A_807, %get3A_805 : vector<16xf32>
    %add3A_809 = arith.addf %mul3A_803, %mul3A_808 : vector<16xf32>
    %swap3A_810 = arith.constant 528 : index
    %swap3A_811 = tpu.vector_load %arg14[%swap3A_810] {strides = array<i32>} : memref<640xf32, #tpu.memory_space<vmem>>, vector<16xf32>,
    tpu.vector_store %arg14[%swap3A_810], %add3A_809 {strides = array<i32>} : memref<640xf32, #tpu.memory_space<vmem>>, vector<16xf32>,
    %get3A_812 = arith.constant 544 : index
    %get3A_813 = tpu.vector_load %arg15[%get3A_812] {strides = array<i32>} : memref<1280xf32, #tpu.memory_space<vmem>>, vector<16xf32>,
    %get3A_814 = arith.constant 1184 : index
    %get3A_815 = tpu.vector_load %arg15[%get3A_814] {strides = array<i32>} : memref<1280xf32, #tpu.memory_space<vmem>>, vector<16xf32>,
    %get3A_816 = arith.constant 544 : index
    %get3A_817 = tpu.vector_load %arg14[%get3A_816] {strides = array<i32>} : memref<640xf32, #tpu.memory_space<vmem>>, vector<16xf32>,
    %mul3A_818 = arith.constant 5.000000e-01 : f32
    %mul3A_819 = vector.broadcast %mul3A_818 : f32 to vector<16xf32>
    %mul3A_820 = arith.mulf %mul3A_819, %get3A_815 : vector<16xf32>
    %add3A_821 = arith.addf %get3A_817, %mul3A_820 : vector<16xf32>
    %mul3A_822 = arith.mulf %get3A_813, %add3A_821 : vector<16xf32>
    %get3A_823 = arith.constant 0 : index
    %get3A_824 = tpu.vector_load %arg11[%get3A_823] {strides = array<i32>} : memref<16xf32, #tpu.memory_space<vmem>>, vector<16xf32>,
    %mul3A_825 = arith.constant 5.000000e-01 : f32
    %mul3A_826 = vector.broadcast %mul3A_825 : f32 to vector<16xf32>
    %mul3A_827 = arith.mulf %mul3A_826, %get3A_824 : vector<16xf32>
    %add3A_828 = arith.addf %mul3A_822, %mul3A_827 : vector<16xf32>
    %swap3A_829 = arith.constant 544 : index
    %swap3A_830 = tpu.vector_load %arg14[%swap3A_829] {strides = array<i32>} : memref<640xf32, #tpu.memory_space<vmem>>, vector<16xf32>,
    tpu.vector_store %arg14[%swap3A_829], %add3A_828 {strides = array<i32>} : memref<640xf32, #tpu.memory_space<vmem>>, vector<16xf32>,
    %get3A_831 = arith.constant 560 : index
    %get3A_832 = tpu.vector_load %arg15[%get3A_831] {strides = array<i32>} : memref<1280xf32, #tpu.memory_space<vmem>>, vector<16xf32>,
    %get3A_833 = arith.constant 1200 : index
    %get3A_834 = tpu.vector_load %arg15[%get3A_833] {strides = array<i32>} : memref<1280xf32, #tpu.memory_space<vmem>>, vector<16xf32>,
    %get3A_835 = arith.constant 560 : index
    %get3A_836 = tpu.vector_load %arg14[%get3A_835] {strides = array<i32>} : memref<640xf32, #tpu.memory_space<vmem>>, vector<16xf32>,
    %mul3A_837 = arith.constant 5.000000e-01 : f32
    %mul3A_838 = vector.broadcast %mul3A_837 : f32 to vector<16xf32>
    %mul3A_839 = arith.mulf %mul3A_838, %get3A_834 : vector<16xf32>
    %add3A_840 = arith.addf %get3A_836, %mul3A_839 : vector<16xf32>
    %mul3A_841 = arith.mulf %get3A_832, %add3A_840 : vector<16xf32>
    %get3A_842 = arith.constant 0 : index
    %get3A_843 = tpu.vector_load %arg11[%get3A_842] {strides = array<i32>} : memref<16xf32, #tpu.memory_space<vmem>>, vector<16xf32>,
    %mul3A_844 = arith.constant 5.000000e-01 : f32
    %mul3A_845 = vector.broadcast %mul3A_844 : f32 to vector<16xf32>
    %mul3A_846 = arith.mulf %mul3A_845, %get3A_843 : vector<16xf32>
    %add3A_847 = arith.addf %mul3A_841, %mul3A_846 : vector<16xf32>
    %swap3A_848 = arith.constant 560 : index
    %swap3A_849 = tpu.vector_load %arg14[%swap3A_848] {strides = array<i32>} : memref<640xf32, #tpu.memory_space<vmem>>, vector<16xf32>,
    tpu.vector_store %arg14[%swap3A_848], %add3A_847 {strides = array<i32>} : memref<640xf32, #tpu.memory_space<vmem>>, vector<16xf32>,
    %get3A_850 = arith.constant 576 : index
    %get3A_851 = tpu.vector_load %arg15[%get3A_850] {strides = array<i32>} : memref<1280xf32, #tpu.memory_space<vmem>>, vector<16xf32>,
    %get3A_852 = arith.constant 1216 : index
    %get3A_853 = tpu.vector_load %arg15[%get3A_852] {strides = array<i32>} : memref<1280xf32, #tpu.memory_space<vmem>>, vector<16xf32>,
    %get3A_854 = arith.constant 576 : index
    %get3A_855 = tpu.vector_load %arg14[%get3A_854] {strides = array<i32>} : memref<640xf32, #tpu.memory_space<vmem>>, vector<16xf32>,
    %mul3A_856 = arith.constant 5.000000e-01 : f32
    %mul3A_857 = vector.broadcast %mul3A_856 : f32 to vector<16xf32>
    %mul3A_858 = arith.mulf %mul3A_857, %get3A_853 : vector<16xf32>
    %add3A_859 = arith.addf %get3A_855, %mul3A_858 : vector<16xf32>
    %mul3A_860 = arith.mulf %get3A_851, %add3A_859 : vector<16xf32>
    %get3A_861 = arith.constant 0 : index
    %get3A_862 = tpu.vector_load %arg11[%get3A_861] {strides = array<i32>} : memref<16xf32, #tpu.memory_space<vmem>>, vector<16xf32>,
    %mul3A_863 = arith.constant 5.000000e-01 : f32
    %mul3A_864 = vector.broadcast %mul3A_863 : f32 to vector<16xf32>
    %mul3A_865 = arith.mulf %mul3A_864, %get3A_862 : vector<16xf32>
    %add3A_866 = arith.addf %mul3A_860, %mul3A_865 : vector<16xf32>
    %swap3A_867 = arith.constant 576 : index
    %swap3A_868 = tpu.vector_load %arg14[%swap3A_867] {strides = array<i32>} : memref<640xf32, #tpu.memory_space<vmem>>, vector<16xf32>,
    tpu.vector_store %arg14[%swap3A_867], %add3A_866 {strides = array<i32>} : memref<640xf32, #tpu.memory_space<vmem>>, vector<16xf32>,
    %get3A_869 = arith.constant 592 : index
    %get3A_870 = tpu.vector_load %arg15[%get3A_869] {strides = array<i32>} : memref<1280xf32, #tpu.memory_space<vmem>>, vector<16xf32>,
    %get3A_871 = arith.constant 1232 : index
    %get3A_872 = tpu.vector_load %arg15[%get3A_871] {strides = array<i32>} : memref<1280xf32, #tpu.memory_space<vmem>>, vector<16xf32>,
    %get3A_873 = arith.constant 592 : index
    %get3A_874 = tpu.vector_load %arg14[%get3A_873] {strides = array<i32>} : memref<640xf32, #tpu.memory_space<vmem>>, vector<16xf32>,
    %mul3A_875 = arith.constant 5.000000e-01 : f32
    %mul3A_876 = vector.broadcast %mul3A_875 : f32 to vector<16xf32>
    %mul3A_877 = arith.mulf %mul3A_876, %get3A_872 : vector<16xf32>
    %add3A_878 = arith.addf %get3A_874, %mul3A_877 : vector<16xf32>
    %mul3A_879 = arith.mulf %get3A_870, %add3A_878 : vector<16xf32>
    %get3A_880 = arith.constant 0 : index
    %get3A_881 = tpu.vector_load %arg11[%get3A_880] {strides = array<i32>} : memref<16xf32, #tpu.memory_space<vmem>>, vector<16xf32>,
    %mul3A_882 = arith.constant 5.000000e-01 : f32
    %mul3A_883 = vector.broadcast %mul3A_882 : f32 to vector<16xf32>
    %mul3A_884 = arith.mulf %mul3A_883, %get3A_881 : vector<16xf32>
    %add3A_885 = arith.addf %mul3A_879, %mul3A_884 : vector<16xf32>
    %swap3A_886 = arith.constant 592 : index
    %swap3A_887 = tpu.vector_load %arg14[%swap3A_886] {strides = array<i32>} : memref<640xf32, #tpu.memory_space<vmem>>, vector<16xf32>,
    tpu.vector_store %arg14[%swap3A_886], %add3A_885 {strides = array<i32>} : memref<640xf32, #tpu.memory_space<vmem>>, vector<16xf32>,
    %get3A_888 = arith.constant 608 : index
    %get3A_889 = tpu.vector_load %arg15[%get3A_888] {strides = array<i32>} : memref<1280xf32, #tpu.memory_space<vmem>>, vector<16xf32>,
    %get3A_890 = arith.constant 1248 : index
    %get3A_891 = tpu.vector_load %arg15[%get3A_890] {strides = array<i32>} : memref<1280xf32, #tpu.memory_space<vmem>>, vector<16xf32>,
    %get3A_892 = arith.constant 608 : index
    %get3A_893 = tpu.vector_load %arg14[%get3A_892] {strides = array<i32>} : memref<640xf32, #tpu.memory_space<vmem>>, vector<16xf32>,
    %mul3A_894 = arith.constant 5.000000e-01 : f32
    %mul3A_895 = vector.broadcast %mul3A_894 : f32 to vector<16xf32>
    %mul3A_896 = arith.mulf %mul3A_895, %get3A_891 : vector<16xf32>
    %add3A_897 = arith.addf %get3A_893, %mul3A_896 : vector<16xf32>
    %mul3A_898 = arith.mulf %get3A_889, %add3A_897 : vector<16xf32>
    %get3A_899 = arith.constant 0 : index
    %get3A_900 = tpu.vector_load %arg11[%get3A_899] {strides = array<i32>} : memref<16xf32, #tpu.memory_space<vmem>>, vector<16xf32>,
    %mul3A_901 = arith.constant 5.000000e-01 : f32
    %mul3A_902 = vector.broadcast %mul3A_901 : f32 to vector<16xf32>
    %mul3A_903 = arith.mulf %mul3A_902, %get3A_900 : vector<16xf32>
    %add3A_904 = arith.addf %mul3A_898, %mul3A_903 : vector<16xf32>
    %swap3A_905 = arith.constant 608 : index
    %swap3A_906 = tpu.vector_load %arg14[%swap3A_905] {strides = array<i32>} : memref<640xf32, #tpu.memory_space<vmem>>, vector<16xf32>,
    tpu.vector_store %arg14[%swap3A_905], %add3A_904 {strides = array<i32>} : memref<640xf32, #tpu.memory_space<vmem>>, vector<16xf32>,
    %get3A_907 = arith.constant 624 : index
    %get3A_908 = tpu.vector_load %arg15[%get3A_907] {strides = array<i32>} : memref<1280xf32, #tpu.memory_space<vmem>>, vector<16xf32>,
    %get3A_909 = arith.constant 1264 : index
    %get3A_910 = tpu.vector_load %arg15[%get3A_909] {strides = array<i32>} : memref<1280xf32, #tpu.memory_space<vmem>>, vector<16xf32>,
    %get3A_911 = arith.constant 624 : index
    %get3A_912 = tpu.vector_load %arg14[%get3A_911] {strides = array<i32>} : memref<640xf32, #tpu.memory_space<vmem>>, vector<16xf32>,
    %mul3A_913 = arith.constant 5.000000e-01 : f32
    %mul3A_914 = vector.broadcast %mul3A_913 : f32 to vector<16xf32>
    %mul3A_915 = arith.mulf %mul3A_914, %get3A_910 : vector<16xf32>
    %add3A_916 = arith.addf %get3A_912, %mul3A_915 : vector<16xf32>
    %mul3A_917 = arith.mulf %get3A_908, %add3A_916 : vector<16xf32>
    %get3A_918 = arith.constant 0 : index
    %get3A_919 = tpu.vector_load %arg11[%get3A_918] {strides = array<i32>} : memref<16xf32, #tpu.memory_space<vmem>>, vector<16xf32>,
    %mul3A_920 = arith.constant 5.000000e-01 : f32
    %mul3A_921 = vector.broadcast %mul3A_920 : f32 to vector<16xf32>
    %mul3A_922 = arith.mulf %mul3A_921, %get3A_919 : vector<16xf32>
    %add3A_923 = arith.addf %mul3A_917, %mul3A_922 : vector<16xf32>
    %swap3A_924 = arith.constant 624 : index
    %swap3A_925 = tpu.vector_load %arg14[%swap3A_924] {strides = array<i32>} : memref<640xf32, #tpu.memory_space<vmem>>, vector<16xf32>,
    tpu.vector_store %arg14[%swap3A_924], %add3A_923 {strides = array<i32>} : memref<640xf32, #tpu.memory_space<vmem>>, vector<16xf32>,
    "tpu.region"() ({
      %run_scoped3A = tpu.sem_alloc : memref<!tpu.dma_semaphore, #tpu.memory_space<semaphore_mem>>
      %dma_start3A = tpu.memref_slice %arg7[%arg0, %multiple_of3A] : memref<2x10240xf32, #tpu.memory_space<hbm>> -> memref<1x640xf32, #tpu.memory_space<hbm>>
      %dma_start3A_926 = tpu.memref_squeeze %dma_start3A : memref<1x640xf32, #tpu.memory_space<hbm>> -> memref<640xf32, #tpu.memory_space<hbm>>
      %dma_start3A_927 = tpu.memref_slice %arg7[%arg0, %multiple_of3A] : memref<2x10240xf32, #tpu.memory_space<hbm>> -> memref<1x640xf32, #tpu.memory_space<hbm>>
      %dma_start3A_928 = tpu.memref_squeeze %dma_start3A_927 : memref<1x640xf32, #tpu.memory_space<hbm>> -> memref<640xf32, #tpu.memory_space<hbm>>
      tpu.enqueue_dma source(%arg14 : memref<640xf32, #tpu.memory_space<vmem>>) target(%dma_start3A_928 : memref<640xf32, #tpu.memory_space<hbm>>) target_semaphore(%run_scoped3A : memref<!tpu.dma_semaphore, #tpu.memory_space<semaphore_mem>>)
      %dma_wait3A = tpu.memref_slice %arg7[%arg0, %multiple_of3A] : memref<2x10240xf32, #tpu.memory_space<hbm>> -> memref<1x640xf32, #tpu.memory_space<hbm>>
      %dma_wait3A_929 = tpu.memref_squeeze %dma_wait3A : memref<1x640xf32, #tpu.memory_space<hbm>> -> memref<640xf32, #tpu.memory_space<hbm>>
      %dma_wait3A_930 = tpu.memref_slice %arg7[%arg0, %multiple_of3A] : memref<2x10240xf32, #tpu.memory_space<hbm>> -> memref<1x640xf32, #tpu.memory_space<hbm>>
      %dma_wait3A_931 = tpu.memref_squeeze %dma_wait3A_930 : memref<1x640xf32, #tpu.memory_space<hbm>> -> memref<640xf32, #tpu.memory_space<hbm>>
      tpu.wait_dma2 semaphore(%run_scoped3A : memref<!tpu.dma_semaphore, #tpu.memory_space<semaphore_mem>>) src(%arg14 : memref<640xf32, #tpu.memory_space<vmem>>) dst(%dma_wait3A_931 : memref<640xf32, #tpu.memory_space<hbm>>)
      tpu.yield
    }) : () -> ()
    return
  }
}

module attributes {stable_mosaic.version = 14 : i64} {
  func.func @_tc_a_body(%arg0: i32, %arg1: memref<5000x128xf32, #tpu.memory_space<vmem>>, %arg2: memref<128x128xf32, #tpu.memory_space<vmem>>, %arg3: memref<5000x1xf32, #tpu.memory_space<vmem>>, %arg4: memref<5000x1xf32, #tpu.memory_space<vmem>>, %arg5: memref<5000x128xf32, #tpu.memory_space<vmem>>, %arg6: memref<5000x1xf32, #tpu.memory_space<vmem>>) attributes {dimension_semantics = [#tpu.dimension_semantics<arbitrary>], iteration_bounds = array<i64: 2>, scalar_prefetch = 0 : i64, scratch_operands = 0 : i64, tpu.core_type = #tpu.core_type<tc>, window_params = [{transform_indices = @transform_0, window_bounds = array<i64: 5000, 128>}, {pipeline_mode = #tpu.pipeline_mode<synchronous>, transform_indices = @transform_1, window_bounds = array<i64: 128, 128>}, {transform_indices = @transform_2, window_bounds = array<i64: 5000, 1>}, {transform_indices = @transform_3, window_bounds = array<i64: 5000, 1>}, {transform_indices = @transform_4, window_bounds = array<i64: 5000, 128>}, {transform_indices = @transform_5, window_bounds = array<i64: 5000, 1>}]} {
    %get3A = arith.constant 0 : index
    %get3A_0 = arith.constant 0 : index
    %get3A_1 = vector.load %arg3[%get3A, %get3A_0] : memref<5000x1xf32, #tpu.memory_space<vmem>>, vector<5000x1xf32>
    %get3A_2 = arith.constant 0 : index
    %get3A_3 = arith.constant 0 : index
    %get3A_4 = vector.load %arg4[%get3A_2, %get3A_3] : memref<5000x1xf32, #tpu.memory_space<vmem>>, vector<5000x1xf32>
    %add3A = arith.addf %get3A_1, %get3A_4 : vector<5000x1xf32>
    %add3A_5 = arith.constant 1.000000e+00 : f32
    %add3A_6 = vector.broadcast %add3A_5 : f32 to vector<5000x1xf32>
    %add3A_7 = arith.addf %add3A, %add3A_6 : vector<5000x1xf32>
    %rsqrt3A = math.rsqrt %add3A_7 : vector<5000x1xf32>
    %get3A_8 = arith.constant 0 : index
    %get3A_9 = arith.constant 0 : index
    %get3A_10 = vector.load %arg1[%get3A_8, %get3A_9] : memref<5000x128xf32, #tpu.memory_space<vmem>>, vector<5000x128xf32>
    %get3A_11 = arith.constant 0 : index
    %get3A_12 = arith.constant 0 : index
    %get3A_13 = vector.load %arg2[%get3A_11, %get3A_12] : memref<128x128xf32, #tpu.memory_space<vmem>>, vector<128x128xf32>
    %dot_general3A = arith.constant dense<0.000000e+00> : vector<5000x128xf32>
    %dot_general3A_14 = tpu.matmul %get3A_10, %get3A_13, %dot_general3A {dimension_numbers = #tpu.dot_dimension_numbers<[1], [0], [0], [1], [0, 0, 1, 1], [], []>, transpose_lhs_hint = false} : vector<5000x128xf32>, vector<128x128xf32>, vector<5000x128xf32> -> vector<5000x128xf32>
    %mul3A = vector.broadcast %rsqrt3A : vector<5000x1xf32> to vector<5000x128xf32>
    %mul3A_15 = arith.mulf %dot_general3A_14, %mul3A : vector<5000x128xf32>
    %swap3A = arith.constant 0 : index
    %swap3A_16 = arith.constant 0 : index
    %swap3A_17 = vector.load %arg5[%swap3A, %swap3A_16] : memref<5000x128xf32, #tpu.memory_space<vmem>>, vector<5000x128xf32>
    tpu.vector_store %arg5[%swap3A, %swap3A_16], %mul3A_15 {strides = array<i32>} : memref<5000x128xf32, #tpu.memory_space<vmem>>, vector<5000x128xf32>,
    %swap3A_18 = arith.constant 0 : index
    %swap3A_19 = arith.constant 0 : index
    %swap3A_20 = vector.load %arg6[%swap3A_18, %swap3A_19] : memref<5000x1xf32, #tpu.memory_space<vmem>>, vector<5000x1xf32>
    tpu.vector_store %arg6[%swap3A_18, %swap3A_19], %rsqrt3A {strides = array<i32>} : memref<5000x1xf32, #tpu.memory_space<vmem>>, vector<5000x1xf32>,
    return
  }
  func.func @transform_0(%arg0: i32) -> (i32, i32) {
    %c0_i32 = arith.constant 0 : i32
    %c0_i32_0 = arith.constant 0 : i32
    return %arg0, %c0_i32 : i32, i32
  }
  func.func @transform_1(%arg0: i32) -> (i32, i32) {
    %c0_i32 = arith.constant 0 : i32
    %c0_i32_0 = arith.constant 0 : i32
    %c0_i32_1 = arith.constant 0 : i32
    return %c0_i32, %c0_i32_0 : i32, i32
  }
  func.func @transform_2(%arg0: i32) -> (i32, i32) {
    %c0_i32 = arith.constant 0 : i32
    %c0_i32_0 = arith.constant 0 : i32
    return %arg0, %c0_i32 : i32, i32
  }
  func.func @transform_3(%arg0: i32) -> (i32, i32) {
    %c0_i32 = arith.constant 0 : i32
    %c0_i32_0 = arith.constant 0 : i32
    return %arg0, %c0_i32 : i32, i32
  }
  func.func @transform_4(%arg0: i32) -> (i32, i32) {
    %c0_i32 = arith.constant 0 : i32
    %c0_i32_0 = arith.constant 0 : i32
    return %arg0, %c0_i32 : i32, i32
  }
  func.func @transform_5(%arg0: i32) -> (i32, i32) {
    %c0_i32 = arith.constant 0 : i32
    %c0_i32_0 = arith.constant 0 : i32
    return %arg0, %c0_i32 : i32, i32
  }
}

module attributes {stable_mosaic.version = 14 : i64} {
  func.func @_tc_b_body(%arg0: i32, %arg1: memref<2x5000x128xf32, #tpu.memory_space<vmem>>, %arg2: memref<5000x128xf32, #tpu.memory_space<vmem>>, %arg3: memref<5000x1xf32, #tpu.memory_space<vmem>>, %arg4: memref<1x128xf32, #tpu.memory_space<vmem>>, %arg5: memref<128x1xf32, #tpu.memory_space<vmem>>, %arg6: memref<5000x1xf32, #tpu.memory_space<vmem>>) attributes {dimension_semantics = [#tpu.dimension_semantics<arbitrary>], iteration_bounds = array<i64: 2>, scalar_prefetch = 0 : i64, scratch_operands = 0 : i64, tpu.core_type = #tpu.core_type<tc>, window_params = [{transform_indices = @transform_0, window_bounds = array<i64: 2, 5000, 128>}, {transform_indices = @transform_1, window_bounds = array<i64: 5000, 128>}, {transform_indices = @transform_2, window_bounds = array<i64: 5000, 1>}, {pipeline_mode = #tpu.pipeline_mode<synchronous>, transform_indices = @transform_3, window_bounds = array<i64: 1, 128>}, {pipeline_mode = #tpu.pipeline_mode<synchronous>, transform_indices = @transform_4, window_bounds = array<i64: 128, 1>}, {transform_indices = @transform_5, window_bounds = array<i64: 5000, 1>}]} {
    %get3A = arith.constant 0 : index
    %get3A_0 = arith.constant 0 : index
    %get3A_1 = arith.constant 0 : index
    %get3A_2 = vector.load %arg1[%get3A, %get3A_0, %get3A_1] : memref<2x5000x128xf32, #tpu.memory_space<vmem>>, vector<1x5000x128xf32>
    %get3A_3 = vector.shape_cast %get3A_2 : vector<1x5000x128xf32> to vector<5000x128xf32>
    %get3A_4 = arith.constant 1 : index
    %get3A_5 = arith.constant 0 : index
    %get3A_6 = arith.constant 0 : index
    %get3A_7 = vector.load %arg1[%get3A_4, %get3A_5, %get3A_6] : memref<2x5000x128xf32, #tpu.memory_space<vmem>>, vector<1x5000x128xf32>
    %get3A_8 = vector.shape_cast %get3A_7 : vector<1x5000x128xf32> to vector<5000x128xf32>
    %add3A = arith.addf %get3A_3, %get3A_8 : vector<5000x128xf32>
    %get3A_9 = arith.constant 0 : index
    %get3A_10 = arith.constant 0 : index
    %get3A_11 = vector.load %arg2[%get3A_9, %get3A_10] : memref<5000x128xf32, #tpu.memory_space<vmem>>, vector<5000x128xf32>
    %add3A_12 = arith.addf %add3A, %get3A_11 : vector<5000x128xf32>
    %get3A_13 = arith.constant 0 : index
    %get3A_14 = arith.constant 0 : index
    %get3A_15 = vector.load %arg3[%get3A_13, %get3A_14] : memref<5000x1xf32, #tpu.memory_space<vmem>>, vector<5000x1xf32>
    %mul3A = vector.broadcast %get3A_15 : vector<5000x1xf32> to vector<5000x128xf32>
    %mul3A_16 = arith.mulf %mul3A, %add3A_12 : vector<5000x128xf32>
    %get3A_17 = arith.constant 0 : index
    %get3A_18 = arith.constant 0 : index
    %get3A_19 = vector.load %arg4[%get3A_17, %get3A_18] : memref<1x128xf32, #tpu.memory_space<vmem>>, vector<1x128xf32>
    %add3A_20 = vector.broadcast %get3A_19 : vector<1x128xf32> to vector<5000x128xf32>
    %add3A_21 = arith.addf %mul3A_16, %add3A_20 : vector<5000x128xf32>
    %max3A = arith.constant 0.000000e+00 : f32
    %max3A_22 = vector.broadcast %max3A : f32 to vector<5000x128xf32>
    %max3A_23 = arith.maximumf %add3A_21, %max3A_22 : vector<5000x128xf32>
    %get3A_24 = arith.constant 0 : index
    %get3A_25 = arith.constant 0 : index
    %get3A_26 = vector.load %arg5[%get3A_24, %get3A_25] : memref<128x1xf32, #tpu.memory_space<vmem>>, vector<128x1xf32>
    %dot_general3A = arith.constant dense<0.000000e+00> : vector<5000x1xf32>
    %dot_general3A_27 = tpu.matmul %max3A_23, %get3A_26, %dot_general3A {dimension_numbers = #tpu.dot_dimension_numbers<[1], [0], [0], [1], [0, 0, 1, 1], [], []>, transpose_lhs_hint = false} : vector<5000x128xf32>, vector<128x1xf32>, vector<5000x1xf32> -> vector<5000x1xf32>
    %get3A_28 = arith.constant 0 : index
    %get3A_29 = arith.constant 0 : index
    %get3A_30 = vector.load %arg3[%get3A_28, %get3A_29] : memref<5000x1xf32, #tpu.memory_space<vmem>>, vector<5000x1xf32>
    %mul3A_31 = arith.mulf %get3A_30, %dot_general3A_27 : vector<5000x1xf32>
    %swap3A = arith.constant 0 : index
    %swap3A_32 = arith.constant 0 : index
    %swap3A_33 = vector.load %arg6[%swap3A, %swap3A_32] : memref<5000x1xf32, #tpu.memory_space<vmem>>, vector<5000x1xf32>
    tpu.vector_store %arg6[%swap3A, %swap3A_32], %mul3A_31 {strides = array<i32>} : memref<5000x1xf32, #tpu.memory_space<vmem>>, vector<5000x1xf32>,
    return
  }
  func.func @transform_0(%arg0: i32) -> (i32, i32, i32) {
    %c0_i32 = arith.constant 0 : i32
    %c0_i32_0 = arith.constant 0 : i32
    %c0_i32_1 = arith.constant 0 : i32
    return %c0_i32, %arg0, %c0_i32_0 : i32, i32, i32
  }
  func.func @transform_1(%arg0: i32) -> (i32, i32) {
    %c0_i32 = arith.constant 0 : i32
    %c0_i32_0 = arith.constant 0 : i32
    return %arg0, %c0_i32 : i32, i32
  }
  func.func @transform_2(%arg0: i32) -> (i32, i32) {
    %c0_i32 = arith.constant 0 : i32
    %c0_i32_0 = arith.constant 0 : i32
    return %arg0, %c0_i32 : i32, i32
  }
  func.func @transform_3(%arg0: i32) -> (i32, i32) {
    %c0_i32 = arith.constant 0 : i32
    %c0_i32_0 = arith.constant 0 : i32
    %c0_i32_1 = arith.constant 0 : i32
    return %c0_i32, %c0_i32_0 : i32, i32
  }
  func.func @transform_4(%arg0: i32) -> (i32, i32) {
    %c0_i32 = arith.constant 0 : i32
    %c0_i32_0 = arith.constant 0 : i32
    %c0_i32_1 = arith.constant 0 : i32
    return %c0_i32, %c0_i32_0 : i32, i32
  }
  func.func @transform_5(%arg0: i32) -> (i32, i32) {
    %c0_i32 = arith.constant 0 : i32
    %c0_i32_0 = arith.constant 0 : i32
    return %arg0, %c0_i32 : i32, i32
  }
}

</mosaic_0001>

<sc_bundles>
// kernel: kernel.10.cloned.1.call-start
scs
__scs_entry_jumppad:
0x0: {  	(pc) =	sbr.rel $0x88, $3  }
0x1: {  	(tag) =	ssettag $0x0;
	lr =	simm.s32 $0x1  }
0x2: {  	[smem:$0x3F9B] =	sst lr;
	_ =	strace $0xD0000000  }
0x3: {  	_ = 	snop  }
0x4: {  	_ = 	snop  }
0x5: {  	_ = 	snop  }
0x6: {  	_ = 	snop  }
0x7: {  	_ = 	snop  }
__scs_overlays_trampoline_lowered:
0x8: {  	[smem:$0x3FAA] =	sst s0  }
0x9: {  	[smem:$0x3FAB] =	sst s1  }
0xa: {  	[smem:$0x3FAC] =	sst s2  }
0xb: {  	[smem:$0x3FAD] =	sst s3  }
0xc: {  	[smem:$0x3FAE] =	sst s4  }
0xd: {  	[smem:$0x3FAF] =	sst s5  }
0xe: {  	[smem:$0x3FB0] =	sst s6  }
0xf: {  	[smem:$0x3FB1] =	sst s7  }
0x10: {  	[smem:$0x3FB2] =	sst s8  }
0x11: {  	[smem:$0x3FB3] =	sst s9;
	s0 =	simm.s32 @!p0 $0x0  }
0x12: {  	s1 =	sld [smem:$0x3F99];
	s0 =	simm.s32 @p0 $0x1  }
0x13: {  	[smem:$0x3FB4] =	sst s0;
	s0 =	simm.s32 @!p1 $0x0  }
0x14: {  	s2 =	sld [smem:$0x3F98];
	s0 =	simm.s32 @p1 $0x1  }
0x15: {  	[smem:$0x3FB5] =	sst s0;
	s0 =	simm.s32 @!p2 $0x0  }
0x16: {  	s3 =	sld [smem:$0x3FDB];
	s0 =	simm.s32 @p2 $0x1  }
0x17: {  	s4 =	simm.s32 $0x1BF5;
	[smem:$0x3FB7] =	sst s0  }
0x18: {  	s0 =	sld [smem:$0x3F9A];
	_ =	swait.ge [sflag:s4], $0x0  }
0x19: {  	s7 =	sld [smem:$0x3F9B]  }
0x1a: {  	s8 =	sadd.s32 $0xFFFFE003, lr  }
0x1b: {  	s9 =	sadd.s32 $0xFFFFFEF7, lr;
	s5 =	simm.s32 $0xFFFFFFFF;
	p2 =	slt.u32 s8, $0xFFFFF086  }
0x1c: {  	p1 =	slt.u32 s9, $0xF7A;
	s5 =	simm.s32 @!p2 $0x0  }
0x1d: {  	s5 =	simm.s32 @p1 $0x1;
	p0 =	seq.s32 s7, s2  }
0x1e: {  	s7 =	smul.u32 @!p0 $0xF7A, s2;
	p2 =	seq.s32 @!p0 s5, $0x0  }
0x1f: {  	s9 =	smul.u32 $0xF7A, s1;
	s8 =	simm.s32 @!p0 $0x1BF5;
	p2 =	por !p2, p0  }
0x20: {  	[sflag:s8] =	ssyncset.s32 @!p0 $0xFFFFF086;
	s6 =	sadd.s32 @!p0 s3, s7;
	s7 =	simm.s32 @!p0 $0x108  }
0x21: {  	s3 =	sadd.s32 s3, s9;
	s6 =	sadd.s32 @!p0 $0x88, s6;
	s7 =	simm.s32 @p2 $0x1082  }
0x22: {  	[simem:s7], [sflag:s8] =	dma.local @!p0 [hbm:s6], $0xF7A  }
0x23: {  	s9 =	sor.u32 $0xD0000000, s2;
	s6 =	simm.s32 $0x108;
	_ =	swait.ge @!p0 [sflag:s8], $0x0  }
0x24: {  	s3 =	sadd.s32 $0x88, s3;
	s6 =	simm.s32 @!p1 $0x1082;
	[sflag:s4] =	ssyncset.s32 $0xFFFFF086  }
0x25: {  	[simem:s6], [sflag:s4] =	dma.local [hbm:s3], $0xF7A  }
0x26: {  	[smem:$0x3F9B] =	sst s1;
	(tag) =	ssettag s2;
	_ =	strace s9  }
0x27: {  	s1 =	sld [smem:$0x3FAB]  }
0x28: {  	s2 =	sld [smem:$0x3FAC]  }
0x29: {  	s4 =	sld [smem:$0x3FAE]  }
0x2a: {  	p0 =	seq.s32 s5, $0x0;
	s5 =	sld [smem:$0x3FAF]  }
0x2b: {  	s6 =	sld [smem:$0x3FB0]  }
0x2c: {  	s7 =	sld [smem:$0x3FB1]  }
0x2d: {  	s3 =	simm.s32 $0x108;
	s8 =	sld [smem:$0x3FB2]  }
0x2e: {  	s3 =	simm.s32 @!p0 $0x1082;
	s9 =	sld [smem:$0x3FB3]  }
0x2f: {  	lr =	sadd.s32 s0, s3;
	s0 =	sld [smem:$0x3FAA]  }
0x30: {  	s3 =	sld [smem:$0x3FAD]  }
0x31: {  	[smem:$0x3FB6] =	sst s10  }
0x32: {  	s10 =	sld [smem:$0x3FB4];
	_ =	sdelay $0x3  }
0x33: {  	p0 =	seq.s32 s10, $0x1;
	s10 =	sld [smem:$0x3FB6];
	_ =	sdelay $0x3  }
0x34: {  	[smem:$0x3FB6] =	sst s10  }
0x35: {  	s10 =	sld [smem:$0x3FB5];
	_ =	sdelay $0x3  }
0x36: {  	p1 =	seq.s32 s10, $0x1;
	s10 =	sld [smem:$0x3FB6];
	_ =	sdelay $0x3  }
0x37: {  	[smem:$0x3FB6] =	sst s10  }
0x38: {  	s10 =	sld [smem:$0x3FB7]  }
0x39: {  	_ = 	snop;
	(pc) =	sbr.ind lr, $3  }
0x3a: {  	_ = 	snop  }
0x3b: {  	_ = 	snop  }
0x3c: {  	p2 =	seq.s32 s10, $0x1;
	s10 =	sld [smem:$0x3FB6]  }
0x3d: {  	_ =	shalt  }
0x3e: {  	_ =	shalt  }
0x3f: {  	_ =	shalt  }
0x40: {  	_ =	shalt  }
0x41: {  	_ =	shalt  }
0x42: {  	_ =	shalt  }
0x43: {  	_ =	shalt  }
0x44: {  	_ =	shalt  }
0x45: {  	_ =	shalt  }
0x46: {  	_ =	shalt  }
0x47: {  	_ =	shalt  }
0x48: {  	_ =	shalt  }
0x49: {  	_ =	shalt  }
0x4a: {  	_ =	shalt  }
0x4b: {  	_ =	shalt  }
0x4c: {  	_ =	shalt  }
0x4d: {  	_ =	shalt  }
0x4e: {  	_ =	shalt  }
0x4f: {  	_ =	shalt  }
0x50: {  	_ =	shalt  }
0x51: {  	_ =	shalt  }
0x52: {  	_ =	shalt  }
0x53: {  	_ =	shalt  }
0x54: {  	_ =	shalt  }
0x55: {  	_ =	shalt  }
0x56: {  	_ =	shalt  }
0x57: {  	_ =	shalt  }
0x58: {  	_ =	shalt  }
0x59: {  	_ =	shalt  }
0x5a: {  	_ =	shalt  }
0x5b: {  	_ =	shalt  }
0x5c: {  	_ =	shalt  }
0x5d: {  	_ =	shalt  }
0x5e: {  	_ =	shalt  }
0x5f: {  	_ =	shalt  }
0x60: {  	_ =	shalt  }
0x61: {  	_ =	shalt  }
0x62: {  	_ =	shalt  }
0x63: {  	_ =	shalt  }
0x64: {  	_ =	shalt  }
0x65: {  	_ =	shalt  }
0x66: {  	_ =	shalt  }
0x67: {  	_ =	shalt  }
0x68: {  	_ =	shalt  }
0x69: {  	_ =	shalt  }
0x6a: {  	_ =	shalt  }
0x6b: {  	_ =	shalt  }
0x6c: {  	_ =	shalt  }
0x6d: {  	_ =	shalt  }
0x6e: {  	_ =	shalt  }
0x6f: {  	_ =	shalt  }
0x70: {  	_ =	shalt  }
0x71: {  	_ =	shalt  }
0x72: {  	_ =	shalt  }
0x73: {  	_ =	shalt  }
0x74: {  	_ =	shalt  }
0x75: {  	_ =	shalt  }
0x76: {  	_ =	shalt  }
0x77: {  	_ =	shalt  }
0x78: {  	_ =	shalt  }
0x79: {  	_ =	shalt  }
0x7a: {  	_ =	shalt  }
0x7b: {  	_ =	shalt  }
0x7c: {  	_ =	shalt  }
0x7d: {  	_ =	shalt  }
0x7e: {  	_ =	shalt  }
0x7f: {  	_ =	shalt  }
0x80: {  	_ =	shalt  }
0x81: {  	_ =	shalt  }
0x82: {  	_ =	shalt  }
0x83: {  	_ =	shalt  }
0x84: {  	_ =	shalt  }
0x85: {  	_ =	shalt  }
0x86: {  	_ =	shalt  }
0x87: {  	_ =	shalt  }
.Lfunc_end0:
.L_simem_size_0:
called_computation.1_lowered:
.L_overlay_start_0:
0x88: {  	s2 =	sld [smem:$0x3FD9]  }
0x89: {  	s3 =	sld [smem:$0x3FFE];
	_ =	sdelay $0x1  }
0x8a: {  	s1 =	srdreg.scid  }
0x8b: {  	s0 =	sand.u32 $0x1, s1  }
0x8c: {  	s16 =	sshll.u32 s0, $0xA;
	s2 =	sadd.s32 s3, s2  }
0x8d: {  	s2 =	sadd.s32 s2, s16  }
0x8e: {  	[smem:$0x3FC2] =	sst s2  }
0x8f: {  	_ = 	snop  }
0x90: {  	(tm) =	ssettm $0x1  }
0x91: {  	s17 =	sld [smem:$0x3FFB];
	_ =	sdelay $0x3  }
0x92: {  	_ =	strace s17  }
0x93: {  	s2 =	sld [smem:$0x3FFC];
	_ =	sdelay $0x3  }
0x94: {  	_ =	strace s2  }
0x95: {  	s2 =	sld [smem:$0x3FFD];
	_ =	sdelay $0x3  }
0x96: {  	_ =	strace s2  }
0x97: {  	_ =	strace $0x8FFFFFFF  }
0x98: {  	s18 =	sld [smem:$0x3FDB];
	_ =	sdelay $0x1  }
0x99: {  	s19 =	simm.s32 $_scs_section_size  }
0x9a: {  	s4 =	simm.s32 $_size__tile_overlayer_lowered;
	s5 =	simm.s32 $_tile_overlayer_lowered  }
0x9b: {  	s22 =	simm.s32 $0x1BFF;
	s21 =	sshll.u32 s5, $0x1;
	s2 =	sadd.s32 s19, s18  }
0x9c: {  	s6 =	simm.s32 $0x0;
	s20 =	sshll.u32 s4, $0x1;
	s4 =	sadd.s32 s21, s2  }
0x9d: {  	[timem:s6], [sflag:s22] =	dma.local [hbm:s4], s20  }
0x9e: {  	_ =	swait.ge [sflag:s22], s20  }
0x9f: {  	s3 =	ssub.s32 $0x0, s20;
	[sflag:s22] =	ssyncset.done $0x0  }
0xa0: {  	[sflag:s22] =	ssyncadd.s32 s3;
	_ =	sdelay $0x1  }
0xa1: {  	s23 =	simm.s32 $0x1B8B  }
0xa2: {  	_ =	swait.ge [sflag:s23], $0x1  }
0xa3: {  	[sflag:s23] =	ssyncset.done $0x0  }
0xa4: {  	s25 =	simm.s32 $0x1B8E;
	s24 =	sld [smem:$0x3FFE];
	[sflag:s23] =	ssyncadd.s32 $0xFFFFFFFF  }
0xa5: {  	s26 =	simm.s32 $execute0_lowered;
	[smem:$0x3FD2] =	sst s25  }
0xa6: {  	s4 =	sshll.u32 s26, $0x1;
	_ =	strace $0x80000049;
	[dreg:$0x1] =	wrdreg $0xFFFFFFFF  }
0xa7: {  	s28 =	simm.s32 $_size_execute0_lowered;
	s2 =	sadd.s32 s2, s4;
	[dreg:$0x0] =	wrdreg $0x0  }
0xa8: {  	s4 =	sshll.u32 s28, $0x1;
	[dreg:$0x2] =	wrdreg s2  }
0xa9: {  	[dreg:$0x3] =	wrdreg s4  }
0xaa: {  	[dreg:$0x4] =	wrdreg $0xC0  }
0xab: {  	_ =	task [dreg:s6], $0x5FFFF  }
0xac: {  	[dreg:$0x1] =	wrdreg $0xFFFFFFFF  }
0xad: {  	[dreg:$0x0] =	wrdreg $0x60  }
0xae: {  	[dreg:$0x2] =	wrdreg s24  }
0xaf: {  	[dreg:$0x3] =	wrdreg $0xA8000  }
0xb0: {  	[dreg:$0x4] =	wrdreg $0x9  }
0xb1: {  	_ =	task.clear_ibuf [dreg:s6], $0x5FFFF;
	_ =	strace $0x90000049  }
0xb2: {  	s29 =	simm.s32 $0x9;
	_ =	strace $0x8000004B  }
0xb3: {  	_ =	swait.ge [sflag:s29], $0x1  }
0xb4: {  	[sflag:s29] =	ssyncadd.s32 $0xFFFFFFFF  }
0xb5: {  	_ =	strace $0x9000004B  }
0xb6: {  	_ =	sfence  }
0xb7: {  	s30 =	sld [smem:$0x0];
	_ =	sdelay $0x2  }
0xb8: {  	s31 =	sshll.u32 s1, $0xD;
	s1 =	sshrl.u32 s1, $0x2  }
0xb9: {  	s3 =	sand.u32 $0x4000, s31;
	s1 =	sadd.s32 s1, s30  }
0xba: {  	s0 =	sor.u32 s3, s0;
	s1 =	sshll.u32 s1, $0x11  }
0xbb: {  	s0 =	sor.u32 s1, s0  }
0xbc: {  	s0 =	sadd.s32 $0x8F2B, s0  }
0xbd: {  	[sflag:s0] =	ssyncadd.remote.s32 $0x1  }
0xbe: {  	_ =	sfence.sel $0xFFFF  }
0xbf: {  	[dreg:$0x0] =	wrdreg $0xFFFFFFFF;
	(pc) =	sbr.abs _section_cstart, $3  }
0xc0: {  	[dreg:$0x1] =	wrdreg $0xFFFFFFFF  }
0xc1: {  	_ =	task.clear_ibuf [dreg:s6], $0x2FFFF;
	_ =	strace $0x9FFFFFFF  }
0xc2: {  	(tm) =	ssettm $0x7FFFFFFF  }
0xc3: {  	_ =	shalt  }
tec
execute0_lowered:
.L_overlay_start_1:
0x0: {  	(tag) =	ssettag $0x1  }
0x1: {  	s5 =	rddreg [dreg:$0x0]  }
0x2: {  	s1 =	rddreg [dreg:$0x1]  }
0x3: {  	s0 =	rddreg [dreg:$0x2];
	s3 =	simm.s32 $0x0;
	s2 =	srdreg.scid  }
0x4: {  	s17 =	simm.s32 $0x3;
	s18 =	simm.s32 $0x1400;
	s19 =	simm.s32 $0x80  }
0x5: {  	s20 =	simm.s32 $0x6800;
	s21 =	simm.s32 $0x1;
	s22 =	simm.s32 $0x2  }
0x6: {  	s23 =	simm.s32 $0x2700;
	[smem:$0x7FF] =	sst s3;
	s6 =	sand.u32 $0x1, s2  }
0x7: {  	s24 =	simm.s32 $0x2780;
	s2 =	stileid.u32;
	s7 =	smul.u32 $0x140000, s6  }
0x8: {  	s4 =	sadd.s32 $0x15000, s5;
	s12 =	sadd.s32 $0xB000, s5;
	s8 =	smul.u32 $0x14000, s2  }
0x9: {  	s31 =	sshll.u32 s6, $0x4;
	s9 =	smul.u32 $0x50000, s2;
	s6 =	ssub.s32 $0x2, s6  }
0xa: {  	s13 =	sadd.s32 $0x1000, s5;
	_ =	strace $0x8000004A;
	s10 =	sshrl.u32 s6, $0x1  }
0xb: {  	s7 =	sadd.s32 s8, s7;
	s8 =	sor.u32 s2, s31;
	s9 =	sshrl.u32 s9, $0x2  }
0xc: {  	s15 =	ssub.s32 s6, s10;
	s7 =	sshrl.u32 s7, $0x3;
	s8 =	smul.u32 $0x2800, s8  }
0xd: {  	s15 =	smax.u32 s15, $0x1;
	s14 =	sadd.s32 s7, s5;
	s5 =	sadd.s32 s9, s1  }
0xe: {  	s6 =	sadd.s32 $0x4000, s5;
	s7 =	sadd.s32 $0x8000, s5;
	s11 =	sshrl.u32 s8, $0x3  }
0xf: {  	s8 =	sadd.s32 $0xC000, s5;
	s9 =	sadd.s32 $0x10000, s5;
	s14 =	sadd.s32 $0x3C200, s14  }
0x10: {  	s16 =	sadd.s32 $0x280, s11;
	s10 =	sadd.s32 s12, s11;
	s11 =	sadd.s32 s13, s11  }
0x11: {  	v0 =	vimm.f32 $0.0e+00;
	s12 =	sadd.s32 s12, s16;
	s13 =	sadd.s32 s13, s16;
	s16 =	simm.s32 $0x2800  }
.LBB2_1:
0x12: {  	s25 =	simm.s32 $0x0;
	s26 =	simm.s32 $0x200  }
.LBB2_2:
0x13: {  	p0 =	sne.s32 s26, $0xFE00;
	[tilespmem:s25+$0x2870] =	vst v0  }
0x14: {  	[tilespmem:s25+$0x2800] =	vst v0  }
0x15: {  	[tilespmem:s25+$0x2810] =	vst v0  }
.Ltmp0:
0x16: {  	[tilespmem:s25+$0x2820] =	vst v0;
	(pc) =	sbr.rel @p0 .LBB2_2-.Ltmp0, $4  }
0x17: {  	[tilespmem:s25+$0x2830] =	vst v0  }
0x18: {  	[tilespmem:s25+$0x2840] =	vst v0  }
0x19: {  	[tilespmem:s25+$0x2850] =	vst v0  }
0x1a: {  	[tilespmem:s25+$0x2860] =	vst v0;
	s25 =	sshra.s32 s26, $0x2;
	s26 =	sadd.s32 $0x200, s26  }
0x1b: {  	[tilespmem:s25+$0x2870] =	vst v0  }
0x1c: {  	[tilespmem:s25+$0x2800] =	vst v0  }
0x1d: {  	[tilespmem:s25+$0x2810] =	vst v0  }
0x1e: {  	[tilespmem:s25+$0x2820] =	vst v0  }
0x1f: {  	[tilespmem:s25+$0x2830] =	vst v0  }
0x20: {  	[tilespmem:s25+$0x2840] =	vst v0  }
0x21: {  	[tilespmem:s25+$0x2850] =	vst v0  }
0x22: {  	[tilespmem:s25+$0x2860] =	vst v0  }
0x23: {  	[spmem:s5] =	stream.linear.scatter [tilespmem:s16], [sflag:$0x3], $0x4000, $0x38;
	[tilespmem:$0x1E800] =	vst v63  }
0x24: {  	_ =	swait.ge [sflag:s17], $0x4000  }
0x25: {  	[sflag:s17] =	ssyncset.done $0x0  }
0x26: {  	[sflag:s17] =	ssyncadd.s32 $0xFFFFC000  }
0x27: {  	[spmem:s6] =	stream.linear.scatter [tilespmem:s16], [sflag:$0x3], $0x4000, $0x38;
	[tilespmem:$0x1E800] =	vst v63  }
0x28: {  	_ =	swait.ge [sflag:s17], $0x4000  }
0x29: {  	[sflag:s17] =	ssyncset.done $0x0  }
0x2a: {  	[sflag:s17] =	ssyncadd.s32 $0xFFFFC000  }
0x2b: {  	[spmem:s7] =	stream.linear.scatter [tilespmem:s16], [sflag:$0x3], $0x4000, $0x38;
	[tilespmem:$0x1E800] =	vst v63  }
0x2c: {  	_ =	swait.ge [sflag:s17], $0x4000  }
0x2d: {  	[sflag:s17] =	ssyncset.done $0x0  }
0x2e: {  	[sflag:s17] =	ssyncadd.s32 $0xFFFFC000  }
0x2f: {  	[spmem:s8] =	stream.linear.scatter [tilespmem:s16], [sflag:$0x3], $0x4000, $0x38;
	[tilespmem:$0x1E800] =	vst v63  }
0x30: {  	_ =	swait.ge [sflag:s17], $0x4000  }
0x31: {  	[sflag:s17] =	ssyncset.done $0x0  }
0x32: {  	[sflag:s17] =	ssyncadd.s32 $0xFFFFC000  }
0x33: {  	[spmem:s9] =	stream.linear.scatter [tilespmem:s16], [sflag:$0x3], $0x4000, $0x38;
	[tilespmem:$0x1E800] =	vst v63  }
0x34: {  	_ =	swait.ge [sflag:s17], $0x4000  }
0x35: {  	[sflag:s17] =	ssyncset.done $0x0  }
0x36: {  	[sflag:s17] =	ssyncadd.s32 $0xFFFFC000  }
0x37: {  	s28 =	simm.s32 $0x0;
	[bflag:$0x0] =	sbarrier.arrive $0xFFFF  }
0x38: {  	[tilespmem:s28], [sflag:$0x3] =	stream.linear.gather [hbm4b:s10+s28], $0x1400, $0x38;
	[tilespmem:$0x1E800] =	vst v63  }
0x39: {  	_ =	swait.ge [sflag:s17], $0x1400  }
0x3a: {  	[sflag:s17] =	ssyncset.done $0x0  }
0x3b: {  	[sflag:s17] =	ssyncadd.s32 $0xFFFFEC00  }
0x3c: {  	[tilespmem:s18], [sflag:$0x3] =	stream.linear.gather [hbm4b:s11+s28], $0x1400, $0x38;
	[tilespmem:$0x1E800] =	vst v63  }
0x3d: {  	_ =	swait.ge [sflag:s17], $0x1400  }
0x3e: {  	[sflag:s17] =	ssyncset.done $0x0  }
0x3f: {  	[sflag:s17] =	ssyncadd.s32 $0xFFFFEC00  }
0x40: {  	[tilespmem:s16], [sflag:$0x1] =	stream.indirect.gather [hbm4b:s4+s19], $0x80, s28, s19, $0xb8;
	[tilespmem:$0x1E800] =	vst v63  }
0x41: {  	_ = 	snop  }
0x42: {  	[tilespmem:s20], [sflag:$0x1] =	stream.indirect.gather [hbm4b:s4+s19], $0x80, s19, s19, $0xb8;
	[tilespmem:$0x1E800] =	vst v63  }
0x43: {  	_ =	swait.ge [sflag:s21], $0x4000  }
0x44: {  	[sflag:s21] =	ssyncset.done $0x0  }
0x45: {  	s29 =	simm.s32 $0x1400;
	[sflag:s21] =	ssyncadd.s32 $0xFFFFC000  }
0x46: {  	[spmem:s1] =	stream.indirect.scatter.add.f32 [tilespmem:s16], [sflag:$0x2], $0x80, s29, s19, $0xb8;
	[tilespmem:$0x1E800] =	vst v63  }
0x47: {  	_ =	swait.ge [sflag:s21], $0x4000  }
0x48: {  	[sflag:s21] =	ssyncset.done $0x0  }
0x49: {  	[sflag:s21] =	ssyncadd.s32 $0xFFFFC000  }
0x4a: {  	_ =	swait.ge [sflag:s22], $0x4000  }
0x4b: {  	[sflag:s22] =	ssyncset.done $0x0  }
0x4c: {  	s30 =	simm.s32 $0x100;
	[sflag:s22] =	ssyncadd.s32 $0xFFFFC000  }
0x4d: {  	[tilespmem:s16], [sflag:$0x1] =	stream.indirect.gather [hbm4b:s4+s19], $0x80, s30, s19, $0xb8;
	[tilespmem:$0x1E800] =	vst v63  }
0x4e: {  	s31 =	simm.s32 $0x1480  }
0x4f: {  	[spmem:s1] =	stream.indirect.scatter.add.f32 [tilespmem:s20], [sflag:$0x2], $0x80, s31, s19, $0xb8;
	[tilespmem:$0x1E800] =	vst v63  }
0x50: {  	_ =	swait.ge [sflag:s22], $0x4000  }
0x51: {  	[sflag:s22] =	ssyncset.done $0x0  }
0x52: {  	s25 =	simm.s32 $0x400;
	s26 =	simm.s32 $0x180;
	[sflag:s22] =	ssyncadd.s32 $0xFFFFC000  }
.LBB2_4:
0x53: {  	[tilespmem:s20], [sflag:$0x1] =	stream.indirect.gather [hbm4b:s4+s19], $0x80, s26, s19, $0xb8;
	[tilespmem:$0x1E800] =	vst v63  }
0x54: {  	s26 =	smov.u32 s25  }
0x55: {  	p0 =	sne.s32 s25, $0x4800;
	s25 =	sadd.s32 $0x400, s25;
	_ =	swait.ge [sflag:s21], $0x4000  }
0x56: {  	s26 =	sshra.s32 s26, $0x2;
	[sflag:s21] =	ssyncset.done $0x0  }
0x57: {  	s28 =	sadd.s32 $0x1400, s26;
	[sflag:s21] =	ssyncadd.s32 $0xFFFFC000  }
0x58: {  	[spmem:s1] =	stream.indirect.scatter.add.f32 [tilespmem:s16], [sflag:$0x2], $0x80, s28, s19, $0xb8;
	[tilespmem:$0x1E800] =	vst v63  }
0x59: {  	_ =	swait.ge [sflag:s21], $0x4000  }
0x5a: {  	[sflag:s21] =	ssyncset.done $0x0  }
0x5b: {  	[sflag:s21] =	ssyncadd.s32 $0xFFFFC000  }
0x5c: {  	_ =	swait.ge [sflag:s22], $0x4000  }
0x5d: {  	[sflag:s22] =	ssyncset.done $0x0  }
0x5e: {  	s28 =	sadd.s32 $0x100, s26;
	[sflag:s22] =	ssyncadd.s32 $0xFFFFC000  }
0x5f: {  	[tilespmem:s16], [sflag:$0x1] =	stream.indirect.gather [hbm4b:s4+s19], $0x80, s28, s19, $0xb8;
	[tilespmem:$0x1E800] =	vst v63  }
.Ltmp1:
0x60: {  	s28 =	sadd.s32 $0x1480, s26;
	(pc) =	sbr.rel @p0 .LBB2_4-.Ltmp1, $4  }
0x61: {  	[spmem:s1] =	stream.indirect.scatter.add.f32 [tilespmem:s20], [sflag:$0x2], $0x80, s28, s19, $0xb8;
	[tilespmem:$0x1E800] =	vst v63  }
0x62: {  	_ =	swait.ge [sflag:s22], $0x4000  }
0x63: {  	[sflag:s22] =	ssyncset.done $0x0  }
0x64: {  	s26 =	sadd.s32 $0x180, s26;
	[sflag:s22] =	ssyncadd.s32 $0xFFFFC000  }
0x65: {  	[tilespmem:s20], [sflag:$0x1] =	stream.indirect.gather [hbm4b:s4+s19], $0x80, s26, s19, $0xb8;
	[tilespmem:$0x1E800] =	vst v63  }
0x66: {  	_ =	swait.ge [sflag:s21], $0x4000  }
0x67: {  	[sflag:s21] =	ssyncset.done $0x0  }
0x68: {  	[sflag:s21] =	ssyncadd.s32 $0xFFFFC000  }
0x69: {  	[spmem:s1] =	stream.indirect.scatter.add.f32 [tilespmem:s16], [sflag:$0x2], $0x80, s23, s19, $0xb8;
	[tilespmem:$0x1E800] =	vst v63  }
0x6a: {  	_ =	swait.ge [sflag:s21], $0x4000  }
0x6b: {  	[sflag:s21] =	ssyncset.done $0x0  }
0x6c: {  	[sflag:s21] =	ssyncadd.s32 $0xFFFFC000  }
0x6d: {  	_ =	swait.ge [sflag:s22], $0x4000  }
0x6e: {  	[sflag:s22] =	ssyncset.done $0x0  }
0x6f: {  	[sflag:s22] =	ssyncadd.s32 $0xFFFFC000  }
0x70: {  	[spmem:s1] =	stream.indirect.scatter.add.f32 [tilespmem:s20], [sflag:$0x2], $0x80, s24, s19, $0xb8;
	[tilespmem:$0x1E800] =	vst v63  }
0x71: {  	_ =	swait.ge [sflag:s22], $0x4000  }
0x72: {  	[sflag:s22] =	ssyncset.done $0x0  }
0x73: {  	s25 =	simm.s32 $0x0;
	[sflag:s22] =	ssyncadd.s32 $0xFFFFC000  }
0x74: {  	[tilespmem:s25], [sflag:$0x3] =	stream.linear.gather [hbm4b:s12+s25], $0x1400, $0x38;
	[tilespmem:$0x1E800] =	vst v63  }
0x75: {  	_ =	swait.ge [sflag:s17], $0x1400  }
0x76: {  	[sflag:s17] =	ssyncset.done $0x0  }
0x77: {  	[sflag:s17] =	ssyncadd.s32 $0xFFFFEC00  }
0x78: {  	[tilespmem:s18], [sflag:$0x3] =	stream.linear.gather [hbm4b:s13+s25], $0x1400, $0x38;
	[tilespmem:$0x1E800] =	vst v63  }
0x79: {  	_ =	swait.ge [sflag:s17], $0x1400  }
0x7a: {  	[sflag:s17] =	ssyncset.done $0x0  }
0x7b: {  	[sflag:s17] =	ssyncadd.s32 $0xFFFFEC00  }
0x7c: {  	[tilespmem:s16], [sflag:$0x1] =	stream.indirect.gather [hbm4b:s4+s19], $0x80, s25, s19, $0xb8;
	[tilespmem:$0x1E800] =	vst v63  }
0x7d: {  	_ = 	snop  }
0x7e: {  	[tilespmem:s20], [sflag:$0x1] =	stream.indirect.gather [hbm4b:s4+s19], $0x80, s19, s19, $0xb8;
	[tilespmem:$0x1E800] =	vst v63  }
0x7f: {  	_ =	swait.ge [sflag:s21], $0x4000  }
0x80: {  	[sflag:s21] =	ssyncset.done $0x0  }
0x81: {  	s29 =	simm.s32 $0x1400;
	[sflag:s21] =	ssyncadd.s32 $0xFFFFC000  }
0x82: {  	[spmem:s1] =	stream.indirect.scatter.add.f32 [tilespmem:s16], [sflag:$0x2], $0x80, s29, s19, $0xb8;
	[tilespmem:$0x1E800] =	vst v63  }
0x83: {  	_ =	swait.ge [sflag:s21], $0x4000  }
0x84: {  	[sflag:s21] =	ssyncset.done $0x0  }
0x85: {  	[sflag:s21] =	ssyncadd.s32 $0xFFFFC000  }
0x86: {  	_ =	swait.ge [sflag:s22], $0x4000  }
0x87: {  	[sflag:s22] =	ssyncset.done $0x0  }
0x88: {  	s30 =	simm.s32 $0x100;
	[sflag:s22] =	ssyncadd.s32 $0xFFFFC000  }
0x89: {  	[tilespmem:s16], [sflag:$0x1] =	stream.indirect.gather [hbm4b:s4+s19], $0x80, s30, s19, $0xb8;
	[tilespmem:$0x1E800] =	vst v63  }
0x8a: {  	s31 =	simm.s32 $0x1480  }
0x8b: {  	[spmem:s1] =	stream.indirect.scatter.add.f32 [tilespmem:s20], [sflag:$0x2], $0x80, s31, s19, $0xb8;
	[tilespmem:$0x1E800] =	vst v63  }
0x8c: {  	_ =	swait.ge [sflag:s22], $0x4000  }
0x8d: {  	[sflag:s22] =	ssyncset.done $0x0  }
0x8e: {  	s26 =	simm.s32 $0x180;
	s25 =	simm.s32 $0x400;
	[sflag:s22] =	ssyncadd.s32 $0xFFFFC000  }
.LBB2_6:
0x8f: {  	[tilespmem:s20], [sflag:$0x1] =	stream.indirect.gather [hbm4b:s4+s19], $0x80, s26, s19, $0xb8;
	[tilespmem:$0x1E800] =	vst v63  }
0x90: {  	s26 =	smov.u32 s25  }
0x91: {  	p0 =	sne.s32 s25, $0x4800;
	s25 =	sadd.s32 $0x400, s25;
	_ =	swait.ge [sflag:s21], $0x4000  }
0x92: {  	s26 =	sshra.s32 s26, $0x2;
	[sflag:s21] =	ssyncset.done $0x0  }
0x93: {  	s28 =	sadd.s32 $0x1400, s26;
	[sflag:s21] =	ssyncadd.s32 $0xFFFFC000  }
0x94: {  	[spmem:s1] =	stream.indirect.scatter.add.f32 [tilespmem:s16], [sflag:$0x2], $0x80, s28, s19, $0xb8;
	[tilespmem:$0x1E800] =	vst v63  }
0x95: {  	_ =	swait.ge [sflag:s21], $0x4000  }
0x96: {  	[sflag:s21] =	ssyncset.done $0x0  }
0x97: {  	[sflag:s21] =	ssyncadd.s32 $0xFFFFC000  }
0x98: {  	_ =	swait.ge [sflag:s22], $0x4000  }
0x99: {  	[sflag:s22] =	ssyncset.done $0x0  }
0x9a: {  	s28 =	sadd.s32 $0x100, s26;
	[sflag:s22] =	ssyncadd.s32 $0xFFFFC000  }
0x9b: {  	[tilespmem:s16], [sflag:$0x1] =	stream.indirect.gather [hbm4b:s4+s19], $0x80, s28, s19, $0xb8;
	[tilespmem:$0x1E800] =	vst v63  }
.Ltmp2:
0x9c: {  	s28 =	sadd.s32 $0x1480, s26;
	(pc) =	sbr.rel @p0 .LBB2_6-.Ltmp2, $4  }
0x9d: {  	[spmem:s1] =	stream.indirect.scatter.add.f32 [tilespmem:s20], [sflag:$0x2], $0x80, s28, s19, $0xb8;
	[tilespmem:$0x1E800] =	vst v63  }
0x9e: {  	_ =	swait.ge [sflag:s22], $0x4000  }
0x9f: {  	[sflag:s22] =	ssyncset.done $0x0  }
0xa0: {  	s26 =	sadd.s32 $0x180, s26;
	[sflag:s22] =	ssyncadd.s32 $0xFFFFC000  }
0xa1: {  	[tilespmem:s20], [sflag:$0x1] =	stream.indirect.gather [hbm4b:s4+s19], $0x80, s26, s19, $0xb8;
	[tilespmem:$0x1E800] =	vst v63  }
0xa2: {  	_ =	swait.ge [sflag:s21], $0x4000  }
0xa3: {  	[sflag:s21] =	ssyncset.done $0x0  }
0xa4: {  	[sflag:s21] =	ssyncadd.s32 $0xFFFFC000  }
0xa5: {  	[spmem:s1] =	stream.indirect.scatter.add.f32 [tilespmem:s16], [sflag:$0x2], $0x80, s23, s19, $0xb8;
	[tilespmem:$0x1E800] =	vst v63  }
0xa6: {  	_ =	swait.ge [sflag:s21], $0x4000  }
0xa7: {  	[sflag:s21] =	ssyncset.done $0x0  }
0xa8: {  	[sflag:s21] =	ssyncadd.s32 $0xFFFFC000  }
0xa9: {  	_ =	swait.ge [sflag:s22], $0x4000  }
0xaa: {  	[sflag:s22] =	ssyncset.done $0x0  }
0xab: {  	[sflag:s22] =	ssyncadd.s32 $0xFFFFC000  }
0xac: {  	[spmem:s1] =	stream.indirect.scatter.add.f32 [tilespmem:s20], [sflag:$0x2], $0x80, s24, s19, $0xb8;
	[tilespmem:$0x1E800] =	vst v63  }
0xad: {  	_ =	swait.ge [sflag:s22], $0x4000  }
0xae: {  	s25 =	sshll.u32 s2, $0x6;
	s3 =	sadd.s32 $0x1, s3;
	[sflag:s22] =	ssyncset.done $0x0  }
0xaf: {  	s31 =	sshrl.u32 s5, $0x3;
	p0 =	sne.s32 s3, s15;
	[sflag:s22] =	ssyncadd.s32 $0xFFFFC000  }
.Ltmp3:
0xb0: {  	s25 =	sor.u32 $0x1C03, s25;
	[bflag:$0x0] =	sbarrier.arrive $0xFFFF;
	(pc) =	sbr.rel @p0 .LBB2_1-.Ltmp3, $4  }
0xb1: {  	[hbm:s14], [sflag:s25] =	dma.local [spmem:s31], $0x2800  }
0xb2: {  	_ =	swait.ge [sflag:s17], $0x2800  }
0xb3: {  	[sflag:s17] =	ssyncset.done $0x0  }
0xb4: {  	[sflag:s17] =	ssyncadd.s32 $0xFFFFD800  }
0xb5: {  	_ =	sfence.sel $0x180000  }
0xb6: {  	[bflag:$0x0] =	sbarrier.arrive $0xFFFF  }
0xb7: {  	p0 =	sne.s32 s2, $0x0;
	_ =	strace $0x9000004A  }
0xb8: {  	s0 =	sadd.s32 @!p0 $0x100000, s0;
	[bflag:$0x2] =	sbarrier.arrive $0xFFFF  }
0xb9: {  	[sflag:s0] =	ssyncadd.tile.s32 @!p0 $0x1;
	_ =	shalt  }
.Lfunc_end2:
_tile_overlayer_lowered:
.L_overlay_start_2:
0xba: {  	(tag) =	ssettag $0x2  }
0xbb: {  	s0 =	rddreg [dreg:$0x0];
	s2 =	stileid.u32  }
0xbc: {  	s1 =	rddreg [dreg:$0x1];
	p0 =	sne.s32 s2, $0x0  }
0xbd: {  	s3 =	rddreg [dreg:$0x2];
	[bflag:$0x3] =	sbarrier.arrive $0xFFFF;
	s2 =	simm.s32 @!p0 $0x1C03  }
0xbe: {  	[timem:s3], [sflag:s2] =	dma.local @!p0 [hbm:s0], s1  }
0xbf: {  	s0 =	simm.s32 @!p0 $0x3  }
0xc0: {  	_ =	swait.ge @!p0 [sflag:s0], s1  }
0xc1: {  	s1 =	ssub.s32 @!p0 $0x0, s1;
	[sflag:s0] =	ssyncset.done @!p0 $0x0  }
0xc2: {  	[sflag:s0] =	ssyncadd.s32 @!p0 s1  }
0xc3: {  	[bflag:$0x3] =	sbarrier.arrive $0xFFFF  }
0xc4: {  	_ =	shalt  }

// kernel: kernel.13.cloned.1.call-start
scs
__scs_entry_jumppad:
0x0: {  	(pc) =	sbr.rel $0x88, $3  }
0x1: {  	(tag) =	ssettag $0x0;
	lr =	simm.s32 $0x1  }
0x2: {  	[smem:$0x3F9B] =	sst lr;
	_ =	strace $0xD0000000  }
0x3: {  	_ = 	snop  }
0x4: {  	_ = 	snop  }
0x5: {  	_ = 	snop  }
0x6: {  	_ = 	snop  }
0x7: {  	_ = 	snop  }
__scs_overlays_trampoline_lowered:
0x8: {  	[smem:$0x3FAA] =	sst s0  }
0x9: {  	[smem:$0x3FAB] =	sst s1  }
0xa: {  	[smem:$0x3FAC] =	sst s2  }
0xb: {  	[smem:$0x3FAD] =	sst s3  }
0xc: {  	[smem:$0x3FAE] =	sst s4  }
0xd: {  	[smem:$0x3FAF] =	sst s5  }
0xe: {  	[smem:$0x3FB0] =	sst s6  }
0xf: {  	[smem:$0x3FB1] =	sst s7  }
0x10: {  	[smem:$0x3FB2] =	sst s8  }
0x11: {  	[smem:$0x3FB3] =	sst s9;
	s0 =	simm.s32 @!p0 $0x0  }
0x12: {  	s1 =	sld [smem:$0x3F99];
	s0 =	simm.s32 @p0 $0x1  }
0x13: {  	[smem:$0x3FB4] =	sst s0;
	s0 =	simm.s32 @!p1 $0x0  }
0x14: {  	s2 =	sld [smem:$0x3F98];
	s0 =	simm.s32 @p1 $0x1  }
0x15: {  	[smem:$0x3FB5] =	sst s0;
	s0 =	simm.s32 @!p2 $0x0  }
0x16: {  	s3 =	sld [smem:$0x3FDB];
	s0 =	simm.s32 @p2 $0x1  }
0x17: {  	s4 =	simm.s32 $0x1BF5;
	[smem:$0x3FB7] =	sst s0  }
0x18: {  	s0 =	sld [smem:$0x3F9A];
	_ =	swait.ge [sflag:s4], $0x0  }
0x19: {  	s7 =	sld [smem:$0x3F9B]  }
0x1a: {  	s8 =	sadd.s32 $0xFFFFE003, lr  }
0x1b: {  	s9 =	sadd.s32 $0xFFFFFEF7, lr;
	s5 =	simm.s32 $0xFFFFFFFF;
	p2 =	slt.u32 s8, $0xFFFFF086  }
0x1c: {  	p1 =	slt.u32 s9, $0xF7A;
	s5 =	simm.s32 @!p2 $0x0  }
0x1d: {  	s5 =	simm.s32 @p1 $0x1;
	p0 =	seq.s32 s7, s2  }
0x1e: {  	s7 =	smul.u32 @!p0 $0xF7A, s2;
	p2 =	seq.s32 @!p0 s5, $0x0  }
0x1f: {  	s9 =	smul.u32 $0xF7A, s1;
	s8 =	simm.s32 @!p0 $0x1BF5;
	p2 =	por !p2, p0  }
0x20: {  	[sflag:s8] =	ssyncset.s32 @!p0 $0xFFFFF086;
	s6 =	sadd.s32 @!p0 s3, s7;
	s7 =	simm.s32 @!p0 $0x108  }
0x21: {  	s3 =	sadd.s32 s3, s9;
	s6 =	sadd.s32 @!p0 $0x88, s6;
	s7 =	simm.s32 @p2 $0x1082  }
0x22: {  	[simem:s7], [sflag:s8] =	dma.local @!p0 [hbm:s6], $0xF7A  }
0x23: {  	s9 =	sor.u32 $0xD0000000, s2;
	s6 =	simm.s32 $0x108;
	_ =	swait.ge @!p0 [sflag:s8], $0x0  }
0x24: {  	s3 =	sadd.s32 $0x88, s3;
	s6 =	simm.s32 @!p1 $0x1082;
	[sflag:s4] =	ssyncset.s32 $0xFFFFF086  }
0x25: {  	[simem:s6], [sflag:s4] =	dma.local [hbm:s3], $0xF7A  }
0x26: {  	[smem:$0x3F9B] =	sst s1;
	(tag) =	ssettag s2;
	_ =	strace s9  }
0x27: {  	s1 =	sld [smem:$0x3FAB]  }
0x28: {  	s2 =	sld [smem:$0x3FAC]  }
0x29: {  	s4 =	sld [smem:$0x3FAE]  }
0x2a: {  	p0 =	seq.s32 s5, $0x0;
	s5 =	sld [smem:$0x3FAF]  }
0x2b: {  	s6 =	sld [smem:$0x3FB0]  }
0x2c: {  	s7 =	sld [smem:$0x3FB1]  }
0x2d: {  	s3 =	simm.s32 $0x108;
	s8 =	sld [smem:$0x3FB2]  }
0x2e: {  	s3 =	simm.s32 @!p0 $0x1082;
	s9 =	sld [smem:$0x3FB3]  }
0x2f: {  	lr =	sadd.s32 s0, s3;
	s0 =	sld [smem:$0x3FAA]  }
0x30: {  	s3 =	sld [smem:$0x3FAD]  }
0x31: {  	[smem:$0x3FB6] =	sst s10  }
0x32: {  	s10 =	sld [smem:$0x3FB4];
	_ =	sdelay $0x3  }
0x33: {  	p0 =	seq.s32 s10, $0x1;
	s10 =	sld [smem:$0x3FB6];
	_ =	sdelay $0x3  }
0x34: {  	[smem:$0x3FB6] =	sst s10  }
0x35: {  	s10 =	sld [smem:$0x3FB5];
	_ =	sdelay $0x3  }
0x36: {  	p1 =	seq.s32 s10, $0x1;
	s10 =	sld [smem:$0x3FB6];
	_ =	sdelay $0x3  }
0x37: {  	[smem:$0x3FB6] =	sst s10  }
0x38: {  	s10 =	sld [smem:$0x3FB7]  }
0x39: {  	_ = 	snop;
	(pc) =	sbr.ind lr, $3  }
0x3a: {  	_ = 	snop  }
0x3b: {  	_ = 	snop  }
0x3c: {  	p2 =	seq.s32 s10, $0x1;
	s10 =	sld [smem:$0x3FB6]  }
0x3d: {  	_ =	shalt  }
0x3e: {  	_ =	shalt  }
0x3f: {  	_ =	shalt  }
0x40: {  	_ =	shalt  }
0x41: {  	_ =	shalt  }
0x42: {  	_ =	shalt  }
0x43: {  	_ =	shalt  }
0x44: {  	_ =	shalt  }
0x45: {  	_ =	shalt  }
0x46: {  	_ =	shalt  }
0x47: {  	_ =	shalt  }
0x48: {  	_ =	shalt  }
0x49: {  	_ =	shalt  }
0x4a: {  	_ =	shalt  }
0x4b: {  	_ =	shalt  }
0x4c: {  	_ =	shalt  }
0x4d: {  	_ =	shalt  }
0x4e: {  	_ =	shalt  }
0x4f: {  	_ =	shalt  }
0x50: {  	_ =	shalt  }
0x51: {  	_ =	shalt  }
0x52: {  	_ =	shalt  }
0x53: {  	_ =	shalt  }
0x54: {  	_ =	shalt  }
0x55: {  	_ =	shalt  }
0x56: {  	_ =	shalt  }
0x57: {  	_ =	shalt  }
0x58: {  	_ =	shalt  }
0x59: {  	_ =	shalt  }
0x5a: {  	_ =	shalt  }
0x5b: {  	_ =	shalt  }
0x5c: {  	_ =	shalt  }
0x5d: {  	_ =	shalt  }
0x5e: {  	_ =	shalt  }
0x5f: {  	_ =	shalt  }
0x60: {  	_ =	shalt  }
0x61: {  	_ =	shalt  }
0x62: {  	_ =	shalt  }
0x63: {  	_ =	shalt  }
0x64: {  	_ =	shalt  }
0x65: {  	_ =	shalt  }
0x66: {  	_ =	shalt  }
0x67: {  	_ =	shalt  }
0x68: {  	_ =	shalt  }
0x69: {  	_ =	shalt  }
0x6a: {  	_ =	shalt  }
0x6b: {  	_ =	shalt  }
0x6c: {  	_ =	shalt  }
0x6d: {  	_ =	shalt  }
0x6e: {  	_ =	shalt  }
0x6f: {  	_ =	shalt  }
0x70: {  	_ =	shalt  }
0x71: {  	_ =	shalt  }
0x72: {  	_ =	shalt  }
0x73: {  	_ =	shalt  }
0x74: {  	_ =	shalt  }
0x75: {  	_ =	shalt  }
0x76: {  	_ =	shalt  }
0x77: {  	_ =	shalt  }
0x78: {  	_ =	shalt  }
0x79: {  	_ =	shalt  }
0x7a: {  	_ =	shalt  }
0x7b: {  	_ =	shalt  }
0x7c: {  	_ =	shalt  }
0x7d: {  	_ =	shalt  }
0x7e: {  	_ =	shalt  }
0x7f: {  	_ =	shalt  }
0x80: {  	_ =	shalt  }
0x81: {  	_ =	shalt  }
0x82: {  	_ =	shalt  }
0x83: {  	_ =	shalt  }
0x84: {  	_ =	shalt  }
0x85: {  	_ =	shalt  }
0x86: {  	_ =	shalt  }
0x87: {  	_ =	shalt  }
.Lfunc_end0:
.L_simem_size_0:
called_computation.2_lowered:
.L_overlay_start_0:
0x88: {  	s2 =	sld [smem:$0x3FD9]  }
0x89: {  	s3 =	sld [smem:$0x3FFE];
	_ =	sdelay $0x1  }
0x8a: {  	s1 =	srdreg.scid  }
0x8b: {  	s0 =	sand.u32 $0x1, s1  }
0x8c: {  	s16 =	sshll.u32 s0, $0xA;
	s2 =	sadd.s32 s3, s2  }
0x8d: {  	s2 =	sadd.s32 s2, s16  }
0x8e: {  	[smem:$0x3FC2] =	sst s2  }
0x8f: {  	_ = 	snop  }
0x90: {  	(tm) =	ssettm $0x1  }
0x91: {  	s17 =	sld [smem:$0x3FFB];
	_ =	sdelay $0x3  }
0x92: {  	_ =	strace s17  }
0x93: {  	s2 =	sld [smem:$0x3FFC];
	_ =	sdelay $0x3  }
0x94: {  	_ =	strace s2  }
0x95: {  	s2 =	sld [smem:$0x3FFD];
	_ =	sdelay $0x3  }
0x96: {  	_ =	strace s2  }
0x97: {  	_ =	strace $0x8FFFFFFF  }
0x98: {  	s18 =	sld [smem:$0x3FDB];
	_ =	sdelay $0x1  }
0x99: {  	s19 =	simm.s32 $_scs_section_size  }
0x9a: {  	s4 =	simm.s32 $_size__tile_overlayer_lowered;
	s5 =	simm.s32 $_tile_overlayer_lowered  }
0x9b: {  	s22 =	simm.s32 $0x1BFF;
	s21 =	sshll.u32 s5, $0x1;
	s2 =	sadd.s32 s19, s18  }
0x9c: {  	s6 =	simm.s32 $0x0;
	s20 =	sshll.u32 s4, $0x1;
	s4 =	sadd.s32 s21, s2  }
0x9d: {  	[timem:s6], [sflag:s22] =	dma.local [hbm:s4], s20  }
0x9e: {  	_ =	swait.ge [sflag:s22], s20  }
0x9f: {  	s3 =	ssub.s32 $0x0, s20;
	[sflag:s22] =	ssyncset.done $0x0  }
0xa0: {  	[sflag:s22] =	ssyncadd.s32 s3;
	_ =	sdelay $0x1  }
0xa1: {  	s23 =	simm.s32 $0x1B8B  }
0xa2: {  	_ =	swait.ge [sflag:s23], $0x1  }
0xa3: {  	[sflag:s23] =	ssyncset.done $0x0  }
0xa4: {  	s25 =	simm.s32 $0x1B8E;
	s24 =	sld [smem:$0x3FFE];
	[sflag:s23] =	ssyncadd.s32 $0xFFFFFFFF  }
0xa5: {  	s26 =	simm.s32 $execute0_lowered;
	[smem:$0x3FD2] =	sst s25  }
0xa6: {  	s4 =	sshll.u32 s26, $0x1;
	_ =	strace $0x8000004C;
	[dreg:$0x1] =	wrdreg $0xFFFFFFFF  }
0xa7: {  	s28 =	simm.s32 $_size_execute0_lowered;
	s2 =	sadd.s32 s2, s4;
	[dreg:$0x0] =	wrdreg $0x0  }
0xa8: {  	s4 =	sshll.u32 s28, $0x1;
	[dreg:$0x2] =	wrdreg s2  }
0xa9: {  	[dreg:$0x3] =	wrdreg s4  }
0xaa: {  	[dreg:$0x4] =	wrdreg $0xC0  }
0xab: {  	_ =	task [dreg:s6], $0x5FFFF  }
0xac: {  	[dreg:$0x1] =	wrdreg $0xFFFFFFFF  }
0xad: {  	[dreg:$0x0] =	wrdreg $0x60  }
0xae: {  	[dreg:$0x2] =	wrdreg s24  }
0xaf: {  	[dreg:$0x3] =	wrdreg $0x80800  }
0xb0: {  	[dreg:$0x4] =	wrdreg $0x9  }
0xb1: {  	_ =	task.clear_ibuf [dreg:s6], $0x5FFFF;
	_ =	strace $0x9000004C  }
0xb2: {  	s29 =	simm.s32 $0x9;
	_ =	strace $0x8000004E  }
0xb3: {  	_ =	swait.ge [sflag:s29], $0x1  }
0xb4: {  	[sflag:s29] =	ssyncadd.s32 $0xFFFFFFFF  }
0xb5: {  	_ =	strace $0x9000004E  }
0xb6: {  	_ =	sfence  }
0xb7: {  	s30 =	sld [smem:$0x0];
	_ =	sdelay $0x2  }
0xb8: {  	s31 =	sshll.u32 s1, $0xD;
	s1 =	sshrl.u32 s1, $0x2  }
0xb9: {  	s3 =	sand.u32 $0x4000, s31;
	s1 =	sadd.s32 s1, s30  }
0xba: {  	s0 =	sor.u32 s3, s0;
	s1 =	sshll.u32 s1, $0x11  }
0xbb: {  	s0 =	sor.u32 s1, s0  }
0xbc: {  	s0 =	sadd.s32 $0x8F2B, s0  }
0xbd: {  	[sflag:s0] =	ssyncadd.remote.s32 $0x1  }
0xbe: {  	_ =	sfence.sel $0xFFFF  }
0xbf: {  	[dreg:$0x0] =	wrdreg $0xFFFFFFFF;
	(pc) =	sbr.abs _section_cstart, $3  }
0xc0: {  	[dreg:$0x1] =	wrdreg $0xFFFFFFFF  }
0xc1: {  	_ =	task.clear_ibuf [dreg:s6], $0x2FFFF;
	_ =	strace $0x9FFFFFFF  }
0xc2: {  	(tm) =	ssettm $0x7FFFFFFF  }
0xc3: {  	_ =	shalt  }
tec
execute0_lowered:
.L_overlay_start_1:
0x0: {  	(tag) =	ssettag $0x1  }
0x1: {  	s6 =	rddreg [dreg:$0x0]  }
0x2: {  	s0 =	srdreg.scid;
	s2 =	rddreg [dreg:$0x1];
	s3 =	simm.s32 $0x0  }
0x3: {  	s15 =	simm.s32 $0x5000;
	s16 =	simm.s32 $0x2800;
	s17 =	simm.s32 $0x7780  }
0x4: {  	s18 =	simm.s32 $0x80;
	s19 =	simm.s32 $0x7800;
	s20 =	simm.s32 $0x7880  }
0x5: {  	s21 =	simm.s32 $0x1;
	s22 =	simm.s32 $0x7B80;
	s23 =	simm.s32 $0x7E00  }
0x6: {  	s24 =	simm.s32 $0x100;
	s5 =	sand.u32 $0x1, s0;
	s0 =	stileid.u32  }
0x7: {  	s25 =	simm.s32 $0x0;
	[smem:$0x7FF] =	sst s3;
	s8 =	smul.u32 $0x280, s0  }
0x8: {  	s4 =	sadd.s32 $0x15000, s6;
	s1 =	sshll.u32 s5, $0x4;
	s9 =	smul.u32 $0x500, s0  }
0x9: {  	s10 =	sshll.u32 s5, $0x7;
	s30 =	ssub.s32 $0x2, s5;
	s1 =	sor.u32 s0, s1  }
0xa: {  	s5 =	sadd.s32 $0x15600, s6;
	s31 =	sshrl.u32 s30, $0x1;
	s7 =	smul.u32 $0x500, s1  }
0xb: {  	s1 =	rddreg [dreg:$0x2];
	_ =	strace $0x8000004D;
	s12 =	sshrl.u32 s8, $0x3  }
0xc: {  	s28 =	sor.u32 s10, s9;
	s14 =	ssub.s32 s30, s31;
	s29 =	sadd.s32 s12, s6  }
0xd: {  	s10 =	sadd.s32 s4, s12;
	s12 =	smax.u32 s14, $0x1;
	s14 =	simm.s32 $0x2  }
0xe: {  	s11 =	sadd.s32 s7, s6;
	s7 =	sshrl.u32 s28, $0x3;
	s9 =	sadd.s32 $0x8C200, s29  }
0xf: {  	s13 =	sadd.s32 s7, s6;
	s6 =	sadd.s32 s8, s2;
	s7 =	sadd.s32 $0xB000, s11  }
0x10: {  	v53 =	vimm.f32 $0.0e+00;
	s8 =	sadd.s32 $0x1000, s11;
	s11 =	sadd.s32 $0x15800, s13;
	s13 =	simm.s32 $0x7900  }
.LBB2_1:
0x11: {  	[tilespmem:$0x7900] =	vst v53  }
0x12: {  	[tilespmem:$0x7910] =	vst v53  }
0x13: {  	[tilespmem:$0x7920] =	vst v53  }
0x14: {  	[tilespmem:$0x7930] =	vst v53  }
0x15: {  	[tilespmem:$0x7940] =	vst v53  }
0x16: {  	[tilespmem:$0x7950] =	vst v53  }
0x17: {  	[tilespmem:$0x7960] =	vst v53  }
0x18: {  	[tilespmem:$0x7970] =	vst v53  }
0x19: {  	[tilespmem:$0x7980] =	vst v53  }
0x1a: {  	[tilespmem:$0x7990] =	vst v53  }
0x1b: {  	[tilespmem:$0x79A0] =	vst v53  }
0x1c: {  	[tilespmem:$0x79B0] =	vst v53  }
0x1d: {  	[tilespmem:$0x79C0] =	vst v53  }
0x1e: {  	[tilespmem:$0x79D0] =	vst v53  }
0x1f: {  	[tilespmem:$0x79E0] =	vst v53  }
0x20: {  	[tilespmem:$0x79F0] =	vst v53  }
0x21: {  	[tilespmem:$0x7A00] =	vst v53  }
0x22: {  	[tilespmem:$0x7A10] =	vst v53  }
0x23: {  	[tilespmem:$0x7A20] =	vst v53  }
0x24: {  	[tilespmem:$0x7A30] =	vst v53  }
0x25: {  	[tilespmem:$0x7A40] =	vst v53  }
0x26: {  	[tilespmem:$0x7A50] =	vst v53  }
0x27: {  	[tilespmem:$0x7A60] =	vst v53  }
0x28: {  	[tilespmem:$0x7A70] =	vst v53  }
0x29: {  	[tilespmem:$0x7A80] =	vst v53  }
0x2a: {  	[tilespmem:$0x7A90] =	vst v53  }
0x2b: {  	[tilespmem:$0x7AA0] =	vst v53  }
0x2c: {  	[tilespmem:$0x7AB0] =	vst v53  }
0x2d: {  	[tilespmem:$0x7AC0] =	vst v53  }
0x2e: {  	[tilespmem:$0x7AD0] =	vst v53  }
0x2f: {  	[tilespmem:$0x7AE0] =	vst v53  }
0x30: {  	[tilespmem:$0x7AF0] =	vst v53  }
0x31: {  	[tilespmem:$0x7B00] =	vst v53  }
0x32: {  	[tilespmem:$0x7B10] =	vst v53  }
0x33: {  	[tilespmem:$0x7B20] =	vst v53  }
0x34: {  	[tilespmem:$0x7B30] =	vst v53  }
0x35: {  	[tilespmem:$0x7B40] =	vst v53  }
0x36: {  	[tilespmem:$0x7B50] =	vst v53  }
0x37: {  	[tilespmem:$0x7B60] =	vst v53  }
0x38: {  	[tilespmem:$0x7B70] =	vst v53  }
0x39: {  	[spmem:s6] =	stream.linear.scatter [tilespmem:s13], [sflag:$0x2], $0x280, $0x38;
	[tilespmem:$0x8300] =	vst v63  }
0x3a: {  	_ =	swait.ge [sflag:s14], $0x280  }
0x3b: {  	[sflag:s14] =	ssyncset.done $0x0  }
0x3c: {  	[sflag:s14] =	ssyncadd.s32 $0xFFFFFD80  }
0x3d: {  	[bflag:$0x0] =	sbarrier.arrive $0xFFFF  }
0x3e: {  	[tilespmem:s15], [sflag:$0x2] =	stream.linear.gather [hbm4b:s4+s3], $0x2710, $0x38;
	[tilespmem:$0x8300] =	vst v63  }
0x3f: {  	_ =	swait.ge [sflag:s14], $0x2710  }
0x40: {  	[sflag:s14] =	ssyncset.done $0x0  }
0x41: {  	[sflag:s14] =	ssyncadd.s32 $0xFFFFD8F0  }
0x42: {  	[tilespmem:s3], [sflag:$0x2] =	stream.linear.gather [hbm4b:s7+s3], $0x2800, $0x38;
	[tilespmem:$0x8300] =	vst v63  }
0x43: {  	_ =	swait.ge [sflag:s14], $0x2800  }
0x44: {  	[sflag:s14] =	ssyncset.done $0x0  }
0x45: {  	[sflag:s14] =	ssyncadd.s32 $0xFFFFD800  }
0x46: {  	[tilespmem:s16], [sflag:$0x2] =	stream.linear.gather [hbm4b:s8+s3], $0x2800, $0x38;
	[tilespmem:$0x8300] =	vst v63  }
0x47: {  	_ =	swait.ge [sflag:s14], $0x2800  }
0x48: {  	[sflag:s14] =	ssyncset.done $0x0  }
0x49: {  	[sflag:s14] =	ssyncadd.s32 $0xFFFFD800  }
0x4a: {  	[tilespmem:s17], [sflag:$0x2] =	stream.linear.gather [hbm4b:s5+s3], $0x80, $0x38;
	[tilespmem:$0x8300] =	vst v63  }
0x4b: {  	_ =	swait.ge [sflag:s14], $0x80  }
0x4c: {  	[sflag:s14] =	ssyncset.done $0x0  }
0x4d: {  	s26 =	simm.s32 $0x0;
	[sflag:s14] =	ssyncadd.s32 $0xFFFFFF80  }
.LBB2_2:
0x4e: {  	s28 =	sshra.s32 s26, $0x2  }
0x4f: {  	v1 =	vld [tilespmem:s28+$0x0];
	_ =	sdelay $0x7  }
0x50: {  	v1 =	vld.idx.msk [tilespmem:v1+s15+$0x0], $0xffff;
	_ =	sdelay $0x4  }
0x51: {  	[tilespmem:$0x7800] =	vst v1  }
0x52: {  	v1 =	vld [tilespmem:s28+$0x10];
	_ =	sdelay $0x7  }
0x53: {  	v1 =	vld.idx.msk [tilespmem:v1+s15+$0x0], $0xffff;
	_ =	sdelay $0x4  }
0x54: {  	[tilespmem:$0x7810] =	vst v1  }
0x55: {  	v1 =	vld [tilespmem:s28+$0x20];
	_ =	sdelay $0x7  }
0x56: {  	v1 =	vld.idx.msk [tilespmem:v1+s15+$0x0], $0xffff;
	_ =	sdelay $0x4  }
0x57: {  	[tilespmem:$0x7820] =	vst v1  }
0x58: {  	v1 =	vld [tilespmem:s28+$0x30];
	_ =	sdelay $0x7  }
0x59: {  	v1 =	vld.idx.msk [tilespmem:v1+s15+$0x0], $0xffff;
	_ =	sdelay $0x4  }
0x5a: {  	[tilespmem:$0x7830] =	vst v1  }
0x5b: {  	v1 =	vld [tilespmem:s28+$0x40];
	_ =	sdelay $0x7  }
0x5c: {  	v1 =	vld.idx.msk [tilespmem:v1+s15+$0x0], $0xffff;
	_ =	sdelay $0x4  }
0x5d: {  	[tilespmem:$0x7840] =	vst v1  }
0x5e: {  	v1 =	vld [tilespmem:s28+$0x50];
	_ =	sdelay $0x7  }
0x5f: {  	v1 =	vld.idx.msk [tilespmem:v1+s15+$0x0], $0xffff;
	_ =	sdelay $0x4  }
0x60: {  	[tilespmem:$0x7850] =	vst v1  }
0x61: {  	v1 =	vld [tilespmem:s28+$0x60];
	_ =	sdelay $0x7  }
0x62: {  	v1 =	vld.idx.msk [tilespmem:v1+s15+$0x0], $0xffff;
	_ =	sdelay $0x4  }
0x63: {  	[tilespmem:$0x7860] =	vst v1  }
0x64: {  	v1 =	vld [tilespmem:s28+$0x70];
	_ =	sdelay $0x7  }
0x65: {  	v1 =	vld.idx.msk [tilespmem:v1+s15+$0x0], $0xffff;
	_ =	sdelay $0x4  }
0x66: {  	s29 =	sadd.s32 $0x2800, s28;
	[tilespmem:$0x7870] =	vst v1  }
0x67: {  	[spmem:s2] =	stream.indirect.scatter.add.f32 [tilespmem:s19], [sflag:$0x1], $0x1, s29, s18, $0xb8;
	[tilespmem:$0x8300] =	vst v63  }
0x68: {  	v1 =	vld [tilespmem:s28+$0x80];
	_ =	sdelay $0x7  }
0x69: {  	v1 =	vld.idx.msk [tilespmem:v1+s15+$0x0], $0xffff;
	_ =	sdelay $0x4  }
0x6a: {  	[tilespmem:$0x7880] =	vst v1  }
0x6b: {  	v1 =	vld [tilespmem:s28+$0x90];
	_ =	sdelay $0x7  }
0x6c: {  	v1 =	vld.idx.msk [tilespmem:v1+s15+$0x0], $0xffff;
	_ =	sdelay $0x4  }
0x6d: {  	[tilespmem:$0x7890] =	vst v1  }
0x6e: {  	v1 =	vld [tilespmem:s28+$0xA0];
	_ =	sdelay $0x7  }
0x6f: {  	v1 =	vld.idx.msk [tilespmem:v1+s15+$0x0], $0xffff;
	_ =	sdelay $0x4  }
0x70: {  	[tilespmem:$0x78A0] =	vst v1  }
0x71: {  	v1 =	vld [tilespmem:s28+$0xB0];
	_ =	sdelay $0x7  }
0x72: {  	v1 =	vld.idx.msk [tilespmem:v1+s15+$0x0], $0xffff;
	_ =	sdelay $0x4  }
0x73: {  	[tilespmem:$0x78B0] =	vst v1  }
0x74: {  	v1 =	vld [tilespmem:s28+$0xC0];
	_ =	sdelay $0x7  }
0x75: {  	v1 =	vld.idx.msk [tilespmem:v1+s15+$0x0], $0xffff;
	_ =	sdelay $0x4  }
0x76: {  	[tilespmem:$0x78C0] =	vst v1  }
0x77: {  	v1 =	vld [tilespmem:s28+$0xD0];
	_ =	sdelay $0x7  }
0x78: {  	v1 =	vld.idx.msk [tilespmem:v1+s15+$0x0], $0xffff;
	_ =	sdelay $0x4  }
0x79: {  	[tilespmem:$0x78D0] =	vst v1  }
0x7a: {  	v1 =	vld [tilespmem:s28+$0xE0];
	_ =	sdelay $0x7  }
0x7b: {  	v1 =	vld.idx.msk [tilespmem:v1+s15+$0x0], $0xffff;
	_ =	sdelay $0x4  }
0x7c: {  	[tilespmem:$0x78E0] =	vst v1  }
0x7d: {  	v1 =	vld [tilespmem:s28+$0xF0];
	_ =	sdelay $0x7  }
0x7e: {  	v1 =	vld.idx.msk [tilespmem:v1+s15+$0x0], $0xffff;
	_ =	sdelay $0x4  }
0x7f: {  	s28 =	sadd.s32 $0x2880, s28;
	[tilespmem:$0x78F0] =	vst v1  }
0x80: {  	[spmem:s2] =	stream.indirect.scatter.add.f32 [tilespmem:s20], [sflag:$0x1], $0x1, s28, s18, $0xb8;
	[tilespmem:$0x8300] =	vst v63  }
0x81: {  	p0 =	sne.s32 s26, $0x9C00;
	_ =	swait.ge [sflag:s21], $0x80  }
.Ltmp0:
0x82: {  	[sflag:s21] =	ssyncset.done $0x0;
	(pc) =	sbr.rel @p0 .LBB2_2-.Ltmp0, $4  }
0x83: {  	[sflag:s21] =	ssyncadd.s32 $0xFFFFFF80  }
0x84: {  	_ =	swait.ge [sflag:s21], $0x80  }
0x85: {  	[sflag:s21] =	ssyncset.done $0x0  }
0x86: {  	s26 =	sadd.s32 $0x400, s26;
	[sflag:s21] =	ssyncadd.s32 $0xFFFFFF80  }
0x87: {  	[bflag:$0x0] =	sbarrier.arrive $0xFFFF  }
0x88: {  	[tilespmem:s22], [sflag:$0x2] =	stream.linear.gather [hbm4b:s9+s3], $0x280, $0x38;
	[tilespmem:$0x8300] =	vst v63  }
0x89: {  	_ =	swait.ge [sflag:s14], $0x280  }
0x8a: {  	[sflag:s14] =	ssyncset.done $0x0  }
0x8b: {  	[sflag:s14] =	ssyncadd.s32 $0xFFFFFD80  }
0x8c: {  	[tilespmem:s23], [sflag:$0x2] =	stream.linear.gather [hbm4b:s10+s3], $0x280, $0x38;
	[tilespmem:$0x8300] =	vst v63  }
0x8d: {  	_ =	swait.ge [sflag:s14], $0x280  }
0x8e: {  	[sflag:s14] =	ssyncset.done $0x0  }
0x8f: {  	[sflag:s14] =	ssyncadd.s32 $0xFFFFFD80  }
0x90: {  	[tilespmem:s13], [sflag:$0x2] =	stream.linear.gather [spmem:s6], $0x280, $0x38;
	[tilespmem:$0x8300] =	vst v63  }
0x91: {  	_ =	swait.ge [sflag:s14], $0x280  }
0x92: {  	[sflag:s14] =	ssyncset.done $0x0  }
0x93: {  	[sflag:s14] =	ssyncadd.s32 $0xFFFFFD80  }
0x94: {  	v0 =	vld [tilespmem:$0x7C40];
	_ =	sdelay $0x4  }
0x95: {  	[tilespmem:$0x1FD80] =	vst v0;
	v0 =	vld [tilespmem:$0x7780];
	_ =	sdelay $0x4  }
0x96: {  	[tilespmem:$0x1FE20] =	vst v0;
	v0 =	vld [tilespmem:$0x7CA0];
	_ =	sdelay $0x4  }
0x97: {  	[tilespmem:$0x1FE80] =	vst v0;
	v0 =	vld [tilespmem:$0x7F20];
	_ =	sdelay $0x4  }
0x98: {  	[tilespmem:$0x1FE10] =	vst v0;
	v0 =	vld [tilespmem:$0x7A20];
	_ =	sdelay $0x4  }
0x99: {  	[tilespmem:$0x1FE40] =	vst v0;
	v0 =	vld [tilespmem:$0x7780];
	_ =	sdelay $0x4  }
0x9a: {  	[tilespmem:$0x1FEA0] =	vst v0;
	v0 =	vld [tilespmem:$0x7CB0];
	_ =	sdelay $0x4  }
0x9b: {  	[tilespmem:$0x1FEB0] =	vst v0;
	v0 =	vld [tilespmem:$0x7F30];
	_ =	sdelay $0x4  }
0x9c: {  	[tilespmem:$0x1FE30] =	vst v0;
	v0 =	vld [tilespmem:$0x7A30];
	_ =	sdelay $0x4  }
0x9d: {  	[tilespmem:$0x1FE60] =	vst v0;
	v0 =	vld [tilespmem:$0x7780];
	_ =	sdelay $0x3  }
0x9e: {  	v7 =	vld [tilespmem:$0x7B80]  }
0x9f: {  	[tilespmem:$0x1FF20] =	vst v0;
	v0 =	vld [tilespmem:$0x7CC0]  }
0xa0: {  	v6 =	vld [tilespmem:$0x7E00]  }
0xa1: {  	v8 =	vld [tilespmem:$0x7900]  }
0xa2: {  	v20 =	vld [tilespmem:$0x7780]  }
0xa3: {  	v16 =	vld [tilespmem:$0x7B90]  }
0xa4: {  	[tilespmem:$0x1FEE0] =	vst v0;
	v0 =	vld [tilespmem:$0x7F40]  }
0xa5: {  	v23 =	vld [tilespmem:$0x7E10]  }
0xa6: {  	v24 =	vld [tilespmem:$0x7910]  }
0xa7: {  	v26 =	vld [tilespmem:$0x7780]  }
0xa8: {  	v27 =	vld [tilespmem:$0x7BA0]  }
0xa9: {  	[tilespmem:$0x1FE50] =	vst v0;
	v0 =	vld [tilespmem:$0x7A40]  }
0xaa: {  	v28 =	vld [tilespmem:$0x7E20]  }
0xab: {  	v39 =	vld [tilespmem:$0x7920]  }
0xac: {  	v51 =	vld [tilespmem:$0x7780]  }
0xad: {  	v56 =	vld [tilespmem:$0x7BB0]  }
0xae: {  	[tilespmem:$0x1FE90] =	vst v0;
	v0 =	vld [tilespmem:$0x7780]  }
0xaf: {  	v57 =	vld [tilespmem:$0x7E30]  }
0xb0: {  	v4 =	vld [tilespmem:$0x7930]  }
0xb1: {  	v29 =	vld [tilespmem:$0x7780]  }
0xb2: {  	v9 =	vld [tilespmem:$0x7BC0]  }
0xb3: {  	[tilespmem:$0x1FF30] =	vst v0;
	v0 =	vld [tilespmem:$0x7CD0]  }
0xb4: {  	v1 =	vld [tilespmem:$0x7E40]  }
0xb5: {  	v3 =	vld [tilespmem:$0x7940]  }
0xb6: {  	v18 =	vld [tilespmem:$0x7780]  }
0xb7: {  	v10 =	vld [tilespmem:$0x7BD0]  }
0xb8: {  	[tilespmem:$0x1FF00] =	vst v0;
	v0 =	vld [tilespmem:$0x7F50]  }
0xb9: {  	v2 =	vld [tilespmem:$0x7E50]  }
0xba: {  	v5 =	vld [tilespmem:$0x7950]  }
0xbb: {  	v19 =	vld [tilespmem:$0x7780]  }
0xbc: {  	v36 =	vld [tilespmem:$0x7BE0]  }
0xbd: {  	[tilespmem:$0x1FE70] =	vst v0;
	v0 =	vld [tilespmem:$0x7A50]  }
0xbe: {  	v11 =	vld [tilespmem:$0x7E60]  }
0xbf: {  	v22 =	vld [tilespmem:$0x7960]  }
0xc0: {  	v48 =	vld [tilespmem:$0x7780]  }
0xc1: {  	v33 =	vld [tilespmem:$0x7BF0]  }
0xc2: {  	[tilespmem:$0x1FEC0] =	vst v0;
	v0 =	vld [tilespmem:$0x7780]  }
0xc3: {  	v12 =	vld [tilespmem:$0x7E70]  }
0xc4: {  	v31 =	vld [tilespmem:$0x7970]  }
0xc5: {  	v49 =	vld [tilespmem:$0x7780]  }
0xc6: {  	v35 =	vld [tilespmem:$0x7C00]  }
0xc7: {  	[tilespmem:$0x1FF40] =	vst v0;
	v0 =	vld [tilespmem:$0x7CE0]  }
0xc8: {  	v13 =	vld [tilespmem:$0x7E80]  }
0xc9: {  	v21 =	vld [tilespmem:$0x7980]  }
0xca: {  	v50 =	vld [tilespmem:$0x7780]  }
0xcb: {  	v34 =	vld [tilespmem:$0x7C10]  }
0xcc: {  	[tilespmem:$0x1FF60] =	vst v0;
	v0 =	vld [tilespmem:$0x7F60]  }
0xcd: {  	v14 =	vld [tilespmem:$0x7E90]  }
0xce: {  	v25 =	vld [tilespmem:$0x7990]  }
0xcf: {  	v58 =	vld [tilespmem:$0x7780]  }
0xd0: {  	v37 =	vld [tilespmem:$0x7C20]  }
0xd1: {  	[tilespmem:$0x1FED0] =	vst v0;
	v0 =	vld [tilespmem:$0x7A60]  }
0xd2: {  	v15 =	vld [tilespmem:$0x7EA0]  }
0xd3: {  	v30 =	vld [tilespmem:$0x79A0]  }
0xd4: {  	v47 =	vld [tilespmem:$0x7780]  }
0xd5: {  	v38 =	vld [tilespmem:$0x7C30]  }
0xd6: {  	[tilespmem:$0x1FF10] =	vst v0;
	v0 =	vld [tilespmem:$0x7780]  }
0xd7: {  	v17 =	vld [tilespmem:$0x7EB0]  }
0xd8: {  	v32 =	vld [tilespmem:$0x79B0]  }
0xd9: {  	v46 =	vld [tilespmem:$0x7780]  }
0xda: {  	v40 =	vld [tilespmem:$0x7EC0]  }
0xdb: {  	[tilespmem:$0x1FF70] =	vst v0;
	v0 =	vld [tilespmem:$0x7CF0]  }
0xdc: {  	v59 =	vld [tilespmem:$0x79C0]  }
0xdd: {  	v55 =	vld [tilespmem:$0x7780]  }
0xde: {  	v60 =	vld [tilespmem:$0x7C50]  }
0xdf: {  	v41 =	vld [tilespmem:$0x7ED0]  }
0xe0: {  	[tilespmem:$0x1FF80] =	vst v0;
	v0 =	vld [tilespmem:$0x7F70]  }
0xe1: {  	v61 =	vld [tilespmem:$0x7780]  }
0xe2: {  	v54 =	vld [tilespmem:$0x7C60]  }
0xe3: {  	v42 =	vld [tilespmem:$0x7EE0]  }
0xe4: {  	v62 =	vld [tilespmem:$0x7780]  }
0xe5: {  	[tilespmem:$0x1FEF0] =	vst v0;
	v0 =	vld [tilespmem:$0x7A70]  }
0xe6: {  	v43 =	vld [tilespmem:$0x7EF0]  }
0xe7: {  	v63 =	vld [tilespmem:$0x7780]  }
0xe8: {  	v44 =	vld [tilespmem:$0x7C80]  }
0xe9: {  	v45 =	vld [tilespmem:$0x7780]  }
0xea: {  	[tilespmem:$0x1FF50] =	vst v0;
	v0 =	vld [tilespmem:$0x7780]  }
0xeb: {  	v52 =	vld [tilespmem:$0x7C90];
	[tilespmem:$0x1FDA0] =	vst v55  }
0xec: {  	[tilespmem:$0x1FD90] =	vst v60;
	v60 =	vld [tilespmem:$0x79D0]  }
0xed: {  	[tilespmem:$0x1FDB0] =	vst v61;
	v61 =	vld [tilespmem:$0x79E0]  }
0xee: {  	[tilespmem:$0x1FDD0] =	vst v62;
	v55 =	vld [tilespmem:$0x7C70]  }
0xef: {  	[tilespmem:$0x1FFA0] =	vst v0;
	v0 =	vld [tilespmem:$0x7D00]  }
0xf0: {  	v62 =	vld [tilespmem:$0x79F0];
	[tilespmem:$0x1FDF0] =	vst v63  }
0xf1: {  	[tilespmem:$0x1FDC0] =	vst v44;
	v44 =	vld [tilespmem:$0x7F00]  }
0xf2: {  	v63 =	vld [tilespmem:$0x7A00];
	[tilespmem:$0x1FE00] =	vst v45;
	v23 =	vmul.f32 $5.000000000e-01, v23  }
0xf3: {  	[tilespmem:$0x1FDE0] =	vst v52;
	v45 =	vld [tilespmem:$0x7F10]  }
0xf4: {  	v52 =	vld [tilespmem:$0x7A10];
	v2 =	vmul.f32 $5.000000000e-01, v2;
	v24 =	vadd.f32 v23, v24;
	[tilespmem:$0x1FFC0] =	vst v0;
	v0 =	vmul.f32 $5.000000000e-01, v6  }
0xf5: {  	v1 =	vmul.f32 $5.000000000e-01, v1;
	v6 =	vld [tilespmem:$0x7F80]  }
0xf6: {  	v23 =	vld [tilespmem:$0x7F90];
	v2 =	vadd.f32 v2, v5;
	v24 =	vmul.f32 v24, v16;
	v0 =	vadd.f32 v0, v8  }
0xf7: {  	v16 =	vld [tilespmem:$0x7A90];
	v8 =	vmul.f32 $5.000000000e-01, v28;
	v28 =	vmul.f32 $5.000000000e-01, v57  }
0xf8: {  	v5 =	vmul.f32 v2, v10;
	v2 =	vld [tilespmem:$0x7780];
	v0 =	vmul.f32 v0, v7  }
0xf9: {  	v57 =	vadd.f32 v8, v39;
	v39 =	vadd.f32 v28, v4;
	v8 =	vld [tilespmem:$0x7D20];
	v28 =	vmul.f32 $5.000000000e-01, v51  }
0xfa: {  	v51 =	vmul.f32 $5.000000000e-01, v29;
	v29 =	vmul.f32 $5.000000000e-01, v13;
	[tilespmem:$0x1FF90] =	vst v6;
	v6 =	vld [tilespmem:$0x7A80]  }
0xfb: {  	v7 =	vmul.f32 v57, v27;
	v57 =	vmul.f32 $5.000000000e-01, v20;
	v20 =	vld [tilespmem:$0x7780]  }
0xfc: {  	v27 =	vmul.f32 $5.000000000e-01, v26;
	v26 =	vld [tilespmem:$0x7AA0]  }
0xfd: {  	v1 =	vadd.f32 v1, v3;
	v3 =	vadd.f32 v29, v21;
	v29 =	vld [tilespmem:$0x7AD0]  }
0xfe: {  	v4 =	vadd.f32 v27, v24;
	v24 =	vld [tilespmem:$0x7D30]  }
0xff: {  	v0 =	vadd.f32 v57, v0;
	v57 =	vmul.f32 $5.000000000e-01, v11;
	v27 =	vld [tilespmem:$0x7D40]  }
0x100: {  	v1 =	vmul.f32 v1, v9;
	[tilespmem:$0x1FFB0] =	vst v6;
	v6 =	vld [tilespmem:$0x7780]  }
0x101: {  	v10 =	vadd.f32 v28, v7;
	v28 =	vadd.f32 v57, v22;
	v22 =	vmul.f32 $5.000000000e-01, v15;
	v57 =	vld [tilespmem:$0x7AC0]  }
0x102: {  	[tilespmem:$0x1FFF0] =	vst v20;
	v20 =	vmul.f32 v39, v56;
	v39 =	vld [tilespmem:$0x7FA0];
	v56 =	vmul.f32 $5.000000000e-01, v18  }
0x103: {  	v9 =	vadd.f32 v22, v30;
	v22 =	vld [tilespmem:$0x7FD0]  }
0x104: {  	v3 =	vmul.f32 v3, v35;
	v18 =	vadd.f32 v56, v1;
	v56 =	vld [tilespmem:$0x7FB0]  }
0x105: {  	v11 =	vadd.f32 v51, v20;
	v20 =	vmul.f32 $5.000000000e-01, v14;
	v51 =	vld [tilespmem:$0x7AB0];
	v1 =	vmul.f32 v28, v36  }
0x106: {  	v28 =	vld [tilespmem:$0x7780];
	v36 =	vmul.f32 $5.000000000e-01, v49;
	v49 =	vmul.f32 $5.000000000e-01, v50  }
0x107: {  	[tilespmem:$0x1FFD0] =	vst v6;
	v6 =	vld [tilespmem:$0x7D10]  }
0x108: {  	v7 =	vadd.f32 v20, v25;
	v20 =	vadd.f32 v49, v3;
	v49 =	vld [tilespmem:$0x1FDB0]  }
0x109: {  	v50 =	vmul.f32 $5.000000000e-01, v58;
	v58 =	vmul.f32 $5.000000000e-01, v47;
	v47 =	vld [tilespmem:$0x1FDA0]  }
0x10a: {  	v12 =	vmul.f32 $5.000000000e-01, v12;
	v3 =	vld [tilespmem:$0x7780]  }
0x10b: {  	v35 =	vmul.f32 v7, v34;
	v7 =	vld [tilespmem:$0x7780];
	[tilespmem:$0x7980] =	vst v20  }
0x10c: {  	v20 =	vld [tilespmem:$0x8020];
	[tilespmem:$0x1FFE0] =	vst v6;
	v6 =	vmul.f32 $5.000000000e-01, v19;
	v19 =	vadd.f32 v12, v31  }
0x10d: {  	v31 =	vmul.f32 $5.000000000e-01, v17;
	v17 =	vadd.f32 v50, v35;
	v50 =	vmul.f32 $5.000000000e-01, v49;
	v49 =	vld [tilespmem:$0x1FE20]  }
0x10e: {  	v13 =	vadd.f32 v6, v5;
	v12 =	vmul.f32 v19, v33;
	v5 =	vld [tilespmem:$0x7FC0]  }
0x10f: {  	v33 =	vmul.f32 $5.000000000e-01, v48;
	v48 =	vmul.f32 v9, v37;
	v9 =	vld [tilespmem:$0x7D50]  }
0x110: {  	v34 =	vmul.f32 $5.000000000e-01, v41;
	v6 =	vmul.f32 $5.000000000e-01, v40;
	v40 =	vld [tilespmem:$0x1FD80]  }
0x111: {  	v14 =	vadd.f32 v31, v32;
	v32 =	vld [tilespmem:$0x7FE0]  }
0x112: {  	v37 =	vadd.f32 v34, v60;
	v34 =	vld [tilespmem:$0x7AE0]  }
0x113: {  	v60 =	vld [tilespmem:$0x1FDF0]  }
0x114: {  	v30 =	vadd.f32 v58, v48;
	v58 =	vld [tilespmem:$0x7780]  }
0x115: {  	v45 =	vmul.f32 $5.000000000e-01, v45;
	v15 =	vadd.f32 v33, v1;
	v14 =	vmul.f32 v14, v38;
	v1 =	vld [tilespmem:$0x7D60]  }
0x116: {  	v38 =	vmul.f32 $5.000000000e-01, v43;
	v43 =	vmul.f32 $5.000000000e-01, v44;
	v44 =	vld [tilespmem:$0x1FD90]  }
0x117: {  	v12 =	vadd.f32 v36, v12;
	v35 =	vadd.f32 v6, v59;
	v36 =	vmul.f32 $5.000000000e-01, v42;
	v59 =	vld [tilespmem:$0x1FDE0]  }
0x118: {  	v33 =	vmul.f32 $5.000000000e-01, v46;
	v48 =	vmul.f32 $5.000000000e-01, v47;
	v47 =	vld [tilespmem:$0x1FE10]  }
0x119: {  	v42 =	vadd.f32 v36, v61;
	v36 =	vld [tilespmem:$0x7D70]  }
0x11a: {  	v14 =	vadd.f32 v33, v14;
	v33 =	vadd.f32 v45, v52;
	v52 =	vld [tilespmem:$0x1FDC0]  }
0x11b: {  	v25 =	vadd.f32 v38, v62;
	v62 =	vld [tilespmem:$0x1FE00]  }
0x11c: {  	v45 =	vld [tilespmem:$0x7D80]  }
0x11d: {  	v21 =	vadd.f32 v43, v63;
	v43 =	vld [tilespmem:$0x8000]  }
0x11e: {  	v38 =	vld [tilespmem:$0x7DA0]  }
0x11f: {  	[tilespmem:$0x79A0] =	vst v30;
	v30 =	vld [tilespmem:$0x8030]  }
0x120: {  	v41 =	vmul.f32 v35, v40;
	v40 =	vld [tilespmem:$0x7FF0]  }
0x121: {  	v61 =	vmul.f32 $5.000000000e-01, v60;
	v60 =	vld [tilespmem:$0x1FE50]  }
0x122: {  	v46 =	vmul.f32 v42, v54;
	v54 =	vld [tilespmem:$0x1FDD0]  }
0x123: {  	v42 =	vld [tilespmem:$0x8010]  }
0x124: {  	v31 =	vadd.f32 v48, v41;
	v41 =	vld [tilespmem:$0x7AF0]  }
0x125: {  	v19 =	vmul.f32 v37, v44;
	v37 =	vld [tilespmem:$0x7780]  }
0x126: {  	v5 =	vmul.f32 $5.000000000e-01, v5;
	v44 =	vld [tilespmem:$0x7B00]  }
0x127: {  	v25 =	vmul.f32 v25, v55;
	v48 =	vmul.f32 $5.000000000e-01, v47;
	v47 =	vld [tilespmem:$0x7D90]  }
0x128: {  	v5 =	vadd.f32 v5, v57;
	v57 =	vld [tilespmem:$0x8050]  }
0x129: {  	v33 =	vmul.f32 v33, v59;
	v25 =	vadd.f32 v61, v25;
	v21 =	vmul.f32 v21, v52;
	v52 =	vld [tilespmem:$0x1FE30]  }
0x12a: {  	v19 =	vadd.f32 v50, v19;
	v63 =	vmul.f32 $5.000000000e-01, v62;
	v50 =	vmul.f32 $5.000000000e-01, v49;
	v62 =	vld [tilespmem:$0x1FE60]  }
0x12b: {  	[tilespmem:$0x79F0] =	vst v25;
	v25 =	vld [tilespmem:$0x7DC0];
	v55 =	vmul.f32 $5.000000000e-01, v54  }
0x12c: {  	[tilespmem:$0x7910] =	vst v4;
	v4 =	vadd.f32 v50, v33;
	v50 =	vld [tilespmem:$0x1FE80]  }
0x12d: {  	v35 =	vadd.f32 v55, v46;
	v55 =	vld [tilespmem:$0x1FE40]  }
0x12e: {  	v33 =	vld [tilespmem:$0x7780]  }
0x12f: {  	[tilespmem:$0x79D0] =	vst v19;
	v19 =	vld [tilespmem:$0x7B30];
	v54 =	vmul.f32 $5.000000000e-01, v52  }
0x130: {  	v46 =	vld [tilespmem:$0x7780]  }
0x131: {  	[tilespmem:$0x7900] =	vst v0;
	v0 =	vadd.f32 v63, v21;
	v63 =	vadd.f32 v54, v62;
	v54 =	vld [tilespmem:$0x1FE90]  }
0x132: {  	v62 =	vld [tilespmem:$0x1FEC0];
	v59 =	vadd.f32 v48, v55  }
0x133: {  	v48 =	vld [tilespmem:$0x1FE70]  }
0x134: {  	v61 =	vmul.f32 $5.000000000e-01, v60;
	v52 =	vmul.f32 v59, v50;
	v50 =	vld [tilespmem:$0x1FEE0]  }
0x135: {  	v59 =	vld [tilespmem:$0x1FEA0]  }
0x136: {  	v55 =	vadd.f32 v61, v54;
	v61 =	vld [tilespmem:$0x1FEB0]  }
0x137: {  	v54 =	vld [tilespmem:$0x1FF00]  }
0x138: {  	v49 =	vmul.f32 $5.000000000e-01, v48;
	v48 =	vld [tilespmem:$0x1FED0]  }
0x139: {  	[tilespmem:$0x7940] =	vst v18;
	v18 =	vmul.f32 v55, v50;
	v55 =	vld [tilespmem:$0x1FF10]  }
0x13a: {  	v60 =	vmul.f32 $5.000000000e-01, v59;
	v50 =	vld [tilespmem:$0x1FF40]  }
0x13b: {  	[tilespmem:$0x7930] =	vst v11;
	v11 =	vmul.f32 v63, v61;
	v63 =	vadd.f32 v49, v62;
	v62 =	vld [tilespmem:$0x1FF30]  }
0x13c: {  	[tilespmem:$0x7920] =	vst v10;
	v10 =	vadd.f32 v60, v52;
	v52 =	vld [tilespmem:$0x1FEF0]  }
0x13d: {  	v60 =	vld [tilespmem:$0x1FF20]  }
0x13e: {  	v49 =	vmul.f32 $5.000000000e-01, v48;
	v48 =	vld [tilespmem:$0x7B10]  }
0x13f: {  	[tilespmem:$0x7950] =	vst v13;
	v13 =	vmul.f32 v63, v54;
	v54 =	vld [tilespmem:$0x1FF50]  }
0x140: {  	[tilespmem:$0x7A20] =	vst v10;
	v10 =	vld [tilespmem:$0x7780]  }
0x141: {  	v56 =	vmul.f32 $5.000000000e-01, v56;
	v3 =	vmul.f32 $5.000000000e-01, v3;
	v59 =	vadd.f32 v49, v55;
	v55 =	vld [tilespmem:$0x1FF60]  }
0x142: {  	v7 =	vmul.f32 $5.000000000e-01, v7;
	v20 =	vmul.f32 $5.000000000e-01, v20;
	v49 =	vld [tilespmem:$0x1FFA0]  }
0x143: {  	[tilespmem:$0x79C0] =	vst v31;
	v31 =	vmul.f32 $5.000000000e-01, v2;
	v63 =	vmul.f32 $5.000000000e-01, v62;
	v62 =	vld [tilespmem:$0x1FF80]  }
0x144: {  	v21 =	vmul.f32 $5.000000000e-01, v52;
	v52 =	vmul.f32 $5.000000000e-01, v50;
	v50 =	vld [tilespmem:$0x7780]  }
0x145: {  	[tilespmem:$0x7960] =	vst v15;
	v5 =	vmul.f32 v5, v27;
	v61 =	vmul.f32 $5.000000000e-01, v60;
	v60 =	vld [tilespmem:$0x1FF70]  }
0x146: {  	[tilespmem:$0x79E0] =	vst v35;
	v35 =	vmul.f32 $5.000000000e-01, v28;
	v28 =	vmul.f32 $5.000000000e-01, v30;
	v15 =	vadd.f32 v63, v18;
	v18 =	vld [tilespmem:$0x7DB0]  }
0x147: {  	v21 =	vadd.f32 v21, v54;
	v13 =	vadd.f32 v52, v13;
	v52 =	vmul.f32 $5.000000000e-01, v23;
	v23 =	vld [tilespmem:$0x7B20]  }
0x148: {  	[tilespmem:$0x7990] =	vst v17;
	v54 =	vld [tilespmem:$0x1FFB0];
	v59 =	vmul.f32 v59, v55;
	v17 =	vmul.f32 $5.000000000e-01, v49  }
0x149: {  	v5 =	vadd.f32 v7, v5;
	v55 =	vmul.f32 $5.000000000e-01, v39;
	v63 =	vmul.f32 v21, v62;
	v21 =	vld [tilespmem:$0x1FF90]  }
0x14a: {  	v11 =	vadd.f32 v61, v11;
	[tilespmem:$0x7A40] =	vst v15;
	v15 =	vmul.f32 $5.000000000e-01, v57;
	v62 =	vmul.f32 $5.000000000e-01, v22;
	v22 =	vld [tilespmem:$0x7780]  }
0x14b: {  	v16 =	vadd.f32 v52, v16;
	v61 =	vmul.f32 $5.000000000e-01, v60;
	v60 =	vld [tilespmem:$0x1FFD0];
	v26 =	vadd.f32 v55, v26  }
0x14c: {  	[tilespmem:$0x79B0] =	vst v14;
	v52 =	vmul.f32 $5.000000000e-01, v58;
	v14 =	vadd.f32 v17, v63;
	v17 =	vadd.f32 v56, v51;
	v63 =	vld [tilespmem:$0x1FFF0]  }
0x14d: {  	[tilespmem:$0x7970] =	vst v12;
	v51 =	vmul.f32 $5.000000000e-01, v32;
	v56 =	vmul.f32 $5.000000000e-01, v43;
	v12 =	vadd.f32 v61, v59;
	v61 =	vld [tilespmem:$0x1FFE0]  }
0x14e: {  	[tilespmem:$0x7A50] =	vst v13;
	v32 =	vld [tilespmem:$0x7B60];
	v8 =	vmul.f32 v26, v8;
	v13 =	vadd.f32 v20, v23;
	v17 =	vmul.f32 v17, v24  }
0x14f: {  	v59 =	vld [tilespmem:$0x1FFC0];
	v55 =	vadd.f32 v51, v34;
	v34 =	vmul.f32 $5.000000000e-01, v46;
	v6 =	vmul.f32 $5.000000000e-01, v21  }
0x150: {  	[tilespmem:$0x7A00] =	vst v0;
	v43 =	vld [tilespmem:$0x7B70];
	v0 =	vadd.f32 v31, v8;
	v31 =	vmul.f32 $5.000000000e-01, v37;
	v38 =	vmul.f32 v13, v38  }
0x151: {  	[tilespmem:$0x7A10] =	vst v4;
	v26 =	vld [tilespmem:$0x8040];
	v21 =	vmul.f32 $5.000000000e-01, v60;
	v2 =	vadd.f32 v35, v17;
	v1 =	vmul.f32 v55, v1  }
0x152: {  	[tilespmem:$0x7AC0] =	vst v5;
	v60 =	vld [tilespmem:$0x7B50];
	v6 =	vadd.f32 v6, v54;
	v24 =	vmul.f32 $5.000000000e-01, v63;
	v16 =	vmul.f32 v16, v61  }
0x153: {  	[tilespmem:$0x7A30] =	vst v11;
	v35 =	vmul.f32 $5.000000000e-01, v50;
	v54 =	vmul.f32 $5.000000000e-01, v40;
	v40 =	vld [tilespmem:$0x7780];
	v61 =	vadd.f32 v56, v44  }
0x154: {  	[tilespmem:$0x7A70] =	vst v14;
	v1 =	vadd.f32 v3, v1;
	v6 =	vmul.f32 v6, v59;
	v39 =	vadd.f32 v24, v16;
	v16 =	vld [tilespmem:$0x7B40]  }
0x155: {  	[tilespmem:$0x7A60] =	vst v12;
	v44 =	vmul.f32 $5.000000000e-01, v22;
	v58 =	vadd.f32 v54, v41;
	v59 =	vmul.f32 $5.000000000e-01, v42;
	v24 =	vld [tilespmem:$0x7DE0]  }
0x156: {  	[tilespmem:$0x7AA0] =	vst v0;
	v27 =	vmul.f32 v61, v45;
	v6 =	vadd.f32 v21, v6;
	v21 =	vadd.f32 v62, v29;
	v29 =	vld [tilespmem:$0x8060]  }
0x157: {  	[tilespmem:$0x7AB0] =	vst v2;
	v42 =	vmul.f32 $5.000000000e-01, v26;
	v11 =	vmul.f32 v58, v36;
	v63 =	vadd.f32 v59, v48;
	v36 =	vld [tilespmem:$0x8070]  }
0x158: {  	v62 =	vld [tilespmem:$0x7780];
	[tilespmem:$0x7A90] =	vst v39;
	v39 =	vmul.f32 $5.000000000e-01, v33;
	v0 =	vadd.f32 v34, v27;
	v49 =	vmul.f32 v21, v9  }
0x159: {  	v54 =	vmul.f32 $5.000000000e-01, v10;
	v21 =	vld [tilespmem:$0x7DD0];
	[tilespmem:$0x7A80] =	vst v6;
	v6 =	vadd.f32 v28, v19;
	v37 =	vadd.f32 v31, v11  }
0x15a: {  	v45 =	vld [tilespmem:$0x7DF0];
	[tilespmem:$0x7AE0] =	vst v1;
	v30 =	vmul.f32 v63, v47;
	v46 =	vadd.f32 v39, v38;
	v8 =	vadd.f32 v52, v49  }
0x15b: {  	v47 =	vld [tilespmem:$0x7780];
	[tilespmem:$0x7B00] =	vst v0;
	v41 =	vmul.f32 v6, v18;
	v5 =	vadd.f32 v42, v16;
	v7 =	vmul.f32 $5.000000000e-01, v29  }
0x15c: {  	v4 =	vadd.f32 v35, v30;
	[tilespmem:$0x7AF0] =	vst v37;
	v49 =	vadd.f32 v15, v60;
	v50 =	vmul.f32 $5.000000000e-01, v36  }
0x15d: {  	v56 =	vmul.f32 $5.000000000e-01, v62;
	[tilespmem:$0x7B20] =	vst v46;
	v51 =	vmul.f32 v5, v25;
	v52 =	vadd.f32 v7, v32  }
0x15e: {  	[tilespmem:$0x7AD0] =	vst v8;
	v48 =	vadd.f32 v44, v41;
	v3 =	vmul.f32 v49, v21;
	v55 =	vadd.f32 v50, v43  }
0x15f: {  	v58 =	vmul.f32 $5.000000000e-01, v40;
	[tilespmem:$0x7B10] =	vst v4;
	v0 =	vadd.f32 v54, v51;
	v57 =	vmul.f32 v52, v24  }
0x160: {  	v61 =	vmul.f32 $5.000000000e-01, v47;
	[tilespmem:$0x7B30] =	vst v48;
	v59 =	vadd.f32 v56, v3;
	v60 =	vmul.f32 v55, v45  }
0x161: {  	[tilespmem:$0x7B40] =	vst v0;
	v62 =	vadd.f32 v58, v57  }
0x162: {  	s25 =	sadd.s32 $0x1, s25;
	[tilespmem:$0x7B50] =	vst v59;
	v63 =	vadd.f32 v61, v60  }
0x163: {  	p0 =	sne.s32 s25, s12;
	[tilespmem:$0x7B60] =	vst v62  }
.Ltmp1:
0x164: {  	[tilespmem:$0x7B70] =	vst v63;
	(pc) =	sbr.rel @p0 .LBB2_1-.Ltmp1, $4  }
0x165: {  	[hbm4b:s11+s18] =	stream.strided.scatter [tilespmem:s13], [sflag:$0x2], $0x280, s24, s18, $0x38;
	[tilespmem:$0x8300] =	vst v63  }
0x166: {  	_ =	swait.ge [sflag:s14], $0x280  }
0x167: {  	[sflag:s14] =	ssyncset.done $0x0  }
0x168: {  	[sflag:s14] =	ssyncadd.s32 $0xFFFFFD80  }
0x169: {  	_ =	sfence.sel $0x180000  }
0x16a: {  	[bflag:$0x0] =	sbarrier.arrive $0xFFFF  }
0x16b: {  	p0 =	sne.s32 s0, $0x0;
	_ =	strace $0x9000004D  }
0x16c: {  	s0 =	sadd.s32 @!p0 $0x100000, s1;
	[bflag:$0x2] =	sbarrier.arrive $0xFFFF  }
0x16d: {  	[sflag:s0] =	ssyncadd.tile.s32 @!p0 $0x1;
	_ =	shalt  }
.Lfunc_end2:
_tile_overlayer_lowered:
.L_overlay_start_2:
0x16e: {  	(tag) =	ssettag $0x2  }
0x16f: {  	s0 =	rddreg [dreg:$0x0];
	s2 =	stileid.u32  }
0x170: {  	s1 =	rddreg [dreg:$0x1];
	p0 =	sne.s32 s2, $0x0  }
0x171: {  	s3 =	rddreg [dreg:$0x2];
	[bflag:$0x3] =	sbarrier.arrive $0xFFFF;
	s2 =	simm.s32 @!p0 $0x1C02  }
0x172: {  	[timem:s3], [sflag:s2] =	dma.local @!p0 [hbm:s0], s1  }
0x173: {  	s0 =	simm.s32 @!p0 $0x2  }
0x174: {  	_ =	swait.ge @!p0 [sflag:s0], s1  }
0x175: {  	s1 =	ssub.s32 @!p0 $0x0, s1;
	[sflag:s0] =	ssyncset.done @!p0 $0x0  }
0x176: {  	[sflag:s0] =	ssyncadd.s32 @!p0 s1  }
0x177: {  	[bflag:$0x3] =	sbarrier.arrive $0xFFFF  }
0x178: {  	_ =	shalt  }

// kernel: kernel.7.cloned.1.call-start
scs
__scs_entry_jumppad:
0x0: {  	(pc) =	sbr.rel $0x88, $3  }
0x1: {  	(tag) =	ssettag $0x0;
	lr =	simm.s32 $0x1  }
0x2: {  	[smem:$0x3F9B] =	sst lr;
	_ =	strace $0xD0000000  }
0x3: {  	_ = 	snop  }
0x4: {  	_ = 	snop  }
0x5: {  	_ = 	snop  }
0x6: {  	_ = 	snop  }
0x7: {  	_ = 	snop  }
__scs_overlays_trampoline_lowered:
0x8: {  	[smem:$0x3FAA] =	sst s0  }
0x9: {  	[smem:$0x3FAB] =	sst s1  }
0xa: {  	[smem:$0x3FAC] =	sst s2  }
0xb: {  	[smem:$0x3FAD] =	sst s3  }
0xc: {  	[smem:$0x3FAE] =	sst s4  }
0xd: {  	[smem:$0x3FAF] =	sst s5  }
0xe: {  	[smem:$0x3FB0] =	sst s6  }
0xf: {  	[smem:$0x3FB1] =	sst s7  }
0x10: {  	[smem:$0x3FB2] =	sst s8  }
0x11: {  	[smem:$0x3FB3] =	sst s9;
	s0 =	simm.s32 @!p0 $0x0  }
0x12: {  	s1 =	sld [smem:$0x3F99];
	s0 =	simm.s32 @p0 $0x1  }
0x13: {  	[smem:$0x3FB4] =	sst s0;
	s0 =	simm.s32 @!p1 $0x0  }
0x14: {  	s2 =	sld [smem:$0x3F98];
	s0 =	simm.s32 @p1 $0x1  }
0x15: {  	[smem:$0x3FB5] =	sst s0;
	s0 =	simm.s32 @!p2 $0x0  }
0x16: {  	s3 =	sld [smem:$0x3FDB];
	s0 =	simm.s32 @p2 $0x1  }
0x17: {  	s4 =	simm.s32 $0x1BF5;
	[smem:$0x3FB7] =	sst s0  }
0x18: {  	s0 =	sld [smem:$0x3F9A];
	_ =	swait.ge [sflag:s4], $0x0  }
0x19: {  	s7 =	sld [smem:$0x3F9B]  }
0x1a: {  	s8 =	sadd.s32 $0xFFFFE003, lr  }
0x1b: {  	s9 =	sadd.s32 $0xFFFFFEF7, lr;
	s5 =	simm.s32 $0xFFFFFFFF;
	p2 =	slt.u32 s8, $0xFFFFF086  }
0x1c: {  	p1 =	slt.u32 s9, $0xF7A;
	s5 =	simm.s32 @!p2 $0x0  }
0x1d: {  	s5 =	simm.s32 @p1 $0x1;
	p0 =	seq.s32 s7, s2  }
0x1e: {  	s7 =	smul.u32 @!p0 $0xF7A, s2;
	p2 =	seq.s32 @!p0 s5, $0x0  }
0x1f: {  	s9 =	smul.u32 $0xF7A, s1;
	s8 =	simm.s32 @!p0 $0x1BF5;
	p2 =	por !p2, p0  }
0x20: {  	[sflag:s8] =	ssyncset.s32 @!p0 $0xFFFFF086;
	s6 =	sadd.s32 @!p0 s3, s7;
	s7 =	simm.s32 @!p0 $0x108  }
0x21: {  	s3 =	sadd.s32 s3, s9;
	s6 =	sadd.s32 @!p0 $0x88, s6;
	s7 =	simm.s32 @p2 $0x1082  }
0x22: {  	[simem:s7], [sflag:s8] =	dma.local @!p0 [hbm:s6], $0xF7A  }
0x23: {  	s9 =	sor.u32 $0xD0000000, s2;
	s6 =	simm.s32 $0x108;
	_ =	swait.ge @!p0 [sflag:s8], $0x0  }
0x24: {  	s3 =	sadd.s32 $0x88, s3;
	s6 =	simm.s32 @!p1 $0x1082;
	[sflag:s4] =	ssyncset.s32 $0xFFFFF086  }
0x25: {  	[simem:s6], [sflag:s4] =	dma.local [hbm:s3], $0xF7A  }
0x26: {  	[smem:$0x3F9B] =	sst s1;
	(tag) =	ssettag s2;
	_ =	strace s9  }
0x27: {  	s1 =	sld [smem:$0x3FAB]  }
0x28: {  	s2 =	sld [smem:$0x3FAC]  }
0x29: {  	s4 =	sld [smem:$0x3FAE]  }
0x2a: {  	p0 =	seq.s32 s5, $0x0;
	s5 =	sld [smem:$0x3FAF]  }
0x2b: {  	s6 =	sld [smem:$0x3FB0]  }
0x2c: {  	s7 =	sld [smem:$0x3FB1]  }
0x2d: {  	s3 =	simm.s32 $0x108;
	s8 =	sld [smem:$0x3FB2]  }
0x2e: {  	s3 =	simm.s32 @!p0 $0x1082;
	s9 =	sld [smem:$0x3FB3]  }
0x2f: {  	lr =	sadd.s32 s0, s3;
	s0 =	sld [smem:$0x3FAA]  }
0x30: {  	s3 =	sld [smem:$0x3FAD]  }
0x31: {  	[smem:$0x3FB6] =	sst s10  }
0x32: {  	s10 =	sld [smem:$0x3FB4];
	_ =	sdelay $0x3  }
0x33: {  	p0 =	seq.s32 s10, $0x1;
	s10 =	sld [smem:$0x3FB6];
	_ =	sdelay $0x3  }
0x34: {  	[smem:$0x3FB6] =	sst s10  }
0x35: {  	s10 =	sld [smem:$0x3FB5];
	_ =	sdelay $0x3  }
0x36: {  	p1 =	seq.s32 s10, $0x1;
	s10 =	sld [smem:$0x3FB6];
	_ =	sdelay $0x3  }
0x37: {  	[smem:$0x3FB6] =	sst s10  }
0x38: {  	s10 =	sld [smem:$0x3FB7]  }
0x39: {  	_ = 	snop;
	(pc) =	sbr.ind lr, $3  }
0x3a: {  	_ = 	snop  }
0x3b: {  	_ = 	snop  }
0x3c: {  	p2 =	seq.s32 s10, $0x1;
	s10 =	sld [smem:$0x3FB6]  }
0x3d: {  	_ =	shalt  }
0x3e: {  	_ =	shalt  }
0x3f: {  	_ =	shalt  }
0x40: {  	_ =	shalt  }
0x41: {  	_ =	shalt  }
0x42: {  	_ =	shalt  }
0x43: {  	_ =	shalt  }
0x44: {  	_ =	shalt  }
0x45: {  	_ =	shalt  }
0x46: {  	_ =	shalt  }
0x47: {  	_ =	shalt  }
0x48: {  	_ =	shalt  }
0x49: {  	_ =	shalt  }
0x4a: {  	_ =	shalt  }
0x4b: {  	_ =	shalt  }
0x4c: {  	_ =	shalt  }
0x4d: {  	_ =	shalt  }
0x4e: {  	_ =	shalt  }
0x4f: {  	_ =	shalt  }
0x50: {  	_ =	shalt  }
0x51: {  	_ =	shalt  }
0x52: {  	_ =	shalt  }
0x53: {  	_ =	shalt  }
0x54: {  	_ =	shalt  }
0x55: {  	_ =	shalt  }
0x56: {  	_ =	shalt  }
0x57: {  	_ =	shalt  }
0x58: {  	_ =	shalt  }
0x59: {  	_ =	shalt  }
0x5a: {  	_ =	shalt  }
0x5b: {  	_ =	shalt  }
0x5c: {  	_ =	shalt  }
0x5d: {  	_ =	shalt  }
0x5e: {  	_ =	shalt  }
0x5f: {  	_ =	shalt  }
0x60: {  	_ =	shalt  }
0x61: {  	_ =	shalt  }
0x62: {  	_ =	shalt  }
0x63: {  	_ =	shalt  }
0x64: {  	_ =	shalt  }
0x65: {  	_ =	shalt  }
0x66: {  	_ =	shalt  }
0x67: {  	_ =	shalt  }
0x68: {  	_ =	shalt  }
0x69: {  	_ =	shalt  }
0x6a: {  	_ =	shalt  }
0x6b: {  	_ =	shalt  }
0x6c: {  	_ =	shalt  }
0x6d: {  	_ =	shalt  }
0x6e: {  	_ =	shalt  }
0x6f: {  	_ =	shalt  }
0x70: {  	_ =	shalt  }
0x71: {  	_ =	shalt  }
0x72: {  	_ =	shalt  }
0x73: {  	_ =	shalt  }
0x74: {  	_ =	shalt  }
0x75: {  	_ =	shalt  }
0x76: {  	_ =	shalt  }
0x77: {  	_ =	shalt  }
0x78: {  	_ =	shalt  }
0x79: {  	_ =	shalt  }
0x7a: {  	_ =	shalt  }
0x7b: {  	_ =	shalt  }
0x7c: {  	_ =	shalt  }
0x7d: {  	_ =	shalt  }
0x7e: {  	_ =	shalt  }
0x7f: {  	_ =	shalt  }
0x80: {  	_ =	shalt  }
0x81: {  	_ =	shalt  }
0x82: {  	_ =	shalt  }
0x83: {  	_ =	shalt  }
0x84: {  	_ =	shalt  }
0x85: {  	_ =	shalt  }
0x86: {  	_ =	shalt  }
0x87: {  	_ =	shalt  }
.Lfunc_end0:
.L_simem_size_0:
called_computation_lowered:
.L_overlay_start_0:
0x88: {  	s2 =	sld [smem:$0x3FD9]  }
0x89: {  	s3 =	sld [smem:$0x3FFE];
	_ =	sdelay $0x1  }
0x8a: {  	s1 =	srdreg.scid  }
0x8b: {  	s0 =	sand.u32 $0x1, s1  }
0x8c: {  	s16 =	sshll.u32 s0, $0xA;
	s2 =	sadd.s32 s3, s2  }
0x8d: {  	s2 =	sadd.s32 s2, s16  }
0x8e: {  	[smem:$0x3FC2] =	sst s2  }
0x8f: {  	_ = 	snop  }
0x90: {  	(tm) =	ssettm $0x1  }
0x91: {  	s17 =	sld [smem:$0x3FFB];
	_ =	sdelay $0x3  }
0x92: {  	_ =	strace s17  }
0x93: {  	s2 =	sld [smem:$0x3FFC];
	_ =	sdelay $0x3  }
0x94: {  	_ =	strace s2  }
0x95: {  	s2 =	sld [smem:$0x3FFD];
	_ =	sdelay $0x3  }
0x96: {  	_ =	strace s2  }
0x97: {  	_ =	strace $0x8FFFFFFF  }
0x98: {  	s18 =	sld [smem:$0x3FDB];
	_ =	sdelay $0x1  }
0x99: {  	s19 =	simm.s32 $_scs_section_size  }
0x9a: {  	s4 =	simm.s32 $_size__tile_overlayer_lowered;
	s5 =	simm.s32 $_tile_overlayer_lowered  }
0x9b: {  	s22 =	simm.s32 $0x1BFF;
	s21 =	sshll.u32 s5, $0x1;
	s2 =	sadd.s32 s19, s18  }
0x9c: {  	s6 =	simm.s32 $0x0;
	s20 =	sshll.u32 s4, $0x1;
	s4 =	sadd.s32 s21, s2  }
0x9d: {  	[timem:s6], [sflag:s22] =	dma.local [hbm:s4], s20  }
0x9e: {  	_ =	swait.ge [sflag:s22], s20  }
0x9f: {  	s3 =	ssub.s32 $0x0, s20;
	[sflag:s22] =	ssyncset.done $0x0  }
0xa0: {  	[sflag:s22] =	ssyncadd.s32 s3;
	_ =	sdelay $0x1  }
0xa1: {  	s23 =	simm.s32 $0x1B8B  }
0xa2: {  	_ =	swait.ge [sflag:s23], $0x1  }
0xa3: {  	[sflag:s23] =	ssyncset.done $0x0  }
0xa4: {  	s25 =	simm.s32 $0x1B8E;
	s24 =	sld [smem:$0x3FFE];
	[sflag:s23] =	ssyncadd.s32 $0xFFFFFFFF  }
0xa5: {  	s26 =	simm.s32 $execute0_lowered;
	[smem:$0x3FD2] =	sst s25  }
0xa6: {  	s4 =	sshll.u32 s26, $0x1;
	_ =	strace $0x80000046;
	[dreg:$0x1] =	wrdreg $0xFFFFFFFF  }
0xa7: {  	s28 =	simm.s32 $_size_execute0_lowered;
	s2 =	sadd.s32 s2, s4;
	[dreg:$0x0] =	wrdreg $0x0  }
0xa8: {  	s4 =	sshll.u32 s28, $0x1;
	[dreg:$0x2] =	wrdreg s2  }
0xa9: {  	[dreg:$0x3] =	wrdreg s4  }
0xaa: {  	[dreg:$0x4] =	wrdreg $0xC0  }
0xab: {  	_ =	task [dreg:s6], $0x5FFFF  }
0xac: {  	[dreg:$0x1] =	wrdreg $0xFFFFFFFF  }
0xad: {  	[dreg:$0x0] =	wrdreg $0x60  }
0xae: {  	[dreg:$0x2] =	wrdreg s24  }
0xaf: {  	[dreg:$0x3] =	wrdreg $0x2B000  }
0xb0: {  	[dreg:$0x4] =	wrdreg $0x9  }
0xb1: {  	_ =	task.clear_ibuf [dreg:s6], $0x5FFFF;
	_ =	strace $0x90000046  }
0xb2: {  	s29 =	simm.s32 $0x9;
	_ =	strace $0x80000048  }
0xb3: {  	_ =	swait.ge [sflag:s29], $0x1  }
0xb4: {  	[sflag:s29] =	ssyncadd.s32 $0xFFFFFFFF  }
0xb5: {  	_ =	strace $0x90000048  }
0xb6: {  	_ =	sfence  }
0xb7: {  	s30 =	sld [smem:$0x0];
	_ =	sdelay $0x2  }
0xb8: {  	s31 =	sshll.u32 s1, $0xD;
	s1 =	sshrl.u32 s1, $0x2  }
0xb9: {  	s3 =	sand.u32 $0x4000, s31;
	s1 =	sadd.s32 s1, s30  }
0xba: {  	s0 =	sor.u32 s3, s0;
	s1 =	sshll.u32 s1, $0x11  }
0xbb: {  	s0 =	sor.u32 s1, s0  }
0xbc: {  	s0 =	sadd.s32 $0x8F2B, s0  }
0xbd: {  	[sflag:s0] =	ssyncadd.remote.s32 $0x1  }
0xbe: {  	_ =	sfence.sel $0xFFFF  }
0xbf: {  	[dreg:$0x0] =	wrdreg $0xFFFFFFFF;
	(pc) =	sbr.abs _section_cstart, $3  }
0xc0: {  	[dreg:$0x1] =	wrdreg $0xFFFFFFFF  }
0xc1: {  	_ =	task.clear_ibuf [dreg:s6], $0x2FFFF;
	_ =	strace $0x9FFFFFFF  }
0xc2: {  	(tm) =	ssettm $0x7FFFFFFF  }
0xc3: {  	_ =	shalt  }
tec
execute0_lowered:
.L_overlay_start_1:
0x0: {  	(tag) =	ssettag $0x1  }
0x1: {  	s4 =	rddreg [dreg:$0x0]  }
0x2: {  	s1 =	rddreg [dreg:$0x1]  }
0x3: {  	s2 =	srdreg.scid;
	s0 =	rddreg [dreg:$0x2];
	s3 =	simm.s32 $0x0  }
0x4: {  	s10 =	simm.s32 $0x80;
	s11 =	simm.s32 $0x2800;
	s12 =	simm.s32 $0x1  }
0x5: {  	s15 =	simm.s32 $0x20;
	s16 =	simm.s32 $0x10;
	s17 =	simm.s32 $0x0  }
0x6: {  	s5 =	sand.u32 $0x1, s2;
	s2 =	stileid.u32;
	[smem:$0x7FF] =	sst s3  }
0x7: {  	s6 =	sshll.u32 s5, $0x4;
	s7 =	smul.u32 $0x500, s2;
	_ =	strace $0x80000047  }
0x8: {  	s8 =	sshll.u32 s5, $0x7;
	s5 =	ssub.s32 $0x2, s5;
	s30 =	smul.u32 $0xA00, s2  }
0x9: {  	s13 =	sshll.u32 s2, $0x6;
	s6 =	sor.u32 s2, s6;
	s9 =	sshrl.u32 s5, $0x1  }
0xa: {  	s13 =	sor.u32 $0x1C02, s13;
	s6 =	smul.u32 $0x500, s6;
	s7 =	sor.u32 s8, s7  }
0xb: {  	s9 =	ssub.s32 s5, s9;
	s31 =	sshrl.u32 s30, $0x2;
	s7 =	sshrl.u32 s7, $0x3  }
0xc: {  	s8 =	simm.s32 $0x2880;
	s6 =	sadd.s32 s6, s4;
	s7 =	sadd.s32 s7, s4  }
0xd: {  	s4 =	sadd.s32 s31, s1;
	s5 =	sadd.s32 $0x1000, s6;
	s6 =	sadd.s32 $0x15000, s7  }
0xe: {  	v0 =	vimm.f32 $0.0e+00;
	v1 =	vimm.f32 $1.000000000e+00;
	s7 =	smax.u32 s9, $0x1;
	s9 =	simm.s32 $0x2;
	s14 =	sshrl.u32 s4, $0x3  }
.LBB2_1:
0xf: {  	[tilespmem:$0x2880] =	vst v0  }
0x10: {  	[tilespmem:$0x2890] =	vst v0  }
0x11: {  	[tilespmem:$0x28A0] =	vst v0  }
0x12: {  	[tilespmem:$0x28B0] =	vst v0  }
0x13: {  	[tilespmem:$0x28C0] =	vst v0  }
0x14: {  	[tilespmem:$0x28D0] =	vst v0  }
0x15: {  	[tilespmem:$0x28E0] =	vst v0  }
0x16: {  	[tilespmem:$0x28F0] =	vst v0  }
0x17: {  	[tilespmem:$0x2900] =	vst v0  }
0x18: {  	[tilespmem:$0x2910] =	vst v0  }
0x19: {  	[tilespmem:$0x2920] =	vst v0  }
0x1a: {  	[tilespmem:$0x2930] =	vst v0  }
0x1b: {  	[tilespmem:$0x2940] =	vst v0  }
0x1c: {  	[tilespmem:$0x2950] =	vst v0  }
0x1d: {  	[tilespmem:$0x2960] =	vst v0  }
0x1e: {  	[tilespmem:$0x2970] =	vst v0  }
0x1f: {  	[tilespmem:$0x2980] =	vst v0  }
0x20: {  	[tilespmem:$0x2990] =	vst v0  }
0x21: {  	[tilespmem:$0x29A0] =	vst v0  }
0x22: {  	[tilespmem:$0x29B0] =	vst v0  }
0x23: {  	[tilespmem:$0x29C0] =	vst v0  }
0x24: {  	[tilespmem:$0x29D0] =	vst v0  }
0x25: {  	[tilespmem:$0x29E0] =	vst v0  }
0x26: {  	[tilespmem:$0x29F0] =	vst v0  }
0x27: {  	[tilespmem:$0x2A00] =	vst v0  }
0x28: {  	[tilespmem:$0x2A10] =	vst v0  }
0x29: {  	[tilespmem:$0x2A20] =	vst v0  }
0x2a: {  	[tilespmem:$0x2A30] =	vst v0  }
0x2b: {  	[tilespmem:$0x2A40] =	vst v0  }
0x2c: {  	[tilespmem:$0x2A50] =	vst v0  }
0x2d: {  	[tilespmem:$0x2A60] =	vst v0  }
0x2e: {  	[tilespmem:$0x2A70] =	vst v0  }
0x2f: {  	[tilespmem:$0x2A80] =	vst v0  }
0x30: {  	[tilespmem:$0x2A90] =	vst v0  }
0x31: {  	[tilespmem:$0x2AA0] =	vst v0  }
0x32: {  	[tilespmem:$0x2AB0] =	vst v0  }
0x33: {  	[tilespmem:$0x2AC0] =	vst v0  }
0x34: {  	[tilespmem:$0x2AD0] =	vst v0  }
0x35: {  	[tilespmem:$0x2AE0] =	vst v0  }
0x36: {  	[tilespmem:$0x2AF0] =	vst v0  }
0x37: {  	[tilespmem:$0x2800] =	vst v1  }
0x38: {  	[tilespmem:$0x2810] =	vst v1  }
0x39: {  	[tilespmem:$0x2820] =	vst v1  }
0x3a: {  	[tilespmem:$0x2830] =	vst v1  }
0x3b: {  	[tilespmem:$0x2840] =	vst v1  }
0x3c: {  	[tilespmem:$0x2850] =	vst v1  }
0x3d: {  	[tilespmem:$0x2860] =	vst v1  }
0x3e: {  	[tilespmem:$0x2870] =	vst v1  }
0x3f: {  	[spmem:s4] =	stream.linear.scatter [tilespmem:s8], [sflag:$0x2], $0x280, $0x38;
	[tilespmem:$0x2D80] =	vst v63  }
0x40: {  	_ =	swait.ge [sflag:s9], $0x280  }
0x41: {  	[sflag:s9] =	ssyncset.done $0x0  }
0x42: {  	[sflag:s9] =	ssyncadd.s32 $0xFFFFFD80  }
0x43: {  	[bflag:$0x0] =	sbarrier.arrive $0xFFFF  }
0x44: {  	[tilespmem:s3], [sflag:$0x2] =	stream.linear.gather [hbm4b:s5+s3], $0x2800, $0x38;
	[tilespmem:$0x2D80] =	vst v63  }
0x45: {  	_ =	swait.ge [sflag:s9], $0x2800  }
0x46: {  	[sflag:s9] =	ssyncset.done $0x0  }
0x47: {  	s18 =	simm.s32 $0x0;
	[sflag:s9] =	ssyncadd.s32 $0xFFFFD800  }
0x48: {  	[spmem:s1] =	stream.indirect.scatter.add.f32 [tilespmem:s11], [sflag:$0x1], $0x1, s18, s10, $0xb8;
	[tilespmem:$0x2D80] =	vst v63  }
0x49: {  	s29 =	simm.s32 $0x80  }
0x4a: {  	[spmem:s1] =	stream.indirect.scatter.add.f32 [tilespmem:s11], [sflag:$0x1], $0x1, s29, s10, $0xb8;
	[tilespmem:$0x2D80] =	vst v63  }
0x4b: {  	s30 =	simm.s32 $0x100  }
0x4c: {  	[spmem:s1] =	stream.indirect.scatter.add.f32 [tilespmem:s11], [sflag:$0x1], $0x1, s30, s10, $0xb8;
	[tilespmem:$0x2D80] =	vst v63  }
0x4d: {  	s31 =	simm.s32 $0x180  }
0x4e: {  	[spmem:s1] =	stream.indirect.scatter.add.f32 [tilespmem:s11], [sflag:$0x1], $0x1, s31, s10, $0xb8;
	[tilespmem:$0x2D80] =	vst v63  }
0x4f: {  	_ =	swait.ge [sflag:s12], $0x80  }
0x50: {  	[sflag:s12] =	ssyncset.done $0x0  }
0x51: {  	[sflag:s12] =	ssyncadd.s32 $0xFFFFFF80  }
0x52: {  	_ =	swait.ge [sflag:s12], $0x80  }
0x53: {  	[sflag:s12] =	ssyncset.done $0x0  }
0x54: {  	[sflag:s12] =	ssyncadd.s32 $0xFFFFFF80  }
0x55: {  	_ =	swait.ge [sflag:s12], $0x80  }
0x56: {  	[sflag:s12] =	ssyncset.done $0x0  }
0x57: {  	[sflag:s12] =	ssyncadd.s32 $0xFFFFFF80  }
0x58: {  	_ =	swait.ge [sflag:s12], $0x80  }
0x59: {  	s19 =	simm.s32 $0x1000;
	s18 =	simm.s32 $0x800;
	[sflag:s12] =	ssyncset.done $0x0  }
.LBB2_2:
0x5a: {  	s20 =	sshra.s32 s18, $0x2  }
0x5b: {  	[sflag:s12] =	ssyncadd.s32 $0xFFFFFF80;
	s18 =	smov.u32 s19;
	s21 =	sadd.s32 $0x800, s19  }
0x5c: {  	[spmem:s1] =	stream.indirect.scatter.add.f32 [tilespmem:s11], [sflag:$0x1], $0x1, s20, s10, $0xb8;
	[tilespmem:$0x2D80] =	vst v63  }
0x5d: {  	p0 =	sne.s32 s19, $0x9800;
	s19 =	sadd.s32 $0x80, s20  }
0x5e: {  	[spmem:s1] =	stream.indirect.scatter.add.f32 [tilespmem:s11], [sflag:$0x1], $0x1, s19, s10, $0xb8;
	[tilespmem:$0x2D80] =	vst v63  }
0x5f: {  	s19 =	sadd.s32 $0x100, s20  }
0x60: {  	[spmem:s1] =	stream.indirect.scatter.add.f32 [tilespmem:s11], [sflag:$0x1], $0x1, s19, s10, $0xb8;
	[tilespmem:$0x2D80] =	vst v63  }
0x61: {  	s19 =	sadd.s32 $0x180, s20  }
0x62: {  	[spmem:s1] =	stream.indirect.scatter.add.f32 [tilespmem:s11], [sflag:$0x1], $0x1, s19, s10, $0xb8;
	[tilespmem:$0x2D80] =	vst v63  }
0x63: {  	_ =	swait.ge [sflag:s12], $0x80  }
0x64: {  	[sflag:s12] =	ssyncset.done $0x0  }
0x65: {  	[sflag:s12] =	ssyncadd.s32 $0xFFFFFF80  }
0x66: {  	_ =	swait.ge [sflag:s12], $0x80  }
0x67: {  	[sflag:s12] =	ssyncset.done $0x0  }
0x68: {  	[sflag:s12] =	ssyncadd.s32 $0xFFFFFF80  }
.Ltmp0:
0x69: {  	_ =	swait.ge [sflag:s12], $0x80;
	(pc) =	sbr.rel @p0 .LBB2_2-.Ltmp0, $4  }
0x6a: {  	[sflag:s12] =	ssyncset.done $0x0  }
0x6b: {  	[sflag:s12] =	ssyncadd.s32 $0xFFFFFF80  }
0x6c: {  	_ =	swait.ge [sflag:s12], $0x80  }
0x6d: {  	s19 =	smov.u32 s21;
	[sflag:s12] =	ssyncset.done $0x0  }
0x6e: {  	s18 =	sshra.s32 s18, $0x2;
	[sflag:s12] =	ssyncadd.s32 $0xFFFFFF80  }
0x6f: {  	[spmem:s1] =	stream.indirect.scatter.add.f32 [tilespmem:s11], [sflag:$0x1], $0x1, s18, s10, $0xb8;
	[tilespmem:$0x2D80] =	vst v63  }
0x70: {  	s19 =	sadd.s32 $0x80, s18  }
0x71: {  	[spmem:s1] =	stream.indirect.scatter.add.f32 [tilespmem:s11], [sflag:$0x1], $0x1, s19, s10, $0xb8;
	[tilespmem:$0x2D80] =	vst v63  }
0x72: {  	s31 =	sadd.s32 $0x100, s18  }
0x73: {  	[spmem:s1] =	stream.indirect.scatter.add.f32 [tilespmem:s11], [sflag:$0x1], $0x1, s31, s10, $0xb8;
	[tilespmem:$0x2D80] =	vst v63  }
0x74: {  	s18 =	sadd.s32 $0x180, s18  }
0x75: {  	[spmem:s1] =	stream.indirect.scatter.add.f32 [tilespmem:s11], [sflag:$0x1], $0x1, s18, s10, $0xb8;
	[tilespmem:$0x2D80] =	vst v63  }
0x76: {  	_ =	swait.ge [sflag:s12], $0x80  }
0x77: {  	[sflag:s12] =	ssyncset.done $0x0  }
0x78: {  	[sflag:s12] =	ssyncadd.s32 $0xFFFFFF80  }
0x79: {  	_ =	swait.ge [sflag:s12], $0x80  }
0x7a: {  	[sflag:s12] =	ssyncset.done $0x0  }
0x7b: {  	[sflag:s12] =	ssyncadd.s32 $0xFFFFFF80  }
0x7c: {  	_ =	swait.ge [sflag:s12], $0x80  }
0x7d: {  	[sflag:s12] =	ssyncset.done $0x0  }
0x7e: {  	[sflag:s12] =	ssyncadd.s32 $0xFFFFFF80  }
0x7f: {  	_ =	swait.ge [sflag:s12], $0x80  }
0x80: {  	s17 =	sadd.s32 $0x1, s17;
	[sflag:s12] =	ssyncset.done $0x0  }
0x81: {  	p0 =	sne.s32 s17, s7;
	[sflag:s12] =	ssyncadd.s32 $0xFFFFFF80  }
.Ltmp1:
0x82: {  	[bflag:$0x0] =	sbarrier.arrive $0xFFFF;
	(pc) =	sbr.rel @p0 .LBB2_1-.Ltmp1, $4  }
0x83: {  	[hbm:s6@s15], [sflag:s13] =	dma.strided [spmem:s14@s16], $0x50, s12, $0x10   }
0x84: {  	_ =	swait.ge [sflag:s9], $0x50  }
0x85: {  	[sflag:s9] =	ssyncset.done $0x0  }
0x86: {  	[sflag:s9] =	ssyncadd.s32 $0xFFFFFFB0  }
0x87: {  	_ =	sfence.sel $0x180000  }
0x88: {  	[bflag:$0x0] =	sbarrier.arrive $0xFFFF  }
0x89: {  	p0 =	sne.s32 s2, $0x0;
	_ =	strace $0x90000047  }
0x8a: {  	s0 =	sadd.s32 @!p0 $0x100000, s0;
	[bflag:$0x2] =	sbarrier.arrive $0xFFFF  }
0x8b: {  	[sflag:s0] =	ssyncadd.tile.s32 @!p0 $0x1;
	_ =	shalt  }
.Lfunc_end2:
_tile_overlayer_lowered:
.L_overlay_start_2:
0x8c: {  	(tag) =	ssettag $0x2  }
0x8d: {  	s0 =	rddreg [dreg:$0x0];
	s2 =	stileid.u32  }
0x8e: {  	s1 =	rddreg [dreg:$0x1];
	p0 =	sne.s32 s2, $0x0  }
0x8f: {  	s3 =	rddreg [dreg:$0x2];
	[bflag:$0x3] =	sbarrier.arrive $0xFFFF;
	s2 =	simm.s32 @!p0 $0x1C02  }
0x90: {  	[timem:s3], [sflag:s2] =	dma.local @!p0 [hbm:s0], s1  }
0x91: {  	s0 =	simm.s32 @!p0 $0x2  }
0x92: {  	_ =	swait.ge @!p0 [sflag:s0], s1  }
0x93: {  	s1 =	ssub.s32 @!p0 $0x0, s1;
	[sflag:s0] =	ssyncset.done @!p0 $0x0  }
0x94: {  	[sflag:s0] =	ssyncadd.s32 @!p0 s1  }
0x95: {  	[bflag:$0x3] =	sbarrier.arrive $0xFFFF  }
0x96: {  	_ =	shalt  }

</sc_bundles>
